<compile_context>
chip_gen: v7x
topology: tpu7x:2x2x1
jax: 0.10.2.dev20260603
libtpu: 0.0.44.dev20260713+nightly
codegen_flags: <defaults>
</compile_context>

<pallas_src>
import functools

import jax
import jax.numpy as jnp
from jax import lax
from jax.experimental import pallas as pl
from jax.experimental.pallas import tpu as pltpu
from jax.experimental.pallas import tpu_sc as plsc

F32 = jnp.float32

_N = 10000
_E = 320000
_B = 125
_NC = 2
_NS = 16
_NW = _NC * _NS
_RPW = _E // (_B * _NW)
_RPT = _N // _NS
_BLK = 1000


@functools.cache
def _make_agg(D, gather, dtype=F32):
  lanes = 32 if dtype == jnp.bfloat16 else 16
  mesh = plsc.VectorSubcoreMesh(core_axis_name="c", subcore_axis_name="s")
  nsec = 1
  srpw = _RPW // nsec
  scratch = []
  nbuf = 8 if gather else 4
  if gather:
    scratch.append(pltpu.VMEM((srpw, _B), jnp.int32))
  scratch += [
      pltpu.VMEM((srpw, _B), jnp.int32),
  ]
  scratch += [pltpu.VMEM((_B, D), dtype)] * nbuf
  scratch += [pltpu.VMEM_SHARED((_N, D), dtype)]
  scratch += [pltpu.SemaphoreType.DMA] * (2 * nbuf)

  def body(*refs):
    if gather:
      (vals_hbm, src_hbm, dst_hbm, out_hbm, src_v, dst_v) = refs[:6]
      rest = refs[6:]
    else:
      (dst_hbm, out_hbm, dst_v) = refs[:3]
      rest = refs[3:]
    rows = rest[:nbuf]
    acc = rest[nbuf]
    gsem = rest[nbuf + 1:nbuf + 1 + nbuf]
    ssem = rest[nbuf + 1 + nbuf:]
    rows_v = rows[0]
    sem = gsem[0]
    cid = lax.axis_index("c")
    tid = lax.axis_index("s")
    wid = tid * _NC + cid

    def zero_row(r, carry):
      for j in range(D // lanes):
        rows_v[r, pl.ds(j * lanes, lanes)] = jnp.zeros((lanes,), dtype)
      return carry
    lax.fori_loop(0, _B, zero_row, 0)
    for k in range(_RPT // _B):
      pltpu.sync_copy(rows_v, acc.at[pl.ds(tid * _RPT + k * _B, _B)])
    plsc.subcore_barrier()

    if gather:
      for s in range(nsec):
        base = wid * _RPW + s * srpw
        pltpu.sync_copy(dst_hbm.at[pl.ds(base, srpw)], dst_v)
        pltpu.sync_copy(src_hbm.at[pl.ds(base, srpw)], src_v)
        for i in range(nbuf):
          pltpu.async_copy(vals_hbm.at[src_v.at[i]], rows[i], gsem[i])

        def chunkn(k, carry):
          c = k * nbuf
          for i in range(nbuf):
            pltpu.make_async_copy(
                vals_hbm.at[src_v.at[c + i]], rows[i], gsem[i]).wait()
            pltpu.async_copy(rows[i], acc.at[dst_v.at[c + i]], ssem[i],
                             add=True)
          for i in range(nbuf):
            pltpu.make_async_copy(
                rows[i], acc.at[dst_v.at[c + i]], ssem[i]).wait()

            @pl.when(c + nbuf + i < srpw)
            def _():
              pltpu.async_copy(
                  vals_hbm.at[src_v.at[c + nbuf + i]], rows[i], gsem[i])
          return carry
        lax.fori_loop(0, srpw // nbuf, chunkn, 0)
    else:
      pltpu.sync_copy(dst_hbm.at[pl.ds(wid * _RPW, _RPW)], dst_v)

      def ones_row(r, carry):
        for j in range(D // lanes):
          rows_v[r, pl.ds(j * lanes, lanes)] = jnp.ones((lanes,), dtype)
        return carry
      lax.fori_loop(0, _B, ones_row, 0)

      def batch(b, carry):
        for k in range(8):
          pltpu.async_copy(rows_v, acc.at[dst_v.at[b * 8 + k]], sem, add=True)
        for k in range(8):
          pltpu.make_async_copy(rows_v, acc.at[dst_v.at[b * 8 + k]], sem).wait()
        return carry
      lax.fori_loop(0, _RPW // 8, batch, 0)
    plsc.subcore_barrier()

    pltpu.sync_copy(acc.at[pl.ds(tid * _RPT, _RPT)],
                    out_hbm.at[cid, pl.ds(tid * _RPT, _RPT)])

  return functools.partial(
      pl.kernel,
      mesh=mesh,
      out_type=jax.ShapeDtypeStruct((_NC, _N, D), dtype),
      scratch_types=scratch,
      compiler_params=pltpu.CompilerParams(use_tc_tiling_on_sc=False),
  )(body)


def _row_spec(d):
  return pl.BlockSpec((_BLK, d), lambda i: (i, 0))


def _part_spec(d):
  return pl.BlockSpec((_NC, _BLK, d), lambda i: (0, i, 0))


def _full_spec(a, b):
  return pl.BlockSpec((a, b), lambda i: (0, 0))


def _tc0_body(x_r, we1, be1, wc, bc, wd1, bd1, wxb, bxb,
              enc_o, z_o, xbar_o):
  x = x_r[...]
  enc = jnp.maximum(jnp.dot(x, we1[...], preferred_element_type=F32) + be1[...], 0.0)
  enc_o[...] = enc
  z = jnp.dot(enc, wc[...], preferred_element_type=F32) + bc[...]
  z_o[...] = z
  dec = jnp.maximum(jnp.dot(z, wd1[...], preferred_element_type=F32) + bd1[...], 0.0)
  xbar_o[...] = jnp.dot(dec, wxb[...], preferred_element_type=F32) + bxb[...]


def _tc0(x, W_enc1, b_enc1, W_class, b_class, W_dec1, b_dec1, W_xbar, b_xbar):
  return pl.pallas_call(
      _tc0_body,
      grid=(_N // _BLK,),
      in_specs=[
          _row_spec(128),
          _full_spec(128, 256), _full_spec(1, 256),
          _full_spec(256, 64), _full_spec(1, 64),
          _full_spec(64, 256), _full_spec(1, 256),
          _full_spec(256, 128), _full_spec(1, 128),
      ],
      out_specs=[_row_spec(256), _row_spec(64), _row_spec(128)],
      out_shape=[
          jax.ShapeDtypeStruct((_N, 256), F32),
          jax.ShapeDtypeStruct((_N, 64), F32),
          jax.ShapeDtypeStruct((_N, 128), F32),
      ],
  )(x, W_enc1, b_enc1, W_class, b_class, W_dec1, b_dec1, W_xbar, b_xbar)


def _tc1_body(x_r, dg_r, xs_o, dis_o):
  x = x_r[...]
  deg = dg_r[0, :, 0:1] + dg_r[1, :, 0:1] + 1.0
  dis = lax.rsqrt(deg)
  dis_o[...] = dis
  xs_o[...] = (x * dis).astype(jnp.bfloat16)


def _tc1(x, degp):
  return pl.pallas_call(
      _tc1_body,
      grid=(_N // _BLK,),
      in_specs=[_row_spec(128), _part_spec(16)],
      out_specs=[_row_spec(128), _row_spec(1)],
      out_shape=[
          jax.ShapeDtypeStruct((_N, 128), jnp.bfloat16),
          jax.ShapeDtypeStruct((_N, 1), F32),
      ],
  )(x, degp)


def _tc2_body(acc_r, x_r, dis_r, enc_r, z_r, wg1, bg1, wg2, wpnd,
              m2_o, m3_o, mc_o):
  dis = dis_r[...]
  a = acc_r[0].astype(F32) + acc_r[1].astype(F32)
  out1 = dis * a + (dis * dis) * x_r[...]
  h1 = jnp.dot(out1, wg1[...], preferred_element_type=F32) + bg1[...]
  u = 0.5 * h1 + 0.5 * enc_r[...]
  m2 = jnp.dot(u, wg2[...], preferred_element_type=F32)
  m3 = jnp.dot(z_r[...], wpnd[...], preferred_element_type=F32)
  m2_o[...] = m2
  m3_o[...] = m3
  mc_o[...] = jnp.concatenate(
      [m2 * dis, m3 * dis, jnp.zeros((_BLK, 15), F32)], axis=1
  ).astype(jnp.bfloat16)


def _tc2(acc1, x, dis, enc, z, W_g1, b_g1, W_g2, W_pnd):
  return pl.pallas_call(
      _tc2_body,
      grid=(_N // _BLK,),
      in_specs=[
          _part_spec(128), _row_spec(128), _row_spec(1),
          _row_spec(256), _row_spec(64),
          _full_spec(128, 256), _full_spec(1, 256),
          _full_spec(256, 16), _full_spec(64, 1),
      ],
      out_specs=[_row_spec(16), _row_spec(1), _row_spec(32)],
      out_shape=[
          jax.ShapeDtypeStruct((_N, 16), F32),
          jax.ShapeDtypeStruct((_N, 1), F32),
          jax.ShapeDtypeStruct((_N, 32), jnp.bfloat16),
      ],
  )(acc1, x, dis, enc, z, W_g1, b_g1, W_g2, W_pnd)


def _tc3_body(acc_r, m2_r, m3_r, dis_r, bg2, bpnd, pred_o, hp_o):
  dis = dis_r[...]
  d2 = dis * dis
  a = acc_r[0].astype(F32) + acc_r[1].astype(F32)
  h2 = dis * a[:, 0:16] + d2 * m2_r[...] + bg2[...]
  mx = jnp.max(h2, axis=1, keepdims=True)
  e = h2 - mx
  lse = jnp.log(jnp.sum(jnp.exp(e), axis=1, keepdims=True))
  pred_o[...] = e - lse
  hp_o[...] = dis * a[:, 16:17] + d2 * m3_r[...] + bpnd[...]


def _tc3(acc2, m2, m3, dis, b_g2, b_pnd):
  return pl.pallas_call(
      _tc3_body,
      grid=(_N // _BLK,),
      in_specs=[
          _part_spec(32), _row_spec(16), _row_spec(1), _row_spec(1),
          _full_spec(1, 16), _full_spec(1, 1),
      ],
      out_specs=[_row_spec(16), _row_spec(1)],
      out_shape=[
          jax.ShapeDtypeStruct((_N, 16), F32),
          jax.ShapeDtypeStruct((_N, 1), F32),
      ],
  )(acc2, m2, m3, dis, b_g2, b_pnd)


def kernel(x, edge_index, W_enc1, b_enc1, W_class, b_class, W_dec1, b_dec1,
           W_xbar, b_xbar, W_g1, b_g1, W_g2, b_g2, W_pnd, b_pnd):
  ei = edge_index.astype(jnp.int32)
  src2d = ei[0].reshape(_E // _B, _B)
  dst2d = ei[1].reshape(_E // _B, _B)

  degp = _make_agg(16, gather=False)(dst2d)
  enc, z, x_bar = _tc0(
      x, W_enc1, b_enc1.reshape(1, -1), W_class, b_class.reshape(1, -1),
      W_dec1, b_dec1.reshape(1, -1), W_xbar, b_xbar.reshape(1, -1))
  xs, dis = _tc1(x, degp)
  acc1 = _make_agg(128, gather=True, dtype=jnp.bfloat16)(xs, src2d, dst2d)
  m2, m3, mc = _tc2(acc1, x, dis, enc, z, W_g1, b_g1.reshape(1, -1), W_g2, W_pnd)
  acc2 = _make_agg(32, gather=True, dtype=jnp.bfloat16)(mc, src2d, dst2d)
  predict, h_pred_nd = _tc3(acc2, m2, m3, dis,
                            b_g2.reshape(1, -1), b_pnd.reshape(1, -1))
  return (x_bar, predict, h_pred_nd)

# --- scband reference (transcript-rebuilt; emitter-appended) ---
"""Pipeline reference for scband-eas-gcn-41154376630515 (READ-ONLY COPY).

The authoritative reference and input builder live on the scoring server;
editing this copy changes nothing except your own understanding.
"""

import jax, jax.numpy as jnp
import numpy as np

N = 10000
E = 320000
D_IN = 128
N_ENC1 = 256
N_HIDDEN = 64
N_DEC1 = 256
N_CLASS = 16
P = 0.5


def _glorot(key, fan_in, fan_out):
    lim = float(np.sqrt(6.0 / (fan_in + fan_out)))
    return jax.random.uniform(key, (fan_in, fan_out), jnp.float32, -lim, lim)


def setup_inputs(seed: int = 0):
    key = jax.random.key(seed)
    ks = jax.random.split(key, 12)
    inp = {}
    inp['x'] = jax.random.normal(ks[0], (N, D_IN), jnp.float32)
    inp['edge_index'] = jax.random.randint(ks[1], (2, E), 0, N)
    inp['W_enc1'] = _glorot(ks[2], D_IN, N_ENC1)
    inp['b_enc1'] = jnp.zeros((N_ENC1,), jnp.float32)
    inp['W_class'] = _glorot(ks[3], N_ENC1, N_HIDDEN)
    inp['b_class'] = jnp.zeros((N_HIDDEN,), jnp.float32)
    inp['W_dec1'] = _glorot(ks[4], N_HIDDEN, N_DEC1)
    inp['b_dec1'] = jnp.zeros((N_DEC1,), jnp.float32)
    inp['W_xbar'] = _glorot(ks[5], N_DEC1, D_IN)
    inp['b_xbar'] = jnp.zeros((D_IN,), jnp.float32)
    inp['W_g1'] = _glorot(ks[6], D_IN, N_ENC1)
    inp['b_g1'] = jnp.zeros((N_ENC1,), jnp.float32)
    inp['W_g2'] = _glorot(ks[7], N_ENC1, N_CLASS)
    inp['b_g2'] = jnp.zeros((N_CLASS,), jnp.float32)
    inp['W_pnd'] = _glorot(ks[8], N_HIDDEN, 1)
    inp['b_pnd'] = jnp.zeros((1,), jnp.float32)
    return inp


def _gcn(h, src, dst, dis, W, b):
    # GCNConv: sym-normalized adjacency with self-loops; out = A_hat (h W) + b
    h = h @ W
    norm = dis[src] * dis[dst]
    msg = h[src] * norm[:, None]
    out = jnp.zeros_like(h).at[dst].add(msg)
    out = out + h * (dis * dis)[:, None]  # self-loop term
    return out + b


def reference(x, edge_index, W_enc1, b_enc1, W_class, b_class, W_dec1, b_dec1,
              W_xbar, b_xbar, W_g1, b_g1, W_g2, b_g2, W_pnd, b_pnd):
    src = edge_index[0]
    dst = edge_index[1]
    deg = jnp.zeros((N,), jnp.float32).at[dst].add(1.0) + 1.0  # + self loop
    dis = jax.lax.rsqrt(deg)
    # AE branch (eval mode: dropout is identity)
    enc_h1 = jax.nn.relu(x @ W_enc1 + b_enc1)
    z = enc_h1 @ W_class + b_class
    dec_h1 = jax.nn.relu(z @ W_dec1 + b_dec1)
    x_bar = dec_h1 @ W_xbar + b_xbar
    # GCN branch (use_mlp == False path)
    h = _gcn(x, src, dst, dis, W_g1, b_g1)
    h = _gcn((1.0 - P) * h + P * enc_h1, src, dst, dis, W_g2, b_g2)
    h_pred_nd = _gcn(z, src, dst, dis, W_pnd, b_pnd)
    predict = jax.nn.log_softmax(h, axis=1)
    return (x_bar, predict, h_pred_nd)

if __name__ == "__main__":
    import jax
    _d = setup_inputs()
    print(jax.jit(kernel)(*tuple(_d.values())))

</pallas_src>

<mosaic_0001>
#map = affine_map<(d0, d1) -> (0, 0)>
#map1 = affine_map<(d0, d1) -> (0, 0, 0)>
module attributes {stable_mosaic.version = 14 : i64} {
  func.func @body(%arg0: i32, %arg1: i32, %arg2: memref<10000x32xbf16, #tpu.memory_space<hbm>>, %arg3: memref<2560x125xi32, #tpu.memory_space<hbm>>, %arg4: memref<2560x125xi32, #tpu.memory_space<hbm>>, %arg5: memref<2x10000x32xbf16, #tpu.memory_space<hbm>>, %arg6: memref<80x125xi32, #tpu.memory_space<vmem>>, %arg7: memref<80x125xi32, #tpu.memory_space<vmem>>, %arg8: memref<125x32xbf16, #tpu.memory_space<vmem>>, %arg9: memref<125x32xbf16, #tpu.memory_space<vmem>>, %arg10: memref<125x32xbf16, #tpu.memory_space<vmem>>, %arg11: memref<125x32xbf16, #tpu.memory_space<vmem>>, %arg12: memref<125x32xbf16, #tpu.memory_space<vmem>>, %arg13: memref<125x32xbf16, #tpu.memory_space<vmem>>, %arg14: memref<125x32xbf16, #tpu.memory_space<vmem>>, %arg15: memref<125x32xbf16, #tpu.memory_space<vmem>>, %arg16: memref<10000x32xbf16, #tpu.memory_space<vmem_shared>>, %arg17: memref<!tpu.dma_semaphore, #tpu.memory_space<semaphore_mem>>, %arg18: memref<!tpu.dma_semaphore, #tpu.memory_space<semaphore_mem>>, %arg19: memref<!tpu.dma_semaphore, #tpu.memory_space<semaphore_mem>>, %arg20: memref<!tpu.dma_semaphore, #tpu.memory_space<semaphore_mem>>, %arg21: memref<!tpu.dma_semaphore, #tpu.memory_space<semaphore_mem>>, %arg22: memref<!tpu.dma_semaphore, #tpu.memory_space<semaphore_mem>>, %arg23: memref<!tpu.dma_semaphore, #tpu.memory_space<semaphore_mem>>, %arg24: memref<!tpu.dma_semaphore, #tpu.memory_space<semaphore_mem>>, %arg25: memref<!tpu.dma_semaphore, #tpu.memory_space<semaphore_mem>>, %arg26: memref<!tpu.dma_semaphore, #tpu.memory_space<semaphore_mem>>, %arg27: memref<!tpu.dma_semaphore, #tpu.memory_space<semaphore_mem>>, %arg28: memref<!tpu.dma_semaphore, #tpu.memory_space<semaphore_mem>>, %arg29: memref<!tpu.dma_semaphore, #tpu.memory_space<semaphore_mem>>, %arg30: memref<!tpu.dma_semaphore, #tpu.memory_space<semaphore_mem>>, %arg31: memref<!tpu.dma_semaphore, #tpu.memory_space<semaphore_mem>>, %arg32: memref<!tpu.dma_semaphore, #tpu.memory_space<semaphore_mem>>) attributes {dimension_semantics = [#tpu.dimension_semantics<core_parallel>, #tpu.dimension_semantics<subcore_parallel>], iteration_bounds = array<i64: 2, 16>, scalar_prefetch = 0 : i64, scratch_operands = 27 : i64, tpu.core_type = #tpu.core_type<sc_vector_subcore>, window_params = [{transform_indices = #map}, {transform_indices = #map}, {transform_indices = #map}, {transform_indices = #map1}]} {
    %mul3A = arith.constant 2 : i32
    %mul3A_0 = arith.muli %arg1, %mul3A : i32
    %add3A = arith.addi %mul3A_0, %arg0 : i32
    %scan3A = arith.constant 0 : i32
    %scan3A_1 = arith.constant 0 : i32
    %scan3A_2 = arith.constant 125 : i32
    %scan3A_3 = arith.addi %scan3A_1, %scan3A_2 : i32
    %scan3A_4 = arith.constant 1 : i32
    scf.for %scan3A_96 = %scan3A_1 to %scan3A_3 step %scan3A_4  : i32 {
      %broadcast_in_dim3A = arith.constant 0.000000e+00 : bf16
      %broadcast_in_dim3A_97 = vector.broadcast %broadcast_in_dim3A : bf16 to vector<32xbf16>
      %swap3A = arith.index_cast %scan3A_96 : i32 to index
      %swap3A_98 = arith.constant 0 : index
      %swap3A_99 = tpu.vector_load %arg8[%swap3A, %swap3A_98] {strides = array<i32>} : memref<125x32xbf16, #tpu.memory_space<vmem>>, vector<1x32xbf16>,
      %swap3A_100 = vector.shape_cast %swap3A_99 : vector<1x32xbf16> to vector<32xbf16>
      %swap3A_101 = vector.shape_cast %broadcast_in_dim3A_97 : vector<32xbf16> to vector<1x32xbf16>
      tpu.vector_store %arg8[%swap3A, %swap3A_98], %swap3A_101 {strides = array<i32>} : memref<125x32xbf16, #tpu.memory_space<vmem>>, vector<1x32xbf16>,
    }
    %scan3A_5 = arith.constant 125 : i32
    %mul3A_6 = arith.constant 625 : i32
    %mul3A_7 = arith.muli %arg1, %mul3A_6 : i32
    %add3A_8 = arith.constant 0 : i32
    %add3A_9 = arith.addi %mul3A_7, %add3A_8 : i32
    "tpu.region"() ({
      %run_scoped3A = tpu.sem_alloc : memref<!tpu.dma_semaphore, #tpu.memory_space<semaphore_mem>>
      %dma_start3A_96 = arith.constant 0 : i32
      %dma_start3A_97 = tpu.memref_slice %arg16[%add3A_9, %dma_start3A_96] : memref<10000x32xbf16, #tpu.memory_space<vmem_shared>> -> memref<125x32xbf16, #tpu.memory_space<vmem_shared>>
      %dma_start3A_98 = arith.constant 0 : i32
      %dma_start3A_99 = tpu.memref_slice %arg16[%add3A_9, %dma_start3A_98] : memref<10000x32xbf16, #tpu.memory_space<vmem_shared>> -> memref<125x32xbf16, #tpu.memory_space<vmem_shared>>
      tpu.enqueue_dma source(%arg8 : memref<125x32xbf16, #tpu.memory_space<vmem>>) target(%dma_start3A_99 : memref<125x32xbf16, #tpu.memory_space<vmem_shared>>) target_semaphore(%run_scoped3A : memref<!tpu.dma_semaphore, #tpu.memory_space<semaphore_mem>>)
      %dma_wait3A = arith.constant 0 : i32
      %dma_wait3A_100 = tpu.memref_slice %arg16[%add3A_9, %dma_wait3A] : memref<10000x32xbf16, #tpu.memory_space<vmem_shared>> -> memref<125x32xbf16, #tpu.memory_space<vmem_shared>>
      %dma_wait3A_101 = arith.constant 0 : i32
      %dma_wait3A_102 = tpu.memref_slice %arg16[%add3A_9, %dma_wait3A_101] : memref<10000x32xbf16, #tpu.memory_space<vmem_shared>> -> memref<125x32xbf16, #tpu.memory_space<vmem_shared>>
      tpu.wait_dma2 semaphore(%run_scoped3A : memref<!tpu.dma_semaphore, #tpu.memory_space<semaphore_mem>>) src(%arg8 : memref<125x32xbf16, #tpu.memory_space<vmem>>) dst(%dma_wait3A_102 : memref<125x32xbf16, #tpu.memory_space<vmem_shared>>)
      tpu.yield
    }) : () -> ()
    %mul3A_10 = arith.constant 625 : i32
    %mul3A_11 = arith.muli %arg1, %mul3A_10 : i32
    %add3A_12 = arith.constant 125 : i32
    %add3A_13 = arith.addi %mul3A_11, %add3A_12 : i32
    "tpu.region"() ({
      %run_scoped3A = tpu.sem_alloc : memref<!tpu.dma_semaphore, #tpu.memory_space<semaphore_mem>>
      %dma_start3A_96 = arith.constant 0 : i32
      %dma_start3A_97 = tpu.memref_slice %arg16[%add3A_13, %dma_start3A_96] : memref<10000x32xbf16, #tpu.memory_space<vmem_shared>> -> memref<125x32xbf16, #tpu.memory_space<vmem_shared>>
      %dma_start3A_98 = arith.constant 0 : i32
      %dma_start3A_99 = tpu.memref_slice %arg16[%add3A_13, %dma_start3A_98] : memref<10000x32xbf16, #tpu.memory_space<vmem_shared>> -> memref<125x32xbf16, #tpu.memory_space<vmem_shared>>
      tpu.enqueue_dma source(%arg8 : memref<125x32xbf16, #tpu.memory_space<vmem>>) target(%dma_start3A_99 : memref<125x32xbf16, #tpu.memory_space<vmem_shared>>) target_semaphore(%run_scoped3A : memref<!tpu.dma_semaphore, #tpu.memory_space<semaphore_mem>>)
      %dma_wait3A = arith.constant 0 : i32
      %dma_wait3A_100 = tpu.memref_slice %arg16[%add3A_13, %dma_wait3A] : memref<10000x32xbf16, #tpu.memory_space<vmem_shared>> -> memref<125x32xbf16, #tpu.memory_space<vmem_shared>>
      %dma_wait3A_101 = arith.constant 0 : i32
      %dma_wait3A_102 = tpu.memref_slice %arg16[%add3A_13, %dma_wait3A_101] : memref<10000x32xbf16, #tpu.memory_space<vmem_shared>> -> memref<125x32xbf16, #tpu.memory_space<vmem_shared>>
      tpu.wait_dma2 semaphore(%run_scoped3A : memref<!tpu.dma_semaphore, #tpu.memory_space<semaphore_mem>>) src(%arg8 : memref<125x32xbf16, #tpu.memory_space<vmem>>) dst(%dma_wait3A_102 : memref<125x32xbf16, #tpu.memory_space<vmem_shared>>)
      tpu.yield
    }) : () -> ()
    %mul3A_14 = arith.constant 625 : i32
    %mul3A_15 = arith.muli %arg1, %mul3A_14 : i32
    %add3A_16 = arith.constant 250 : i32
    %add3A_17 = arith.addi %mul3A_15, %add3A_16 : i32
    "tpu.region"() ({
      %run_scoped3A = tpu.sem_alloc : memref<!tpu.dma_semaphore, #tpu.memory_space<semaphore_mem>>
      %dma_start3A_96 = arith.constant 0 : i32
      %dma_start3A_97 = tpu.memref_slice %arg16[%add3A_17, %dma_start3A_96] : memref<10000x32xbf16, #tpu.memory_space<vmem_shared>> -> memref<125x32xbf16, #tpu.memory_space<vmem_shared>>
      %dma_start3A_98 = arith.constant 0 : i32
      %dma_start3A_99 = tpu.memref_slice %arg16[%add3A_17, %dma_start3A_98] : memref<10000x32xbf16, #tpu.memory_space<vmem_shared>> -> memref<125x32xbf16, #tpu.memory_space<vmem_shared>>
      tpu.enqueue_dma source(%arg8 : memref<125x32xbf16, #tpu.memory_space<vmem>>) target(%dma_start3A_99 : memref<125x32xbf16, #tpu.memory_space<vmem_shared>>) target_semaphore(%run_scoped3A : memref<!tpu.dma_semaphore, #tpu.memory_space<semaphore_mem>>)
      %dma_wait3A = arith.constant 0 : i32
      %dma_wait3A_100 = tpu.memref_slice %arg16[%add3A_17, %dma_wait3A] : memref<10000x32xbf16, #tpu.memory_space<vmem_shared>> -> memref<125x32xbf16, #tpu.memory_space<vmem_shared>>
      %dma_wait3A_101 = arith.constant 0 : i32
      %dma_wait3A_102 = tpu.memref_slice %arg16[%add3A_17, %dma_wait3A_101] : memref<10000x32xbf16, #tpu.memory_space<vmem_shared>> -> memref<125x32xbf16, #tpu.memory_space<vmem_shared>>
      tpu.wait_dma2 semaphore(%run_scoped3A : memref<!tpu.dma_semaphore, #tpu.memory_space<semaphore_mem>>) src(%arg8 : memref<125x32xbf16, #tpu.memory_space<vmem>>) dst(%dma_wait3A_102 : memref<125x32xbf16, #tpu.memory_space<vmem_shared>>)
      tpu.yield
    }) : () -> ()
    %mul3A_18 = arith.constant 625 : i32
    %mul3A_19 = arith.muli %arg1, %mul3A_18 : i32
    %add3A_20 = arith.constant 375 : i32
    %add3A_21 = arith.addi %mul3A_19, %add3A_20 : i32
    "tpu.region"() ({
      %run_scoped3A = tpu.sem_alloc : memref<!tpu.dma_semaphore, #tpu.memory_space<semaphore_mem>>
      %dma_start3A_96 = arith.constant 0 : i32
      %dma_start3A_97 = tpu.memref_slice %arg16[%add3A_21, %dma_start3A_96] : memref<10000x32xbf16, #tpu.memory_space<vmem_shared>> -> memref<125x32xbf16, #tpu.memory_space<vmem_shared>>
      %dma_start3A_98 = arith.constant 0 : i32
      %dma_start3A_99 = tpu.memref_slice %arg16[%add3A_21, %dma_start3A_98] : memref<10000x32xbf16, #tpu.memory_space<vmem_shared>> -> memref<125x32xbf16, #tpu.memory_space<vmem_shared>>
      tpu.enqueue_dma source(%arg8 : memref<125x32xbf16, #tpu.memory_space<vmem>>) target(%dma_start3A_99 : memref<125x32xbf16, #tpu.memory_space<vmem_shared>>) target_semaphore(%run_scoped3A : memref<!tpu.dma_semaphore, #tpu.memory_space<semaphore_mem>>)
      %dma_wait3A = arith.constant 0 : i32
      %dma_wait3A_100 = tpu.memref_slice %arg16[%add3A_21, %dma_wait3A] : memref<10000x32xbf16, #tpu.memory_space<vmem_shared>> -> memref<125x32xbf16, #tpu.memory_space<vmem_shared>>
      %dma_wait3A_101 = arith.constant 0 : i32
      %dma_wait3A_102 = tpu.memref_slice %arg16[%add3A_21, %dma_wait3A_101] : memref<10000x32xbf16, #tpu.memory_space<vmem_shared>> -> memref<125x32xbf16, #tpu.memory_space<vmem_shared>>
      tpu.wait_dma2 semaphore(%run_scoped3A : memref<!tpu.dma_semaphore, #tpu.memory_space<semaphore_mem>>) src(%arg8 : memref<125x32xbf16, #tpu.memory_space<vmem>>) dst(%dma_wait3A_102 : memref<125x32xbf16, #tpu.memory_space<vmem_shared>>)
      tpu.yield
    }) : () -> ()
    %mul3A_22 = arith.constant 625 : i32
    %mul3A_23 = arith.muli %arg1, %mul3A_22 : i32
    %add3A_24 = arith.constant 500 : i32
    %add3A_25 = arith.addi %mul3A_23, %add3A_24 : i32
    "tpu.region"() ({
      %run_scoped3A = tpu.sem_alloc : memref<!tpu.dma_semaphore, #tpu.memory_space<semaphore_mem>>
      %dma_start3A_96 = arith.constant 0 : i32
      %dma_start3A_97 = tpu.memref_slice %arg16[%add3A_25, %dma_start3A_96] : memref<10000x32xbf16, #tpu.memory_space<vmem_shared>> -> memref<125x32xbf16, #tpu.memory_space<vmem_shared>>
      %dma_start3A_98 = arith.constant 0 : i32
      %dma_start3A_99 = tpu.memref_slice %arg16[%add3A_25, %dma_start3A_98] : memref<10000x32xbf16, #tpu.memory_space<vmem_shared>> -> memref<125x32xbf16, #tpu.memory_space<vmem_shared>>
      tpu.enqueue_dma source(%arg8 : memref<125x32xbf16, #tpu.memory_space<vmem>>) target(%dma_start3A_99 : memref<125x32xbf16, #tpu.memory_space<vmem_shared>>) target_semaphore(%run_scoped3A : memref<!tpu.dma_semaphore, #tpu.memory_space<semaphore_mem>>)
      %dma_wait3A = arith.constant 0 : i32
      %dma_wait3A_100 = tpu.memref_slice %arg16[%add3A_25, %dma_wait3A] : memref<10000x32xbf16, #tpu.memory_space<vmem_shared>> -> memref<125x32xbf16, #tpu.memory_space<vmem_shared>>
      %dma_wait3A_101 = arith.constant 0 : i32
      %dma_wait3A_102 = tpu.memref_slice %arg16[%add3A_25, %dma_wait3A_101] : memref<10000x32xbf16, #tpu.memory_space<vmem_shared>> -> memref<125x32xbf16, #tpu.memory_space<vmem_shared>>
      tpu.wait_dma2 semaphore(%run_scoped3A : memref<!tpu.dma_semaphore, #tpu.memory_space<semaphore_mem>>) src(%arg8 : memref<125x32xbf16, #tpu.memory_space<vmem>>) dst(%dma_wait3A_102 : memref<125x32xbf16, #tpu.memory_space<vmem_shared>>)
      tpu.yield
    }) : () -> ()
    %barrier3A = arith.constant 0 : index
    tpu.barrier barrier_id(%barrier3A)
    %mul3A_26 = arith.constant 80 : i32
    %mul3A_27 = arith.muli %add3A, %mul3A_26 : i32
    %add3A_28 = arith.constant 0 : i32
    %add3A_29 = arith.addi %mul3A_27, %add3A_28 : i32
    "tpu.region"() ({
      %run_scoped3A = tpu.sem_alloc : memref<!tpu.dma_semaphore, #tpu.memory_space<semaphore_mem>>
      %dma_start3A_96 = arith.constant 0 : i32
      %dma_start3A_97 = tpu.memref_slice %arg4[%add3A_29, %dma_start3A_96] : memref<2560x125xi32, #tpu.memory_space<hbm>> -> memref<80x125xi32, #tpu.memory_space<hbm>>
      %dma_start3A_98 = arith.constant 0 : i32
      %dma_start3A_99 = tpu.memref_slice %arg4[%add3A_29, %dma_start3A_98] : memref<2560x125xi32, #tpu.memory_space<hbm>> -> memref<80x125xi32, #tpu.memory_space<hbm>>
      tpu.enqueue_dma source(%dma_start3A_99 : memref<80x125xi32, #tpu.memory_space<hbm>>) target(%arg7 : memref<80x125xi32, #tpu.memory_space<vmem>>) target_semaphore(%run_scoped3A : memref<!tpu.dma_semaphore, #tpu.memory_space<semaphore_mem>>)
      %dma_wait3A = arith.constant 0 : i32
      %dma_wait3A_100 = tpu.memref_slice %arg4[%add3A_29, %dma_wait3A] : memref<2560x125xi32, #tpu.memory_space<hbm>> -> memref<80x125xi32, #tpu.memory_space<hbm>>
      %dma_wait3A_101 = arith.constant 0 : i32
      %dma_wait3A_102 = tpu.memref_slice %arg4[%add3A_29, %dma_wait3A_101] : memref<2560x125xi32, #tpu.memory_space<hbm>> -> memref<80x125xi32, #tpu.memory_space<hbm>>
      tpu.wait_dma2 semaphore(%run_scoped3A : memref<!tpu.dma_semaphore, #tpu.memory_space<semaphore_mem>>) src(%dma_wait3A_102 : memref<80x125xi32, #tpu.memory_space<hbm>>) dst(%arg7 : memref<80x125xi32, #tpu.memory_space<vmem>>)
      tpu.yield
    }) : () -> ()
    "tpu.region"() ({
      %run_scoped3A = tpu.sem_alloc : memref<!tpu.dma_semaphore, #tpu.memory_space<semaphore_mem>>
      %dma_start3A_96 = arith.constant 0 : i32
      %dma_start3A_97 = tpu.memref_slice %arg3[%add3A_29, %dma_start3A_96] : memref<2560x125xi32, #tpu.memory_space<hbm>> -> memref<80x125xi32, #tpu.memory_space<hbm>>
      %dma_start3A_98 = arith.constant 0 : i32
      %dma_start3A_99 = tpu.memref_slice %arg3[%add3A_29, %dma_start3A_98] : memref<2560x125xi32, #tpu.memory_space<hbm>> -> memref<80x125xi32, #tpu.memory_space<hbm>>
      tpu.enqueue_dma source(%dma_start3A_99 : memref<80x125xi32, #tpu.memory_space<hbm>>) target(%arg6 : memref<80x125xi32, #tpu.memory_space<vmem>>) target_semaphore(%run_scoped3A : memref<!tpu.dma_semaphore, #tpu.memory_space<semaphore_mem>>)
      %dma_wait3A = arith.constant 0 : i32
      %dma_wait3A_100 = tpu.memref_slice %arg3[%add3A_29, %dma_wait3A] : memref<2560x125xi32, #tpu.memory_space<hbm>> -> memref<80x125xi32, #tpu.memory_space<hbm>>
      %dma_wait3A_101 = arith.constant 0 : i32
      %dma_wait3A_102 = tpu.memref_slice %arg3[%add3A_29, %dma_wait3A_101] : memref<2560x125xi32, #tpu.memory_space<hbm>> -> memref<80x125xi32, #tpu.memory_space<hbm>>
      tpu.wait_dma2 semaphore(%run_scoped3A : memref<!tpu.dma_semaphore, #tpu.memory_space<semaphore_mem>>) src(%dma_wait3A_102 : memref<80x125xi32, #tpu.memory_space<hbm>>) dst(%arg6 : memref<80x125xi32, #tpu.memory_space<vmem>>)
      tpu.yield
    }) : () -> ()
    %dma_start3A = arith.constant 0 : i32
    %dma_start3A_30 = arith.constant 0 : i32
    %dma_start3A_31 = tpu.memref_slice %arg6[%dma_start3A, %dma_start3A_30] : memref<80x125xi32, #tpu.memory_space<vmem>> -> memref<1x125xi32, #tpu.memory_space<vmem>>
    %dma_start3A_32 = tpu.memref_squeeze %dma_start3A_31 : memref<1x125xi32, #tpu.memory_space<vmem>> -> memref<125xi32, #tpu.memory_space<vmem>>
    %dma_start3A_33 = arith.constant 0 : i32
    %dma_start3A_34 = arith.constant 0 : i32
    %dma_start3A_35 = tpu.memref_slice %arg2[%dma_start3A_33, %dma_start3A_34] : memref<10000x32xbf16, #tpu.memory_space<hbm>> -> memref<10000x32xbf16, #tpu.memory_space<hbm>>
    tpu.enqueue_indirect_dma source(%dma_start3A_35 : memref<10000x32xbf16, #tpu.memory_space<hbm>>) target(%arg8 : memref<125x32xbf16, #tpu.memory_space<vmem>>) offsets(%dma_start3A_32 : memref<125xi32, #tpu.memory_space<vmem>>) semaphore(%arg17 : memref<!tpu.dma_semaphore, #tpu.memory_space<semaphore_mem>>)
    %dma_start3A_36 = arith.constant 1 : i32
    %dma_start3A_37 = arith.constant 0 : i32
    %dma_start3A_38 = tpu.memref_slice %arg6[%dma_start3A_36, %dma_start3A_37] : memref<80x125xi32, #tpu.memory_space<vmem>> -> memref<1x125xi32, #tpu.memory_space<vmem>>
    %dma_start3A_39 = tpu.memref_squeeze %dma_start3A_38 : memref<1x125xi32, #tpu.memory_space<vmem>> -> memref<125xi32, #tpu.memory_space<vmem>>
    %dma_start3A_40 = arith.constant 0 : i32
    %dma_start3A_41 = arith.constant 0 : i32
    %dma_start3A_42 = tpu.memref_slice %arg2[%dma_start3A_40, %dma_start3A_41] : memref<10000x32xbf16, #tpu.memory_space<hbm>> -> memref<10000x32xbf16, #tpu.memory_space<hbm>>
    tpu.enqueue_indirect_dma source(%dma_start3A_42 : memref<10000x32xbf16, #tpu.memory_space<hbm>>) target(%arg9 : memref<125x32xbf16, #tpu.memory_space<vmem>>) offsets(%dma_start3A_39 : memref<125xi32, #tpu.memory_space<vmem>>) semaphore(%arg18 : memref<!tpu.dma_semaphore, #tpu.memory_space<semaphore_mem>>)
    %dma_start3A_43 = arith.constant 2 : i32
    %dma_start3A_44 = arith.constant 0 : i32
    %dma_start3A_45 = tpu.memref_slice %arg6[%dma_start3A_43, %dma_start3A_44] : memref<80x125xi32, #tpu.memory_space<vmem>> -> memref<1x125xi32, #tpu.memory_space<vmem>>
    %dma_start3A_46 = tpu.memref_squeeze %dma_start3A_45 : memref<1x125xi32, #tpu.memory_space<vmem>> -> memref<125xi32, #tpu.memory_space<vmem>>
    %dma_start3A_47 = arith.constant 0 : i32
    %dma_start3A_48 = arith.constant 0 : i32
    %dma_start3A_49 = tpu.memref_slice %arg2[%dma_start3A_47, %dma_start3A_48] : memref<10000x32xbf16, #tpu.memory_space<hbm>> -> memref<10000x32xbf16, #tpu.memory_space<hbm>>
    tpu.enqueue_indirect_dma source(%dma_start3A_49 : memref<10000x32xbf16, #tpu.memory_space<hbm>>) target(%arg10 : memref<125x32xbf16, #tpu.memory_space<vmem>>) offsets(%dma_start3A_46 : memref<125xi32, #tpu.memory_space<vmem>>) semaphore(%arg19 : memref<!tpu.dma_semaphore, #tpu.memory_space<semaphore_mem>>)
    %dma_start3A_50 = arith.constant 3 : i32
    %dma_start3A_51 = arith.constant 0 : i32
    %dma_start3A_52 = tpu.memref_slice %arg6[%dma_start3A_50, %dma_start3A_51] : memref<80x125xi32, #tpu.memory_space<vmem>> -> memref<1x125xi32, #tpu.memory_space<vmem>>
    %dma_start3A_53 = tpu.memref_squeeze %dma_start3A_52 : memref<1x125xi32, #tpu.memory_space<vmem>> -> memref<125xi32, #tpu.memory_space<vmem>>
    %dma_start3A_54 = arith.constant 0 : i32
    %dma_start3A_55 = arith.constant 0 : i32
    %dma_start3A_56 = tpu.memref_slice %arg2[%dma_start3A_54, %dma_start3A_55] : memref<10000x32xbf16, #tpu.memory_space<hbm>> -> memref<10000x32xbf16, #tpu.memory_space<hbm>>
    tpu.enqueue_indirect_dma source(%dma_start3A_56 : memref<10000x32xbf16, #tpu.memory_space<hbm>>) target(%arg11 : memref<125x32xbf16, #tpu.memory_space<vmem>>) offsets(%dma_start3A_53 : memref<125xi32, #tpu.memory_space<vmem>>) semaphore(%arg20 : memref<!tpu.dma_semaphore, #tpu.memory_space<semaphore_mem>>)
    %dma_start3A_57 = arith.constant 4 : i32
    %dma_start3A_58 = arith.constant 0 : i32
    %dma_start3A_59 = tpu.memref_slice %arg6[%dma_start3A_57, %dma_start3A_58] : memref<80x125xi32, #tpu.memory_space<vmem>> -> memref<1x125xi32, #tpu.memory_space<vmem>>
    %dma_start3A_60 = tpu.memref_squeeze %dma_start3A_59 : memref<1x125xi32, #tpu.memory_space<vmem>> -> memref<125xi32, #tpu.memory_space<vmem>>
    %dma_start3A_61 = arith.constant 0 : i32
    %dma_start3A_62 = arith.constant 0 : i32
    %dma_start3A_63 = tpu.memref_slice %arg2[%dma_start3A_61, %dma_start3A_62] : memref<10000x32xbf16, #tpu.memory_space<hbm>> -> memref<10000x32xbf16, #tpu.memory_space<hbm>>
    tpu.enqueue_indirect_dma source(%dma_start3A_63 : memref<10000x32xbf16, #tpu.memory_space<hbm>>) target(%arg12 : memref<125x32xbf16, #tpu.memory_space<vmem>>) offsets(%dma_start3A_60 : memref<125xi32, #tpu.memory_space<vmem>>) semaphore(%arg21 : memref<!tpu.dma_semaphore, #tpu.memory_space<semaphore_mem>>)
    %dma_start3A_64 = arith.constant 5 : i32
    %dma_start3A_65 = arith.constant 0 : i32
    %dma_start3A_66 = tpu.memref_slice %arg6[%dma_start3A_64, %dma_start3A_65] : memref<80x125xi32, #tpu.memory_space<vmem>> -> memref<1x125xi32, #tpu.memory_space<vmem>>
    %dma_start3A_67 = tpu.memref_squeeze %dma_start3A_66 : memref<1x125xi32, #tpu.memory_space<vmem>> -> memref<125xi32, #tpu.memory_space<vmem>>
    %dma_start3A_68 = arith.constant 0 : i32
    %dma_start3A_69 = arith.constant 0 : i32
    %dma_start3A_70 = tpu.memref_slice %arg2[%dma_start3A_68, %dma_start3A_69] : memref<10000x32xbf16, #tpu.memory_space<hbm>> -> memref<10000x32xbf16, #tpu.memory_space<hbm>>
    tpu.enqueue_indirect_dma source(%dma_start3A_70 : memref<10000x32xbf16, #tpu.memory_space<hbm>>) target(%arg13 : memref<125x32xbf16, #tpu.memory_space<vmem>>) offsets(%dma_start3A_67 : memref<125xi32, #tpu.memory_space<vmem>>) semaphore(%arg22 : memref<!tpu.dma_semaphore, #tpu.memory_space<semaphore_mem>>)
    %dma_start3A_71 = arith.constant 6 : i32
    %dma_start3A_72 = arith.constant 0 : i32
    %dma_start3A_73 = tpu.memref_slice %arg6[%dma_start3A_71, %dma_start3A_72] : memref<80x125xi32, #tpu.memory_space<vmem>> -> memref<1x125xi32, #tpu.memory_space<vmem>>
    %dma_start3A_74 = tpu.memref_squeeze %dma_start3A_73 : memref<1x125xi32, #tpu.memory_space<vmem>> -> memref<125xi32, #tpu.memory_space<vmem>>
    %dma_start3A_75 = arith.constant 0 : i32
    %dma_start3A_76 = arith.constant 0 : i32
    %dma_start3A_77 = tpu.memref_slice %arg2[%dma_start3A_75, %dma_start3A_76] : memref<10000x32xbf16, #tpu.memory_space<hbm>> -> memref<10000x32xbf16, #tpu.memory_space<hbm>>
    tpu.enqueue_indirect_dma source(%dma_start3A_77 : memref<10000x32xbf16, #tpu.memory_space<hbm>>) target(%arg14 : memref<125x32xbf16, #tpu.memory_space<vmem>>) offsets(%dma_start3A_74 : memref<125xi32, #tpu.memory_space<vmem>>) semaphore(%arg23 : memref<!tpu.dma_semaphore, #tpu.memory_space<semaphore_mem>>)
    %dma_start3A_78 = arith.constant 7 : i32
    %dma_start3A_79 = arith.constant 0 : i32
    %dma_start3A_80 = tpu.memref_slice %arg6[%dma_start3A_78, %dma_start3A_79] : memref<80x125xi32, #tpu.memory_space<vmem>> -> memref<1x125xi32, #tpu.memory_space<vmem>>
    %dma_start3A_81 = tpu.memref_squeeze %dma_start3A_80 : memref<1x125xi32, #tpu.memory_space<vmem>> -> memref<125xi32, #tpu.memory_space<vmem>>
    %dma_start3A_82 = arith.constant 0 : i32
    %dma_start3A_83 = arith.constant 0 : i32
    %dma_start3A_84 = tpu.memref_slice %arg2[%dma_start3A_82, %dma_start3A_83] : memref<10000x32xbf16, #tpu.memory_space<hbm>> -> memref<10000x32xbf16, #tpu.memory_space<hbm>>
    tpu.enqueue_indirect_dma source(%dma_start3A_84 : memref<10000x32xbf16, #tpu.memory_space<hbm>>) target(%arg15 : memref<125x32xbf16, #tpu.memory_space<vmem>>) offsets(%dma_start3A_81 : memref<125xi32, #tpu.memory_space<vmem>>) semaphore(%arg24 : memref<!tpu.dma_semaphore, #tpu.memory_space<semaphore_mem>>)
    %scan3A_85 = arith.constant 0 : i32
    %scan3A_86 = arith.constant 0 : i32
    %scan3A_87 = arith.constant 10 : i32
    %scan3A_88 = arith.addi %scan3A_86, %scan3A_87 : i32
    %scan3A_89 = arith.constant 1 : i32
    scf.for %scan3A_96 = %scan3A_86 to %scan3A_88 step %scan3A_89  : i32 {
      %mul3A_97 = arith.constant 8 : i32
      %mul3A_98 = arith.muli %scan3A_96, %mul3A_97 : i32
      %add3A_99 = arith.constant 0 : i32
      %add3A_100 = arith.addi %mul3A_98, %add3A_99 : i32
      %dma_wait3A = arith.constant 0 : i32
      %dma_wait3A_101 = tpu.memref_slice %arg6[%add3A_100, %dma_wait3A] : memref<80x125xi32, #tpu.memory_space<vmem>> -> memref<1x125xi32, #tpu.memory_space<vmem>>
      %dma_wait3A_102 = tpu.memref_squeeze %dma_wait3A_101 : memref<1x125xi32, #tpu.memory_space<vmem>> -> memref<125xi32, #tpu.memory_space<vmem>>
      %dma_wait3A_103 = arith.constant 0 : i32
      %dma_wait3A_104 = arith.constant 0 : i32
      %dma_wait3A_105 = tpu.memref_slice %arg2[%dma_wait3A_103, %dma_wait3A_104] : memref<10000x32xbf16, #tpu.memory_space<hbm>> -> memref<10000x32xbf16, #tpu.memory_space<hbm>>
      tpu.wait_indirect_dma semaphore(%arg17 : memref<!tpu.dma_semaphore, #tpu.memory_space<semaphore_mem>>) src(%dma_wait3A_105 : memref<10000x32xbf16, #tpu.memory_space<hbm>>) dst(%arg8 : memref<125x32xbf16, #tpu.memory_space<vmem>>)
      %add3A_106 = arith.constant 0 : i32
      %add3A_107 = arith.addi %mul3A_98, %add3A_106 : i32
      %dma_start3A_108 = arith.constant 0 : i32
      %dma_start3A_109 = tpu.memref_slice %arg7[%add3A_107, %dma_start3A_108] : memref<80x125xi32, #tpu.memory_space<vmem>> -> memref<1x125xi32, #tpu.memory_space<vmem>>
      %dma_start3A_110 = tpu.memref_squeeze %dma_start3A_109 : memref<1x125xi32, #tpu.memory_space<vmem>> -> memref<125xi32, #tpu.memory_space<vmem>>
      %dma_start3A_111 = arith.constant 0 : i32
      %dma_start3A_112 = arith.constant 0 : i32
      %dma_start3A_113 = tpu.memref_slice %arg16[%dma_start3A_111, %dma_start3A_112] : memref<10000x32xbf16, #tpu.memory_space<vmem_shared>> -> memref<10000x32xbf16, #tpu.memory_space<vmem_shared>>
      tpu.enqueue_indirect_dma source(%arg8 : memref<125x32xbf16, #tpu.memory_space<vmem>>) target(%dma_start3A_113 : memref<10000x32xbf16, #tpu.memory_space<vmem_shared>>) offsets(%dma_start3A_110 : memref<125xi32, #tpu.memory_space<vmem>>) semaphore(%arg25 : memref<!tpu.dma_semaphore, #tpu.memory_space<semaphore_mem>>) {add = true}
      %add3A_114 = arith.constant 1 : i32
      %add3A_115 = arith.addi %mul3A_98, %add3A_114 : i32
      %dma_wait3A_116 = arith.constant 0 : i32
      %dma_wait3A_117 = tpu.memref_slice %arg6[%add3A_115, %dma_wait3A_116] : memref<80x125xi32, #tpu.memory_space<vmem>> -> memref<1x125xi32, #tpu.memory_space<vmem>>
      %dma_wait3A_118 = tpu.memref_squeeze %dma_wait3A_117 : memref<1x125xi32, #tpu.memory_space<vmem>> -> memref<125xi32, #tpu.memory_space<vmem>>
      %dma_wait3A_119 = arith.constant 0 : i32
      %dma_wait3A_120 = arith.constant 0 : i32
      %dma_wait3A_121 = tpu.memref_slice %arg2[%dma_wait3A_119, %dma_wait3A_120] : memref<10000x32xbf16, #tpu.memory_space<hbm>> -> memref<10000x32xbf16, #tpu.memory_space<hbm>>
      tpu.wait_indirect_dma semaphore(%arg18 : memref<!tpu.dma_semaphore, #tpu.memory_space<semaphore_mem>>) src(%dma_wait3A_121 : memref<10000x32xbf16, #tpu.memory_space<hbm>>) dst(%arg9 : memref<125x32xbf16, #tpu.memory_space<vmem>>)
      %add3A_122 = arith.constant 1 : i32
      %add3A_123 = arith.addi %mul3A_98, %add3A_122 : i32
      %dma_start3A_124 = arith.constant 0 : i32
      %dma_start3A_125 = tpu.memref_slice %arg7[%add3A_123, %dma_start3A_124] : memref<80x125xi32, #tpu.memory_space<vmem>> -> memref<1x125xi32, #tpu.memory_space<vmem>>
      %dma_start3A_126 = tpu.memref_squeeze %dma_start3A_125 : memref<1x125xi32, #tpu.memory_space<vmem>> -> memref<125xi32, #tpu.memory_space<vmem>>
      %dma_start3A_127 = arith.constant 0 : i32
      %dma_start3A_128 = arith.constant 0 : i32
      %dma_start3A_129 = tpu.memref_slice %arg16[%dma_start3A_127, %dma_start3A_128] : memref<10000x32xbf16, #tpu.memory_space<vmem_shared>> -> memref<10000x32xbf16, #tpu.memory_space<vmem_shared>>
      tpu.enqueue_indirect_dma source(%arg9 : memref<125x32xbf16, #tpu.memory_space<vmem>>) target(%dma_start3A_129 : memref<10000x32xbf16, #tpu.memory_space<vmem_shared>>) offsets(%dma_start3A_126 : memref<125xi32, #tpu.memory_space<vmem>>) semaphore(%arg26 : memref<!tpu.dma_semaphore, #tpu.memory_space<semaphore_mem>>) {add = true}
      %add3A_130 = arith.constant 2 : i32
      %add3A_131 = arith.addi %mul3A_98, %add3A_130 : i32
      %dma_wait3A_132 = arith.constant 0 : i32
      %dma_wait3A_133 = tpu.memref_slice %arg6[%add3A_131, %dma_wait3A_132] : memref<80x125xi32, #tpu.memory_space<vmem>> -> memref<1x125xi32, #tpu.memory_space<vmem>>
      %dma_wait3A_134 = tpu.memref_squeeze %dma_wait3A_133 : memref<1x125xi32, #tpu.memory_space<vmem>> -> memref<125xi32, #tpu.memory_space<vmem>>
      %dma_wait3A_135 = arith.constant 0 : i32
      %dma_wait3A_136 = arith.constant 0 : i32
      %dma_wait3A_137 = tpu.memref_slice %arg2[%dma_wait3A_135, %dma_wait3A_136] : memref<10000x32xbf16, #tpu.memory_space<hbm>> -> memref<10000x32xbf16, #tpu.memory_space<hbm>>
      tpu.wait_indirect_dma semaphore(%arg19 : memref<!tpu.dma_semaphore, #tpu.memory_space<semaphore_mem>>) src(%dma_wait3A_137 : memref<10000x32xbf16, #tpu.memory_space<hbm>>) dst(%arg10 : memref<125x32xbf16, #tpu.memory_space<vmem>>)
      %add3A_138 = arith.constant 2 : i32
      %add3A_139 = arith.addi %mul3A_98, %add3A_138 : i32
      %dma_start3A_140 = arith.constant 0 : i32
      %dma_start3A_141 = tpu.memref_slice %arg7[%add3A_139, %dma_start3A_140] : memref<80x125xi32, #tpu.memory_space<vmem>> -> memref<1x125xi32, #tpu.memory_space<vmem>>
      %dma_start3A_142 = tpu.memref_squeeze %dma_start3A_141 : memref<1x125xi32, #tpu.memory_space<vmem>> -> memref<125xi32, #tpu.memory_space<vmem>>
      %dma_start3A_143 = arith.constant 0 : i32
      %dma_start3A_144 = arith.constant 0 : i32
      %dma_start3A_145 = tpu.memref_slice %arg16[%dma_start3A_143, %dma_start3A_144] : memref<10000x32xbf16, #tpu.memory_space<vmem_shared>> -> memref<10000x32xbf16, #tpu.memory_space<vmem_shared>>
      tpu.enqueue_indirect_dma source(%arg10 : memref<125x32xbf16, #tpu.memory_space<vmem>>) target(%dma_start3A_145 : memref<10000x32xbf16, #tpu.memory_space<vmem_shared>>) offsets(%dma_start3A_142 : memref<125xi32, #tpu.memory_space<vmem>>) semaphore(%arg27 : memref<!tpu.dma_semaphore, #tpu.memory_space<semaphore_mem>>) {add = true}
      %add3A_146 = arith.constant 3 : i32
      %add3A_147 = arith.addi %mul3A_98, %add3A_146 : i32
      %dma_wait3A_148 = arith.constant 0 : i32
      %dma_wait3A_149 = tpu.memref_slice %arg6[%add3A_147, %dma_wait3A_148] : memref<80x125xi32, #tpu.memory_space<vmem>> -> memref<1x125xi32, #tpu.memory_space<vmem>>
      %dma_wait3A_150 = tpu.memref_squeeze %dma_wait3A_149 : memref<1x125xi32, #tpu.memory_space<vmem>> -> memref<125xi32, #tpu.memory_space<vmem>>
      %dma_wait3A_151 = arith.constant 0 : i32
      %dma_wait3A_152 = arith.constant 0 : i32
      %dma_wait3A_153 = tpu.memref_slice %arg2[%dma_wait3A_151, %dma_wait3A_152] : memref<10000x32xbf16, #tpu.memory_space<hbm>> -> memref<10000x32xbf16, #tpu.memory_space<hbm>>
      tpu.wait_indirect_dma semaphore(%arg20 : memref<!tpu.dma_semaphore, #tpu.memory_space<semaphore_mem>>) src(%dma_wait3A_153 : memref<10000x32xbf16, #tpu.memory_space<hbm>>) dst(%arg11 : memref<125x32xbf16, #tpu.memory_space<vmem>>)
      %add3A_154 = arith.constant 3 : i32
      %add3A_155 = arith.addi %mul3A_98, %add3A_154 : i32
      %dma_start3A_156 = arith.constant 0 : i32
      %dma_start3A_157 = tpu.memref_slice %arg7[%add3A_155, %dma_start3A_156] : memref<80x125xi32, #tpu.memory_space<vmem>> -> memref<1x125xi32, #tpu.memory_space<vmem>>
      %dma_start3A_158 = tpu.memref_squeeze %dma_start3A_157 : memref<1x125xi32, #tpu.memory_space<vmem>> -> memref<125xi32, #tpu.memory_space<vmem>>
      %dma_start3A_159 = arith.constant 0 : i32
      %dma_start3A_160 = arith.constant 0 : i32
      %dma_start3A_161 = tpu.memref_slice %arg16[%dma_start3A_159, %dma_start3A_160] : memref<10000x32xbf16, #tpu.memory_space<vmem_shared>> -> memref<10000x32xbf16, #tpu.memory_space<vmem_shared>>
      tpu.enqueue_indirect_dma source(%arg11 : memref<125x32xbf16, #tpu.memory_space<vmem>>) target(%dma_start3A_161 : memref<10000x32xbf16, #tpu.memory_space<vmem_shared>>) offsets(%dma_start3A_158 : memref<125xi32, #tpu.memory_space<vmem>>) semaphore(%arg28 : memref<!tpu.dma_semaphore, #tpu.memory_space<semaphore_mem>>) {add = true}
      %add3A_162 = arith.constant 4 : i32
      %add3A_163 = arith.addi %mul3A_98, %add3A_162 : i32
      %dma_wait3A_164 = arith.constant 0 : i32
      %dma_wait3A_165 = tpu.memref_slice %arg6[%add3A_163, %dma_wait3A_164] : memref<80x125xi32, #tpu.memory_space<vmem>> -> memref<1x125xi32, #tpu.memory_space<vmem>>
      %dma_wait3A_166 = tpu.memref_squeeze %dma_wait3A_165 : memref<1x125xi32, #tpu.memory_space<vmem>> -> memref<125xi32, #tpu.memory_space<vmem>>
      %dma_wait3A_167 = arith.constant 0 : i32
      %dma_wait3A_168 = arith.constant 0 : i32
      %dma_wait3A_169 = tpu.memref_slice %arg2[%dma_wait3A_167, %dma_wait3A_168] : memref<10000x32xbf16, #tpu.memory_space<hbm>> -> memref<10000x32xbf16, #tpu.memory_space<hbm>>
      tpu.wait_indirect_dma semaphore(%arg21 : memref<!tpu.dma_semaphore, #tpu.memory_space<semaphore_mem>>) src(%dma_wait3A_169 : memref<10000x32xbf16, #tpu.memory_space<hbm>>) dst(%arg12 : memref<125x32xbf16, #tpu.memory_space<vmem>>)
      %add3A_170 = arith.constant 4 : i32
      %add3A_171 = arith.addi %mul3A_98, %add3A_170 : i32
      %dma_start3A_172 = arith.constant 0 : i32
      %dma_start3A_173 = tpu.memref_slice %arg7[%add3A_171, %dma_start3A_172] : memref<80x125xi32, #tpu.memory_space<vmem>> -> memref<1x125xi32, #tpu.memory_space<vmem>>
      %dma_start3A_174 = tpu.memref_squeeze %dma_start3A_173 : memref<1x125xi32, #tpu.memory_space<vmem>> -> memref<125xi32, #tpu.memory_space<vmem>>
      %dma_start3A_175 = arith.constant 0 : i32
      %dma_start3A_176 = arith.constant 0 : i32
      %dma_start3A_177 = tpu.memref_slice %arg16[%dma_start3A_175, %dma_start3A_176] : memref<10000x32xbf16, #tpu.memory_space<vmem_shared>> -> memref<10000x32xbf16, #tpu.memory_space<vmem_shared>>
      tpu.enqueue_indirect_dma source(%arg12 : memref<125x32xbf16, #tpu.memory_space<vmem>>) target(%dma_start3A_177 : memref<10000x32xbf16, #tpu.memory_space<vmem_shared>>) offsets(%dma_start3A_174 : memref<125xi32, #tpu.memory_space<vmem>>) semaphore(%arg29 : memref<!tpu.dma_semaphore, #tpu.memory_space<semaphore_mem>>) {add = true}
      %add3A_178 = arith.constant 5 : i32
      %add3A_179 = arith.addi %mul3A_98, %add3A_178 : i32
      %dma_wait3A_180 = arith.constant 0 : i32
      %dma_wait3A_181 = tpu.memref_slice %arg6[%add3A_179, %dma_wait3A_180] : memref<80x125xi32, #tpu.memory_space<vmem>> -> memref<1x125xi32, #tpu.memory_space<vmem>>
      %dma_wait3A_182 = tpu.memref_squeeze %dma_wait3A_181 : memref<1x125xi32, #tpu.memory_space<vmem>> -> memref<125xi32, #tpu.memory_space<vmem>>
      %dma_wait3A_183 = arith.constant 0 : i32
      %dma_wait3A_184 = arith.constant 0 : i32
      %dma_wait3A_185 = tpu.memref_slice %arg2[%dma_wait3A_183, %dma_wait3A_184] : memref<10000x32xbf16, #tpu.memory_space<hbm>> -> memref<10000x32xbf16, #tpu.memory_space<hbm>>
      tpu.wait_indirect_dma semaphore(%arg22 : memref<!tpu.dma_semaphore, #tpu.memory_space<semaphore_mem>>) src(%dma_wait3A_185 : memref<10000x32xbf16, #tpu.memory_space<hbm>>) dst(%arg13 : memref<125x32xbf16, #tpu.memory_space<vmem>>)
      %add3A_186 = arith.constant 5 : i32
      %add3A_187 = arith.addi %mul3A_98, %add3A_186 : i32
      %dma_start3A_188 = arith.constant 0 : i32
      %dma_start3A_189 = tpu.memref_slice %arg7[%add3A_187, %dma_start3A_188] : memref<80x125xi32, #tpu.memory_space<vmem>> -> memref<1x125xi32, #tpu.memory_space<vmem>>
      %dma_start3A_190 = tpu.memref_squeeze %dma_start3A_189 : memref<1x125xi32, #tpu.memory_space<vmem>> -> memref<125xi32, #tpu.memory_space<vmem>>
      %dma_start3A_191 = arith.constant 0 : i32
      %dma_start3A_192 = arith.constant 0 : i32
      %dma_start3A_193 = tpu.memref_slice %arg16[%dma_start3A_191, %dma_start3A_192] : memref<10000x32xbf16, #tpu.memory_space<vmem_shared>> -> memref<10000x32xbf16, #tpu.memory_space<vmem_shared>>
      tpu.enqueue_indirect_dma source(%arg13 : memref<125x32xbf16, #tpu.memory_space<vmem>>) target(%dma_start3A_193 : memref<10000x32xbf16, #tpu.memory_space<vmem_shared>>) offsets(%dma_start3A_190 : memref<125xi32, #tpu.memory_space<vmem>>) semaphore(%arg30 : memref<!tpu.dma_semaphore, #tpu.memory_space<semaphore_mem>>) {add = true}
      %add3A_194 = arith.constant 6 : i32
      %add3A_195 = arith.addi %mul3A_98, %add3A_194 : i32
      %dma_wait3A_196 = arith.constant 0 : i32
      %dma_wait3A_197 = tpu.memref_slice %arg6[%add3A_195, %dma_wait3A_196] : memref<80x125xi32, #tpu.memory_space<vmem>> -> memref<1x125xi32, #tpu.memory_space<vmem>>
      %dma_wait3A_198 = tpu.memref_squeeze %dma_wait3A_197 : memref<1x125xi32, #tpu.memory_space<vmem>> -> memref<125xi32, #tpu.memory_space<vmem>>
      %dma_wait3A_199 = arith.constant 0 : i32
      %dma_wait3A_200 = arith.constant 0 : i32
      %dma_wait3A_201 = tpu.memref_slice %arg2[%dma_wait3A_199, %dma_wait3A_200] : memref<10000x32xbf16, #tpu.memory_space<hbm>> -> memref<10000x32xbf16, #tpu.memory_space<hbm>>
      tpu.wait_indirect_dma semaphore(%arg23 : memref<!tpu.dma_semaphore, #tpu.memory_space<semaphore_mem>>) src(%dma_wait3A_201 : memref<10000x32xbf16, #tpu.memory_space<hbm>>) dst(%arg14 : memref<125x32xbf16, #tpu.memory_space<vmem>>)
      %add3A_202 = arith.constant 6 : i32
      %add3A_203 = arith.addi %mul3A_98, %add3A_202 : i32
      %dma_start3A_204 = arith.constant 0 : i32
      %dma_start3A_205 = tpu.memref_slice %arg7[%add3A_203, %dma_start3A_204] : memref<80x125xi32, #tpu.memory_space<vmem>> -> memref<1x125xi32, #tpu.memory_space<vmem>>
      %dma_start3A_206 = tpu.memref_squeeze %dma_start3A_205 : memref<1x125xi32, #tpu.memory_space<vmem>> -> memref<125xi32, #tpu.memory_space<vmem>>
      %dma_start3A_207 = arith.constant 0 : i32
      %dma_start3A_208 = arith.constant 0 : i32
      %dma_start3A_209 = tpu.memref_slice %arg16[%dma_start3A_207, %dma_start3A_208] : memref<10000x32xbf16, #tpu.memory_space<vmem_shared>> -> memref<10000x32xbf16, #tpu.memory_space<vmem_shared>>
      tpu.enqueue_indirect_dma source(%arg14 : memref<125x32xbf16, #tpu.memory_space<vmem>>) target(%dma_start3A_209 : memref<10000x32xbf16, #tpu.memory_space<vmem_shared>>) offsets(%dma_start3A_206 : memref<125xi32, #tpu.memory_space<vmem>>) semaphore(%arg31 : memref<!tpu.dma_semaphore, #tpu.memory_space<semaphore_mem>>) {add = true}
      %add3A_210 = arith.constant 7 : i32
      %add3A_211 = arith.addi %mul3A_98, %add3A_210 : i32
      %dma_wait3A_212 = arith.constant 0 : i32
      %dma_wait3A_213 = tpu.memref_slice %arg6[%add3A_211, %dma_wait3A_212] : memref<80x125xi32, #tpu.memory_space<vmem>> -> memref<1x125xi32, #tpu.memory_space<vmem>>
      %dma_wait3A_214 = tpu.memref_squeeze %dma_wait3A_213 : memref<1x125xi32, #tpu.memory_space<vmem>> -> memref<125xi32, #tpu.memory_space<vmem>>
      %dma_wait3A_215 = arith.constant 0 : i32
      %dma_wait3A_216 = arith.constant 0 : i32
      %dma_wait3A_217 = tpu.memref_slice %arg2[%dma_wait3A_215, %dma_wait3A_216] : memref<10000x32xbf16, #tpu.memory_space<hbm>> -> memref<10000x32xbf16, #tpu.memory_space<hbm>>
      tpu.wait_indirect_dma semaphore(%arg24 : memref<!tpu.dma_semaphore, #tpu.memory_space<semaphore_mem>>) src(%dma_wait3A_217 : memref<10000x32xbf16, #tpu.memory_space<hbm>>) dst(%arg15 : memref<125x32xbf16, #tpu.memory_space<vmem>>)
      %add3A_218 = arith.constant 7 : i32
      %add3A_219 = arith.addi %mul3A_98, %add3A_218 : i32
      %dma_start3A_220 = arith.constant 0 : i32
      %dma_start3A_221 = tpu.memref_slice %arg7[%add3A_219, %dma_start3A_220] : memref<80x125xi32, #tpu.memory_space<vmem>> -> memref<1x125xi32, #tpu.memory_space<vmem>>
      %dma_start3A_222 = tpu.memref_squeeze %dma_start3A_221 : memref<1x125xi32, #tpu.memory_space<vmem>> -> memref<125xi32, #tpu.memory_space<vmem>>
      %dma_start3A_223 = arith.constant 0 : i32
      %dma_start3A_224 = arith.constant 0 : i32
      %dma_start3A_225 = tpu.memref_slice %arg16[%dma_start3A_223, %dma_start3A_224] : memref<10000x32xbf16, #tpu.memory_space<vmem_shared>> -> memref<10000x32xbf16, #tpu.memory_space<vmem_shared>>
      tpu.enqueue_indirect_dma source(%arg15 : memref<125x32xbf16, #tpu.memory_space<vmem>>) target(%dma_start3A_225 : memref<10000x32xbf16, #tpu.memory_space<vmem_shared>>) offsets(%dma_start3A_222 : memref<125xi32, #tpu.memory_space<vmem>>) semaphore(%arg32 : memref<!tpu.dma_semaphore, #tpu.memory_space<semaphore_mem>>) {add = true}
      %add3A_226 = arith.constant 0 : i32
      %add3A_227 = arith.addi %mul3A_98, %add3A_226 : i32
      %dma_wait3A_228 = arith.constant 0 : i32
      %dma_wait3A_229 = tpu.memref_slice %arg7[%add3A_227, %dma_wait3A_228] : memref<80x125xi32, #tpu.memory_space<vmem>> -> memref<1x125xi32, #tpu.memory_space<vmem>>
      %dma_wait3A_230 = tpu.memref_squeeze %dma_wait3A_229 : memref<1x125xi32, #tpu.memory_space<vmem>> -> memref<125xi32, #tpu.memory_space<vmem>>
      %dma_wait3A_231 = arith.constant 0 : i32
      %dma_wait3A_232 = arith.constant 0 : i32
      %dma_wait3A_233 = tpu.memref_slice %arg16[%dma_wait3A_231, %dma_wait3A_232] : memref<10000x32xbf16, #tpu.memory_space<vmem_shared>> -> memref<10000x32xbf16, #tpu.memory_space<vmem_shared>>
      tpu.wait_indirect_dma semaphore(%arg25 : memref<!tpu.dma_semaphore, #tpu.memory_space<semaphore_mem>>) src(%arg8 : memref<125x32xbf16, #tpu.memory_space<vmem>>) dst(%dma_wait3A_233 : memref<10000x32xbf16, #tpu.memory_space<vmem_shared>>)
      %add3A_234 = arith.constant 8 : i32
      %add3A_235 = arith.addi %mul3A_98, %add3A_234 : i32
      %add3A_236 = arith.constant 0 : i32
      %add3A_237 = arith.addi %add3A_235, %add3A_236 : i32
      %lt3A = arith.constant 80 : i32
      %lt3A_238 = arith.cmpi slt, %add3A_237, %lt3A : i32
      %convert_element_type3A = arith.extui %lt3A_238 : i1 to i32
      %cond3A = arith.constant 0 : i32
      %cond3A_239 = arith.cmpi ne, %convert_element_type3A, %cond3A : i32
      scf.if %cond3A_239 {
        %add3A_359 = arith.constant 8 : i32
        %add3A_360 = arith.addi %mul3A_98, %add3A_359 : i32
        %add3A_361 = arith.constant 0 : i32
        %add3A_362 = arith.addi %add3A_360, %add3A_361 : i32
        %dma_start3A_363 = arith.constant 0 : i32
        %dma_start3A_364 = tpu.memref_slice %arg6[%add3A_362, %dma_start3A_363] : memref<80x125xi32, #tpu.memory_space<vmem>> -> memref<1x125xi32, #tpu.memory_space<vmem>>
        %dma_start3A_365 = tpu.memref_squeeze %dma_start3A_364 : memref<1x125xi32, #tpu.memory_space<vmem>> -> memref<125xi32, #tpu.memory_space<vmem>>
        %dma_start3A_366 = arith.constant 0 : i32
        %dma_start3A_367 = arith.constant 0 : i32
        %dma_start3A_368 = tpu.memref_slice %arg2[%dma_start3A_366, %dma_start3A_367] : memref<10000x32xbf16, #tpu.memory_space<hbm>> -> memref<10000x32xbf16, #tpu.memory_space<hbm>>
        tpu.enqueue_indirect_dma source(%dma_start3A_368 : memref<10000x32xbf16, #tpu.memory_space<hbm>>) target(%arg8 : memref<125x32xbf16, #tpu.memory_space<vmem>>) offsets(%dma_start3A_365 : memref<125xi32, #tpu.memory_space<vmem>>) semaphore(%arg17 : memref<!tpu.dma_semaphore, #tpu.memory_space<semaphore_mem>>)
      } else {
      }
      %add3A_240 = arith.constant 1 : i32
      %add3A_241 = arith.addi %mul3A_98, %add3A_240 : i32
      %dma_wait3A_242 = arith.constant 0 : i32
      %dma_wait3A_243 = tpu.memref_slice %arg7[%add3A_241, %dma_wait3A_242] : memref<80x125xi32, #tpu.memory_space<vmem>> -> memref<1x125xi32, #tpu.memory_space<vmem>>
      %dma_wait3A_244 = tpu.memref_squeeze %dma_wait3A_243 : memref<1x125xi32, #tpu.memory_space<vmem>> -> memref<125xi32, #tpu.memory_space<vmem>>
      %dma_wait3A_245 = arith.constant 0 : i32
      %dma_wait3A_246 = arith.constant 0 : i32
      %dma_wait3A_247 = tpu.memref_slice %arg16[%dma_wait3A_245, %dma_wait3A_246] : memref<10000x32xbf16, #tpu.memory_space<vmem_shared>> -> memref<10000x32xbf16, #tpu.memory_space<vmem_shared>>
      tpu.wait_indirect_dma semaphore(%arg26 : memref<!tpu.dma_semaphore, #tpu.memory_space<semaphore_mem>>) src(%arg9 : memref<125x32xbf16, #tpu.memory_space<vmem>>) dst(%dma_wait3A_247 : memref<10000x32xbf16, #tpu.memory_space<vmem_shared>>)
      %add3A_248 = arith.constant 8 : i32
      %add3A_249 = arith.addi %mul3A_98, %add3A_248 : i32
      %add3A_250 = arith.constant 1 : i32
      %add3A_251 = arith.addi %add3A_249, %add3A_250 : i32
      %lt3A_252 = arith.constant 80 : i32
      %lt3A_253 = arith.cmpi slt, %add3A_251, %lt3A_252 : i32
      %convert_element_type3A_254 = arith.extui %lt3A_253 : i1 to i32
      %cond3A_255 = arith.constant 0 : i32
      %cond3A_256 = arith.cmpi ne, %convert_element_type3A_254, %cond3A_255 : i32
      scf.if %cond3A_256 {
        %add3A_359 = arith.constant 8 : i32
        %add3A_360 = arith.addi %mul3A_98, %add3A_359 : i32
        %add3A_361 = arith.constant 1 : i32
        %add3A_362 = arith.addi %add3A_360, %add3A_361 : i32
        %dma_start3A_363 = arith.constant 0 : i32
        %dma_start3A_364 = tpu.memref_slice %arg6[%add3A_362, %dma_start3A_363] : memref<80x125xi32, #tpu.memory_space<vmem>> -> memref<1x125xi32, #tpu.memory_space<vmem>>
        %dma_start3A_365 = tpu.memref_squeeze %dma_start3A_364 : memref<1x125xi32, #tpu.memory_space<vmem>> -> memref<125xi32, #tpu.memory_space<vmem>>
        %dma_start3A_366 = arith.constant 0 : i32
        %dma_start3A_367 = arith.constant 0 : i32
        %dma_start3A_368 = tpu.memref_slice %arg2[%dma_start3A_366, %dma_start3A_367] : memref<10000x32xbf16, #tpu.memory_space<hbm>> -> memref<10000x32xbf16, #tpu.memory_space<hbm>>
        tpu.enqueue_indirect_dma source(%dma_start3A_368 : memref<10000x32xbf16, #tpu.memory_space<hbm>>) target(%arg9 : memref<125x32xbf16, #tpu.memory_space<vmem>>) offsets(%dma_start3A_365 : memref<125xi32, #tpu.memory_space<vmem>>) semaphore(%arg18 : memref<!tpu.dma_semaphore, #tpu.memory_space<semaphore_mem>>)
      } else {
      }
      %add3A_257 = arith.constant 2 : i32
      %add3A_258 = arith.addi %mul3A_98, %add3A_257 : i32
      %dma_wait3A_259 = arith.constant 0 : i32
      %dma_wait3A_260 = tpu.memref_slice %arg7[%add3A_258, %dma_wait3A_259] : memref<80x125xi32, #tpu.memory_space<vmem>> -> memref<1x125xi32, #tpu.memory_space<vmem>>
      %dma_wait3A_261 = tpu.memref_squeeze %dma_wait3A_260 : memref<1x125xi32, #tpu.memory_space<vmem>> -> memref<125xi32, #tpu.memory_space<vmem>>
      %dma_wait3A_262 = arith.constant 0 : i32
      %dma_wait3A_263 = arith.constant 0 : i32
      %dma_wait3A_264 = tpu.memref_slice %arg16[%dma_wait3A_262, %dma_wait3A_263] : memref<10000x32xbf16, #tpu.memory_space<vmem_shared>> -> memref<10000x32xbf16, #tpu.memory_space<vmem_shared>>
      tpu.wait_indirect_dma semaphore(%arg27 : memref<!tpu.dma_semaphore, #tpu.memory_space<semaphore_mem>>) src(%arg10 : memref<125x32xbf16, #tpu.memory_space<vmem>>) dst(%dma_wait3A_264 : memref<10000x32xbf16, #tpu.memory_space<vmem_shared>>)
      %add3A_265 = arith.constant 8 : i32
      %add3A_266 = arith.addi %mul3A_98, %add3A_265 : i32
      %add3A_267 = arith.constant 2 : i32
      %add3A_268 = arith.addi %add3A_266, %add3A_267 : i32
      %lt3A_269 = arith.constant 80 : i32
      %lt3A_270 = arith.cmpi slt, %add3A_268, %lt3A_269 : i32
      %convert_element_type3A_271 = arith.extui %lt3A_270 : i1 to i32
      %cond3A_272 = arith.constant 0 : i32
      %cond3A_273 = arith.cmpi ne, %convert_element_type3A_271, %cond3A_272 : i32
      scf.if %cond3A_273 {
        %add3A_359 = arith.constant 8 : i32
        %add3A_360 = arith.addi %mul3A_98, %add3A_359 : i32
        %add3A_361 = arith.constant 2 : i32
        %add3A_362 = arith.addi %add3A_360, %add3A_361 : i32
        %dma_start3A_363 = arith.constant 0 : i32
        %dma_start3A_364 = tpu.memref_slice %arg6[%add3A_362, %dma_start3A_363] : memref<80x125xi32, #tpu.memory_space<vmem>> -> memref<1x125xi32, #tpu.memory_space<vmem>>
        %dma_start3A_365 = tpu.memref_squeeze %dma_start3A_364 : memref<1x125xi32, #tpu.memory_space<vmem>> -> memref<125xi32, #tpu.memory_space<vmem>>
        %dma_start3A_366 = arith.constant 0 : i32
        %dma_start3A_367 = arith.constant 0 : i32
        %dma_start3A_368 = tpu.memref_slice %arg2[%dma_start3A_366, %dma_start3A_367] : memref<10000x32xbf16, #tpu.memory_space<hbm>> -> memref<10000x32xbf16, #tpu.memory_space<hbm>>
        tpu.enqueue_indirect_dma source(%dma_start3A_368 : memref<10000x32xbf16, #tpu.memory_space<hbm>>) target(%arg10 : memref<125x32xbf16, #tpu.memory_space<vmem>>) offsets(%dma_start3A_365 : memref<125xi32, #tpu.memory_space<vmem>>) semaphore(%arg19 : memref<!tpu.dma_semaphore, #tpu.memory_space<semaphore_mem>>)
      } else {
      }
      %add3A_274 = arith.constant 3 : i32
      %add3A_275 = arith.addi %mul3A_98, %add3A_274 : i32
      %dma_wait3A_276 = arith.constant 0 : i32
      %dma_wait3A_277 = tpu.memref_slice %arg7[%add3A_275, %dma_wait3A_276] : memref<80x125xi32, #tpu.memory_space<vmem>> -> memref<1x125xi32, #tpu.memory_space<vmem>>
      %dma_wait3A_278 = tpu.memref_squeeze %dma_wait3A_277 : memref<1x125xi32, #tpu.memory_space<vmem>> -> memref<125xi32, #tpu.memory_space<vmem>>
      %dma_wait3A_279 = arith.constant 0 : i32
      %dma_wait3A_280 = arith.constant 0 : i32
      %dma_wait3A_281 = tpu.memref_slice %arg16[%dma_wait3A_279, %dma_wait3A_280] : memref<10000x32xbf16, #tpu.memory_space<vmem_shared>> -> memref<10000x32xbf16, #tpu.memory_space<vmem_shared>>
      tpu.wait_indirect_dma semaphore(%arg28 : memref<!tpu.dma_semaphore, #tpu.memory_space<semaphore_mem>>) src(%arg11 : memref<125x32xbf16, #tpu.memory_space<vmem>>) dst(%dma_wait3A_281 : memref<10000x32xbf16, #tpu.memory_space<vmem_shared>>)
      %add3A_282 = arith.constant 8 : i32
      %add3A_283 = arith.addi %mul3A_98, %add3A_282 : i32
      %add3A_284 = arith.constant 3 : i32
      %add3A_285 = arith.addi %add3A_283, %add3A_284 : i32
      %lt3A_286 = arith.constant 80 : i32
      %lt3A_287 = arith.cmpi slt, %add3A_285, %lt3A_286 : i32
      %convert_element_type3A_288 = arith.extui %lt3A_287 : i1 to i32
      %cond3A_289 = arith.constant 0 : i32
      %cond3A_290 = arith.cmpi ne, %convert_element_type3A_288, %cond3A_289 : i32
      scf.if %cond3A_290 {
        %add3A_359 = arith.constant 8 : i32
        %add3A_360 = arith.addi %mul3A_98, %add3A_359 : i32
        %add3A_361 = arith.constant 3 : i32
        %add3A_362 = arith.addi %add3A_360, %add3A_361 : i32
        %dma_start3A_363 = arith.constant 0 : i32
        %dma_start3A_364 = tpu.memref_slice %arg6[%add3A_362, %dma_start3A_363] : memref<80x125xi32, #tpu.memory_space<vmem>> -> memref<1x125xi32, #tpu.memory_space<vmem>>
        %dma_start3A_365 = tpu.memref_squeeze %dma_start3A_364 : memref<1x125xi32, #tpu.memory_space<vmem>> -> memref<125xi32, #tpu.memory_space<vmem>>
        %dma_start3A_366 = arith.constant 0 : i32
        %dma_start3A_367 = arith.constant 0 : i32
        %dma_start3A_368 = tpu.memref_slice %arg2[%dma_start3A_366, %dma_start3A_367] : memref<10000x32xbf16, #tpu.memory_space<hbm>> -> memref<10000x32xbf16, #tpu.memory_space<hbm>>
        tpu.enqueue_indirect_dma source(%dma_start3A_368 : memref<10000x32xbf16, #tpu.memory_space<hbm>>) target(%arg11 : memref<125x32xbf16, #tpu.memory_space<vmem>>) offsets(%dma_start3A_365 : memref<125xi32, #tpu.memory_space<vmem>>) semaphore(%arg20 : memref<!tpu.dma_semaphore, #tpu.memory_space<semaphore_mem>>)
      } else {
      }
      %add3A_291 = arith.constant 4 : i32
      %add3A_292 = arith.addi %mul3A_98, %add3A_291 : i32
      %dma_wait3A_293 = arith.constant 0 : i32
      %dma_wait3A_294 = tpu.memref_slice %arg7[%add3A_292, %dma_wait3A_293] : memref<80x125xi32, #tpu.memory_space<vmem>> -> memref<1x125xi32, #tpu.memory_space<vmem>>
      %dma_wait3A_295 = tpu.memref_squeeze %dma_wait3A_294 : memref<1x125xi32, #tpu.memory_space<vmem>> -> memref<125xi32, #tpu.memory_space<vmem>>
      %dma_wait3A_296 = arith.constant 0 : i32
      %dma_wait3A_297 = arith.constant 0 : i32
      %dma_wait3A_298 = tpu.memref_slice %arg16[%dma_wait3A_296, %dma_wait3A_297] : memref<10000x32xbf16, #tpu.memory_space<vmem_shared>> -> memref<10000x32xbf16, #tpu.memory_space<vmem_shared>>
      tpu.wait_indirect_dma semaphore(%arg29 : memref<!tpu.dma_semaphore, #tpu.memory_space<semaphore_mem>>) src(%arg12 : memref<125x32xbf16, #tpu.memory_space<vmem>>) dst(%dma_wait3A_298 : memref<10000x32xbf16, #tpu.memory_space<vmem_shared>>)
      %add3A_299 = arith.constant 8 : i32
      %add3A_300 = arith.addi %mul3A_98, %add3A_299 : i32
      %add3A_301 = arith.constant 4 : i32
      %add3A_302 = arith.addi %add3A_300, %add3A_301 : i32
      %lt3A_303 = arith.constant 80 : i32
      %lt3A_304 = arith.cmpi slt, %add3A_302, %lt3A_303 : i32
      %convert_element_type3A_305 = arith.extui %lt3A_304 : i1 to i32
      %cond3A_306 = arith.constant 0 : i32
      %cond3A_307 = arith.cmpi ne, %convert_element_type3A_305, %cond3A_306 : i32
      scf.if %cond3A_307 {
        %add3A_359 = arith.constant 8 : i32
        %add3A_360 = arith.addi %mul3A_98, %add3A_359 : i32
        %add3A_361 = arith.constant 4 : i32
        %add3A_362 = arith.addi %add3A_360, %add3A_361 : i32
        %dma_start3A_363 = arith.constant 0 : i32
        %dma_start3A_364 = tpu.memref_slice %arg6[%add3A_362, %dma_start3A_363] : memref<80x125xi32, #tpu.memory_space<vmem>> -> memref<1x125xi32, #tpu.memory_space<vmem>>
        %dma_start3A_365 = tpu.memref_squeeze %dma_start3A_364 : memref<1x125xi32, #tpu.memory_space<vmem>> -> memref<125xi32, #tpu.memory_space<vmem>>
        %dma_start3A_366 = arith.constant 0 : i32
        %dma_start3A_367 = arith.constant 0 : i32
        %dma_start3A_368 = tpu.memref_slice %arg2[%dma_start3A_366, %dma_start3A_367] : memref<10000x32xbf16, #tpu.memory_space<hbm>> -> memref<10000x32xbf16, #tpu.memory_space<hbm>>
        tpu.enqueue_indirect_dma source(%dma_start3A_368 : memref<10000x32xbf16, #tpu.memory_space<hbm>>) target(%arg12 : memref<125x32xbf16, #tpu.memory_space<vmem>>) offsets(%dma_start3A_365 : memref<125xi32, #tpu.memory_space<vmem>>) semaphore(%arg21 : memref<!tpu.dma_semaphore, #tpu.memory_space<semaphore_mem>>)
      } else {
      }
      %add3A_308 = arith.constant 5 : i32
      %add3A_309 = arith.addi %mul3A_98, %add3A_308 : i32
      %dma_wait3A_310 = arith.constant 0 : i32
      %dma_wait3A_311 = tpu.memref_slice %arg7[%add3A_309, %dma_wait3A_310] : memref<80x125xi32, #tpu.memory_space<vmem>> -> memref<1x125xi32, #tpu.memory_space<vmem>>
      %dma_wait3A_312 = tpu.memref_squeeze %dma_wait3A_311 : memref<1x125xi32, #tpu.memory_space<vmem>> -> memref<125xi32, #tpu.memory_space<vmem>>
      %dma_wait3A_313 = arith.constant 0 : i32
      %dma_wait3A_314 = arith.constant 0 : i32
      %dma_wait3A_315 = tpu.memref_slice %arg16[%dma_wait3A_313, %dma_wait3A_314] : memref<10000x32xbf16, #tpu.memory_space<vmem_shared>> -> memref<10000x32xbf16, #tpu.memory_space<vmem_shared>>
      tpu.wait_indirect_dma semaphore(%arg30 : memref<!tpu.dma_semaphore, #tpu.memory_space<semaphore_mem>>) src(%arg13 : memref<125x32xbf16, #tpu.memory_space<vmem>>) dst(%dma_wait3A_315 : memref<10000x32xbf16, #tpu.memory_space<vmem_shared>>)
      %add3A_316 = arith.constant 8 : i32
      %add3A_317 = arith.addi %mul3A_98, %add3A_316 : i32
      %add3A_318 = arith.constant 5 : i32
      %add3A_319 = arith.addi %add3A_317, %add3A_318 : i32
      %lt3A_320 = arith.constant 80 : i32
      %lt3A_321 = arith.cmpi slt, %add3A_319, %lt3A_320 : i32
      %convert_element_type3A_322 = arith.extui %lt3A_321 : i1 to i32
      %cond3A_323 = arith.constant 0 : i32
      %cond3A_324 = arith.cmpi ne, %convert_element_type3A_322, %cond3A_323 : i32
      scf.if %cond3A_324 {
        %add3A_359 = arith.constant 8 : i32
        %add3A_360 = arith.addi %mul3A_98, %add3A_359 : i32
        %add3A_361 = arith.constant 5 : i32
        %add3A_362 = arith.addi %add3A_360, %add3A_361 : i32
        %dma_start3A_363 = arith.constant 0 : i32
        %dma_start3A_364 = tpu.memref_slice %arg6[%add3A_362, %dma_start3A_363] : memref<80x125xi32, #tpu.memory_space<vmem>> -> memref<1x125xi32, #tpu.memory_space<vmem>>
        %dma_start3A_365 = tpu.memref_squeeze %dma_start3A_364 : memref<1x125xi32, #tpu.memory_space<vmem>> -> memref<125xi32, #tpu.memory_space<vmem>>
        %dma_start3A_366 = arith.constant 0 : i32
        %dma_start3A_367 = arith.constant 0 : i32
        %dma_start3A_368 = tpu.memref_slice %arg2[%dma_start3A_366, %dma_start3A_367] : memref<10000x32xbf16, #tpu.memory_space<hbm>> -> memref<10000x32xbf16, #tpu.memory_space<hbm>>
        tpu.enqueue_indirect_dma source(%dma_start3A_368 : memref<10000x32xbf16, #tpu.memory_space<hbm>>) target(%arg13 : memref<125x32xbf16, #tpu.memory_space<vmem>>) offsets(%dma_start3A_365 : memref<125xi32, #tpu.memory_space<vmem>>) semaphore(%arg22 : memref<!tpu.dma_semaphore, #tpu.memory_space<semaphore_mem>>)
      } else {
      }
      %add3A_325 = arith.constant 6 : i32
      %add3A_326 = arith.addi %mul3A_98, %add3A_325 : i32
      %dma_wait3A_327 = arith.constant 0 : i32
      %dma_wait3A_328 = tpu.memref_slice %arg7[%add3A_326, %dma_wait3A_327] : memref<80x125xi32, #tpu.memory_space<vmem>> -> memref<1x125xi32, #tpu.memory_space<vmem>>
      %dma_wait3A_329 = tpu.memref_squeeze %dma_wait3A_328 : memref<1x125xi32, #tpu.memory_space<vmem>> -> memref<125xi32, #tpu.memory_space<vmem>>
      %dma_wait3A_330 = arith.constant 0 : i32
      %dma_wait3A_331 = arith.constant 0 : i32
      %dma_wait3A_332 = tpu.memref_slice %arg16[%dma_wait3A_330, %dma_wait3A_331] : memref<10000x32xbf16, #tpu.memory_space<vmem_shared>> -> memref<10000x32xbf16, #tpu.memory_space<vmem_shared>>
      tpu.wait_indirect_dma semaphore(%arg31 : memref<!tpu.dma_semaphore, #tpu.memory_space<semaphore_mem>>) src(%arg14 : memref<125x32xbf16, #tpu.memory_space<vmem>>) dst(%dma_wait3A_332 : memref<10000x32xbf16, #tpu.memory_space<vmem_shared>>)
      %add3A_333 = arith.constant 8 : i32
      %add3A_334 = arith.addi %mul3A_98, %add3A_333 : i32
      %add3A_335 = arith.constant 6 : i32
      %add3A_336 = arith.addi %add3A_334, %add3A_335 : i32
      %lt3A_337 = arith.constant 80 : i32
      %lt3A_338 = arith.cmpi slt, %add3A_336, %lt3A_337 : i32
      %convert_element_type3A_339 = arith.extui %lt3A_338 : i1 to i32
      %cond3A_340 = arith.constant 0 : i32
      %cond3A_341 = arith.cmpi ne, %convert_element_type3A_339, %cond3A_340 : i32
      scf.if %cond3A_341 {
        %add3A_359 = arith.constant 8 : i32
        %add3A_360 = arith.addi %mul3A_98, %add3A_359 : i32
        %add3A_361 = arith.constant 6 : i32
        %add3A_362 = arith.addi %add3A_360, %add3A_361 : i32
        %dma_start3A_363 = arith.constant 0 : i32
        %dma_start3A_364 = tpu.memref_slice %arg6[%add3A_362, %dma_start3A_363] : memref<80x125xi32, #tpu.memory_space<vmem>> -> memref<1x125xi32, #tpu.memory_space<vmem>>
        %dma_start3A_365 = tpu.memref_squeeze %dma_start3A_364 : memref<1x125xi32, #tpu.memory_space<vmem>> -> memref<125xi32, #tpu.memory_space<vmem>>
        %dma_start3A_366 = arith.constant 0 : i32
        %dma_start3A_367 = arith.constant 0 : i32
        %dma_start3A_368 = tpu.memref_slice %arg2[%dma_start3A_366, %dma_start3A_367] : memref<10000x32xbf16, #tpu.memory_space<hbm>> -> memref<10000x32xbf16, #tpu.memory_space<hbm>>
        tpu.enqueue_indirect_dma source(%dma_start3A_368 : memref<10000x32xbf16, #tpu.memory_space<hbm>>) target(%arg14 : memref<125x32xbf16, #tpu.memory_space<vmem>>) offsets(%dma_start3A_365 : memref<125xi32, #tpu.memory_space<vmem>>) semaphore(%arg23 : memref<!tpu.dma_semaphore, #tpu.memory_space<semaphore_mem>>)
      } else {
      }
      %add3A_342 = arith.constant 7 : i32
      %add3A_343 = arith.addi %mul3A_98, %add3A_342 : i32
      %dma_wait3A_344 = arith.constant 0 : i32
      %dma_wait3A_345 = tpu.memref_slice %arg7[%add3A_343, %dma_wait3A_344] : memref<80x125xi32, #tpu.memory_space<vmem>> -> memref<1x125xi32, #tpu.memory_space<vmem>>
      %dma_wait3A_346 = tpu.memref_squeeze %dma_wait3A_345 : memref<1x125xi32, #tpu.memory_space<vmem>> -> memref<125xi32, #tpu.memory_space<vmem>>
      %dma_wait3A_347 = arith.constant 0 : i32
      %dma_wait3A_348 = arith.constant 0 : i32
      %dma_wait3A_349 = tpu.memref_slice %arg16[%dma_wait3A_347, %dma_wait3A_348] : memref<10000x32xbf16, #tpu.memory_space<vmem_shared>> -> memref<10000x32xbf16, #tpu.memory_space<vmem_shared>>
      tpu.wait_indirect_dma semaphore(%arg32 : memref<!tpu.dma_semaphore, #tpu.memory_space<semaphore_mem>>) src(%arg15 : memref<125x32xbf16, #tpu.memory_space<vmem>>) dst(%dma_wait3A_349 : memref<10000x32xbf16, #tpu.memory_space<vmem_shared>>)
      %add3A_350 = arith.constant 8 : i32
      %add3A_351 = arith.addi %mul3A_98, %add3A_350 : i32
      %add3A_352 = arith.constant 7 : i32
      %add3A_353 = arith.addi %add3A_351, %add3A_352 : i32
      %lt3A_354 = arith.constant 80 : i32
      %lt3A_355 = arith.cmpi slt, %add3A_353, %lt3A_354 : i32
      %convert_element_type3A_356 = arith.extui %lt3A_355 : i1 to i32
      %cond3A_357 = arith.constant 0 : i32
      %cond3A_358 = arith.cmpi ne, %convert_element_type3A_356, %cond3A_357 : i32
      scf.if %cond3A_358 {
        %add3A_359 = arith.constant 8 : i32
        %add3A_360 = arith.addi %mul3A_98, %add3A_359 : i32
        %add3A_361 = arith.constant 7 : i32
        %add3A_362 = arith.addi %add3A_360, %add3A_361 : i32
        %dma_start3A_363 = arith.constant 0 : i32
        %dma_start3A_364 = tpu.memref_slice %arg6[%add3A_362, %dma_start3A_363] : memref<80x125xi32, #tpu.memory_space<vmem>> -> memref<1x125xi32, #tpu.memory_space<vmem>>
        %dma_start3A_365 = tpu.memref_squeeze %dma_start3A_364 : memref<1x125xi32, #tpu.memory_space<vmem>> -> memref<125xi32, #tpu.memory_space<vmem>>
        %dma_start3A_366 = arith.constant 0 : i32
        %dma_start3A_367 = arith.constant 0 : i32
        %dma_start3A_368 = tpu.memref_slice %arg2[%dma_start3A_366, %dma_start3A_367] : memref<10000x32xbf16, #tpu.memory_space<hbm>> -> memref<10000x32xbf16, #tpu.memory_space<hbm>>
        tpu.enqueue_indirect_dma source(%dma_start3A_368 : memref<10000x32xbf16, #tpu.memory_space<hbm>>) target(%arg15 : memref<125x32xbf16, #tpu.memory_space<vmem>>) offsets(%dma_start3A_365 : memref<125xi32, #tpu.memory_space<vmem>>) semaphore(%arg24 : memref<!tpu.dma_semaphore, #tpu.memory_space<semaphore_mem>>)
      } else {
      }
    }
    %scan3A_90 = arith.constant 10 : i32
    %barrier3A_91 = arith.constant 0 : index
    tpu.barrier barrier_id(%barrier3A_91)
    %mul3A_92 = arith.constant 625 : i32
    %mul3A_93 = arith.muli %arg1, %mul3A_92 : i32
    %mul3A_94 = arith.constant 625 : i32
    %mul3A_95 = arith.muli %arg1, %mul3A_94 : i32
    "tpu.region"() ({
      %run_scoped3A = tpu.sem_alloc : memref<!tpu.dma_semaphore, #tpu.memory_space<semaphore_mem>>
      %dma_start3A_96 = arith.constant 0 : i32
      %dma_start3A_97 = tpu.memref_slice %arg5[%arg0, %mul3A_95, %dma_start3A_96] : memref<2x10000x32xbf16, #tpu.memory_space<hbm>> -> memref<1x625x32xbf16, #tpu.memory_space<hbm>>
      %dma_start3A_98 = tpu.memref_squeeze %dma_start3A_97 : memref<1x625x32xbf16, #tpu.memory_space<hbm>> -> memref<625x32xbf16, #tpu.memory_space<hbm>>
      %dma_start3A_99 = arith.constant 0 : i32
      %dma_start3A_100 = tpu.memref_slice %arg16[%mul3A_93, %dma_start3A_99] : memref<10000x32xbf16, #tpu.memory_space<vmem_shared>> -> memref<625x32xbf16, #tpu.memory_space<vmem_shared>>
      tpu.enqueue_dma source(%dma_start3A_100 : memref<625x32xbf16, #tpu.memory_space<vmem_shared>>) target(%dma_start3A_98 : memref<625x32xbf16, #tpu.memory_space<hbm>>) target_semaphore(%run_scoped3A : memref<!tpu.dma_semaphore, #tpu.memory_space<semaphore_mem>>)
      %dma_wait3A = arith.constant 0 : i32
      %dma_wait3A_101 = tpu.memref_slice %arg5[%arg0, %mul3A_95, %dma_wait3A] : memref<2x10000x32xbf16, #tpu.memory_space<hbm>> -> memref<1x625x32xbf16, #tpu.memory_space<hbm>>
      %dma_wait3A_102 = tpu.memref_squeeze %dma_wait3A_101 : memref<1x625x32xbf16, #tpu.memory_space<hbm>> -> memref<625x32xbf16, #tpu.memory_space<hbm>>
      %dma_wait3A_103 = arith.constant 0 : i32
      %dma_wait3A_104 = tpu.memref_slice %arg16[%mul3A_93, %dma_wait3A_103] : memref<10000x32xbf16, #tpu.memory_space<vmem_shared>> -> memref<625x32xbf16, #tpu.memory_space<vmem_shared>>
      tpu.wait_dma2 semaphore(%run_scoped3A : memref<!tpu.dma_semaphore, #tpu.memory_space<semaphore_mem>>) src(%dma_wait3A_104 : memref<625x32xbf16, #tpu.memory_space<vmem_shared>>) dst(%dma_wait3A_102 : memref<625x32xbf16, #tpu.memory_space<hbm>>)
      tpu.yield
    }) : () -> ()
    return
  }
}

#map = affine_map<(d0, d1) -> (0, 0)>
#map1 = affine_map<(d0, d1) -> (0, 0, 0)>
module attributes {stable_mosaic.version = 14 : i64} {
  func.func @body(%arg0: i32, %arg1: i32, %arg2: memref<2560x125xi32, #tpu.memory_space<hbm>>, %arg3: memref<2x10000x16xf32, #tpu.memory_space<hbm>>, %arg4: memref<80x125xi32, #tpu.memory_space<vmem>>, %arg5: memref<125x16xf32, #tpu.memory_space<vmem>>, %arg6: memref<125x16xf32, #tpu.memory_space<vmem>>, %arg7: memref<125x16xf32, #tpu.memory_space<vmem>>, %arg8: memref<125x16xf32, #tpu.memory_space<vmem>>, %arg9: memref<10000x16xf32, #tpu.memory_space<vmem_shared>>, %arg10: memref<!tpu.dma_semaphore, #tpu.memory_space<semaphore_mem>>, %arg11: memref<!tpu.dma_semaphore, #tpu.memory_space<semaphore_mem>>, %arg12: memref<!tpu.dma_semaphore, #tpu.memory_space<semaphore_mem>>, %arg13: memref<!tpu.dma_semaphore, #tpu.memory_space<semaphore_mem>>, %arg14: memref<!tpu.dma_semaphore, #tpu.memory_space<semaphore_mem>>, %arg15: memref<!tpu.dma_semaphore, #tpu.memory_space<semaphore_mem>>, %arg16: memref<!tpu.dma_semaphore, #tpu.memory_space<semaphore_mem>>, %arg17: memref<!tpu.dma_semaphore, #tpu.memory_space<semaphore_mem>>) attributes {dimension_semantics = [#tpu.dimension_semantics<core_parallel>, #tpu.dimension_semantics<subcore_parallel>], iteration_bounds = array<i64: 2, 16>, scalar_prefetch = 0 : i64, scratch_operands = 14 : i64, tpu.core_type = #tpu.core_type<sc_vector_subcore>, window_params = [{transform_indices = #map}, {transform_indices = #map1}]} {
    %mul3A = arith.constant 2 : i32
    %mul3A_0 = arith.muli %arg1, %mul3A : i32
    %add3A = arith.addi %mul3A_0, %arg0 : i32
    %scan3A = arith.constant 0 : i32
    %scan3A_1 = arith.constant 0 : i32
    %scan3A_2 = arith.constant 125 : i32
    %scan3A_3 = arith.addi %scan3A_1, %scan3A_2 : i32
    %scan3A_4 = arith.constant 1 : i32
    scf.for %scan3A_45 = %scan3A_1 to %scan3A_3 step %scan3A_4  : i32 {
      %broadcast_in_dim3A = arith.constant 0.000000e+00 : f32
      %broadcast_in_dim3A_46 = vector.broadcast %broadcast_in_dim3A : f32 to vector<16xf32>
      %swap3A = arith.index_cast %scan3A_45 : i32 to index
      %swap3A_47 = arith.constant 0 : index
      %swap3A_48 = tpu.vector_load %arg5[%swap3A, %swap3A_47] {strides = array<i32>} : memref<125x16xf32, #tpu.memory_space<vmem>>, vector<1x16xf32>,
      %swap3A_49 = vector.shape_cast %swap3A_48 : vector<1x16xf32> to vector<16xf32>
      %swap3A_50 = vector.shape_cast %broadcast_in_dim3A_46 : vector<16xf32> to vector<1x16xf32>
      tpu.vector_store %arg5[%swap3A, %swap3A_47], %swap3A_50 {strides = array<i32>} : memref<125x16xf32, #tpu.memory_space<vmem>>, vector<1x16xf32>,
    }
    %scan3A_5 = arith.constant 125 : i32
    %mul3A_6 = arith.constant 625 : i32
    %mul3A_7 = arith.muli %arg1, %mul3A_6 : i32
    %add3A_8 = arith.constant 0 : i32
    %add3A_9 = arith.addi %mul3A_7, %add3A_8 : i32
    "tpu.region"() ({
      %run_scoped3A = tpu.sem_alloc : memref<!tpu.dma_semaphore, #tpu.memory_space<semaphore_mem>>
      %dma_start3A = arith.constant 0 : i32
      %dma_start3A_45 = tpu.memref_slice %arg9[%add3A_9, %dma_start3A] : memref<10000x16xf32, #tpu.memory_space<vmem_shared>> -> memref<125x16xf32, #tpu.memory_space<vmem_shared>>
      %dma_start3A_46 = arith.constant 0 : i32
      %dma_start3A_47 = tpu.memref_slice %arg9[%add3A_9, %dma_start3A_46] : memref<10000x16xf32, #tpu.memory_space<vmem_shared>> -> memref<125x16xf32, #tpu.memory_space<vmem_shared>>
      tpu.enqueue_dma source(%arg5 : memref<125x16xf32, #tpu.memory_space<vmem>>) target(%dma_start3A_47 : memref<125x16xf32, #tpu.memory_space<vmem_shared>>) target_semaphore(%run_scoped3A : memref<!tpu.dma_semaphore, #tpu.memory_space<semaphore_mem>>)
      %dma_wait3A = arith.constant 0 : i32
      %dma_wait3A_48 = tpu.memref_slice %arg9[%add3A_9, %dma_wait3A] : memref<10000x16xf32, #tpu.memory_space<vmem_shared>> -> memref<125x16xf32, #tpu.memory_space<vmem_shared>>
      %dma_wait3A_49 = arith.constant 0 : i32
      %dma_wait3A_50 = tpu.memref_slice %arg9[%add3A_9, %dma_wait3A_49] : memref<10000x16xf32, #tpu.memory_space<vmem_shared>> -> memref<125x16xf32, #tpu.memory_space<vmem_shared>>
      tpu.wait_dma2 semaphore(%run_scoped3A : memref<!tpu.dma_semaphore, #tpu.memory_space<semaphore_mem>>) src(%arg5 : memref<125x16xf32, #tpu.memory_space<vmem>>) dst(%dma_wait3A_50 : memref<125x16xf32, #tpu.memory_space<vmem_shared>>)
      tpu.yield
    }) : () -> ()
    %mul3A_10 = arith.constant 625 : i32
    %mul3A_11 = arith.muli %arg1, %mul3A_10 : i32
    %add3A_12 = arith.constant 125 : i32
    %add3A_13 = arith.addi %mul3A_11, %add3A_12 : i32
    "tpu.region"() ({
      %run_scoped3A = tpu.sem_alloc : memref<!tpu.dma_semaphore, #tpu.memory_space<semaphore_mem>>
      %dma_start3A = arith.constant 0 : i32
      %dma_start3A_45 = tpu.memref_slice %arg9[%add3A_13, %dma_start3A] : memref<10000x16xf32, #tpu.memory_space<vmem_shared>> -> memref<125x16xf32, #tpu.memory_space<vmem_shared>>
      %dma_start3A_46 = arith.constant 0 : i32
      %dma_start3A_47 = tpu.memref_slice %arg9[%add3A_13, %dma_start3A_46] : memref<10000x16xf32, #tpu.memory_space<vmem_shared>> -> memref<125x16xf32, #tpu.memory_space<vmem_shared>>
      tpu.enqueue_dma source(%arg5 : memref<125x16xf32, #tpu.memory_space<vmem>>) target(%dma_start3A_47 : memref<125x16xf32, #tpu.memory_space<vmem_shared>>) target_semaphore(%run_scoped3A : memref<!tpu.dma_semaphore, #tpu.memory_space<semaphore_mem>>)
      %dma_wait3A = arith.constant 0 : i32
      %dma_wait3A_48 = tpu.memref_slice %arg9[%add3A_13, %dma_wait3A] : memref<10000x16xf32, #tpu.memory_space<vmem_shared>> -> memref<125x16xf32, #tpu.memory_space<vmem_shared>>
      %dma_wait3A_49 = arith.constant 0 : i32
      %dma_wait3A_50 = tpu.memref_slice %arg9[%add3A_13, %dma_wait3A_49] : memref<10000x16xf32, #tpu.memory_space<vmem_shared>> -> memref<125x16xf32, #tpu.memory_space<vmem_shared>>
      tpu.wait_dma2 semaphore(%run_scoped3A : memref<!tpu.dma_semaphore, #tpu.memory_space<semaphore_mem>>) src(%arg5 : memref<125x16xf32, #tpu.memory_space<vmem>>) dst(%dma_wait3A_50 : memref<125x16xf32, #tpu.memory_space<vmem_shared>>)
      tpu.yield
    }) : () -> ()
    %mul3A_14 = arith.constant 625 : i32
    %mul3A_15 = arith.muli %arg1, %mul3A_14 : i32
    %add3A_16 = arith.constant 250 : i32
    %add3A_17 = arith.addi %mul3A_15, %add3A_16 : i32
    "tpu.region"() ({
      %run_scoped3A = tpu.sem_alloc : memref<!tpu.dma_semaphore, #tpu.memory_space<semaphore_mem>>
      %dma_start3A = arith.constant 0 : i32
      %dma_start3A_45 = tpu.memref_slice %arg9[%add3A_17, %dma_start3A] : memref<10000x16xf32, #tpu.memory_space<vmem_shared>> -> memref<125x16xf32, #tpu.memory_space<vmem_shared>>
      %dma_start3A_46 = arith.constant 0 : i32
      %dma_start3A_47 = tpu.memref_slice %arg9[%add3A_17, %dma_start3A_46] : memref<10000x16xf32, #tpu.memory_space<vmem_shared>> -> memref<125x16xf32, #tpu.memory_space<vmem_shared>>
      tpu.enqueue_dma source(%arg5 : memref<125x16xf32, #tpu.memory_space<vmem>>) target(%dma_start3A_47 : memref<125x16xf32, #tpu.memory_space<vmem_shared>>) target_semaphore(%run_scoped3A : memref<!tpu.dma_semaphore, #tpu.memory_space<semaphore_mem>>)
      %dma_wait3A = arith.constant 0 : i32
      %dma_wait3A_48 = tpu.memref_slice %arg9[%add3A_17, %dma_wait3A] : memref<10000x16xf32, #tpu.memory_space<vmem_shared>> -> memref<125x16xf32, #tpu.memory_space<vmem_shared>>
      %dma_wait3A_49 = arith.constant 0 : i32
      %dma_wait3A_50 = tpu.memref_slice %arg9[%add3A_17, %dma_wait3A_49] : memref<10000x16xf32, #tpu.memory_space<vmem_shared>> -> memref<125x16xf32, #tpu.memory_space<vmem_shared>>
      tpu.wait_dma2 semaphore(%run_scoped3A : memref<!tpu.dma_semaphore, #tpu.memory_space<semaphore_mem>>) src(%arg5 : memref<125x16xf32, #tpu.memory_space<vmem>>) dst(%dma_wait3A_50 : memref<125x16xf32, #tpu.memory_space<vmem_shared>>)
      tpu.yield
    }) : () -> ()
    %mul3A_18 = arith.constant 625 : i32
    %mul3A_19 = arith.muli %arg1, %mul3A_18 : i32
    %add3A_20 = arith.constant 375 : i32
    %add3A_21 = arith.addi %mul3A_19, %add3A_20 : i32
    "tpu.region"() ({
      %run_scoped3A = tpu.sem_alloc : memref<!tpu.dma_semaphore, #tpu.memory_space<semaphore_mem>>
      %dma_start3A = arith.constant 0 : i32
      %dma_start3A_45 = tpu.memref_slice %arg9[%add3A_21, %dma_start3A] : memref<10000x16xf32, #tpu.memory_space<vmem_shared>> -> memref<125x16xf32, #tpu.memory_space<vmem_shared>>
      %dma_start3A_46 = arith.constant 0 : i32
      %dma_start3A_47 = tpu.memref_slice %arg9[%add3A_21, %dma_start3A_46] : memref<10000x16xf32, #tpu.memory_space<vmem_shared>> -> memref<125x16xf32, #tpu.memory_space<vmem_shared>>
      tpu.enqueue_dma source(%arg5 : memref<125x16xf32, #tpu.memory_space<vmem>>) target(%dma_start3A_47 : memref<125x16xf32, #tpu.memory_space<vmem_shared>>) target_semaphore(%run_scoped3A : memref<!tpu.dma_semaphore, #tpu.memory_space<semaphore_mem>>)
      %dma_wait3A = arith.constant 0 : i32
      %dma_wait3A_48 = tpu.memref_slice %arg9[%add3A_21, %dma_wait3A] : memref<10000x16xf32, #tpu.memory_space<vmem_shared>> -> memref<125x16xf32, #tpu.memory_space<vmem_shared>>
      %dma_wait3A_49 = arith.constant 0 : i32
      %dma_wait3A_50 = tpu.memref_slice %arg9[%add3A_21, %dma_wait3A_49] : memref<10000x16xf32, #tpu.memory_space<vmem_shared>> -> memref<125x16xf32, #tpu.memory_space<vmem_shared>>
      tpu.wait_dma2 semaphore(%run_scoped3A : memref<!tpu.dma_semaphore, #tpu.memory_space<semaphore_mem>>) src(%arg5 : memref<125x16xf32, #tpu.memory_space<vmem>>) dst(%dma_wait3A_50 : memref<125x16xf32, #tpu.memory_space<vmem_shared>>)
      tpu.yield
    }) : () -> ()
    %mul3A_22 = arith.constant 625 : i32
    %mul3A_23 = arith.muli %arg1, %mul3A_22 : i32
    %add3A_24 = arith.constant 500 : i32
    %add3A_25 = arith.addi %mul3A_23, %add3A_24 : i32
    "tpu.region"() ({
      %run_scoped3A = tpu.sem_alloc : memref<!tpu.dma_semaphore, #tpu.memory_space<semaphore_mem>>
      %dma_start3A = arith.constant 0 : i32
      %dma_start3A_45 = tpu.memref_slice %arg9[%add3A_25, %dma_start3A] : memref<10000x16xf32, #tpu.memory_space<vmem_shared>> -> memref<125x16xf32, #tpu.memory_space<vmem_shared>>
      %dma_start3A_46 = arith.constant 0 : i32
      %dma_start3A_47 = tpu.memref_slice %arg9[%add3A_25, %dma_start3A_46] : memref<10000x16xf32, #tpu.memory_space<vmem_shared>> -> memref<125x16xf32, #tpu.memory_space<vmem_shared>>
      tpu.enqueue_dma source(%arg5 : memref<125x16xf32, #tpu.memory_space<vmem>>) target(%dma_start3A_47 : memref<125x16xf32, #tpu.memory_space<vmem_shared>>) target_semaphore(%run_scoped3A : memref<!tpu.dma_semaphore, #tpu.memory_space<semaphore_mem>>)
      %dma_wait3A = arith.constant 0 : i32
      %dma_wait3A_48 = tpu.memref_slice %arg9[%add3A_25, %dma_wait3A] : memref<10000x16xf32, #tpu.memory_space<vmem_shared>> -> memref<125x16xf32, #tpu.memory_space<vmem_shared>>
      %dma_wait3A_49 = arith.constant 0 : i32
      %dma_wait3A_50 = tpu.memref_slice %arg9[%add3A_25, %dma_wait3A_49] : memref<10000x16xf32, #tpu.memory_space<vmem_shared>> -> memref<125x16xf32, #tpu.memory_space<vmem_shared>>
      tpu.wait_dma2 semaphore(%run_scoped3A : memref<!tpu.dma_semaphore, #tpu.memory_space<semaphore_mem>>) src(%arg5 : memref<125x16xf32, #tpu.memory_space<vmem>>) dst(%dma_wait3A_50 : memref<125x16xf32, #tpu.memory_space<vmem_shared>>)
      tpu.yield
    }) : () -> ()
    %barrier3A = arith.constant 0 : index
    tpu.barrier barrier_id(%barrier3A)
    %mul3A_26 = arith.constant 80 : i32
    %mul3A_27 = arith.muli %add3A, %mul3A_26 : i32
    "tpu.region"() ({
      %run_scoped3A = tpu.sem_alloc : memref<!tpu.dma_semaphore, #tpu.memory_space<semaphore_mem>>
      %dma_start3A = arith.constant 0 : i32
      %dma_start3A_45 = tpu.memref_slice %arg2[%mul3A_27, %dma_start3A] : memref<2560x125xi32, #tpu.memory_space<hbm>> -> memref<80x125xi32, #tpu.memory_space<hbm>>
      %dma_start3A_46 = arith.constant 0 : i32
      %dma_start3A_47 = tpu.memref_slice %arg2[%mul3A_27, %dma_start3A_46] : memref<2560x125xi32, #tpu.memory_space<hbm>> -> memref<80x125xi32, #tpu.memory_space<hbm>>
      tpu.enqueue_dma source(%dma_start3A_47 : memref<80x125xi32, #tpu.memory_space<hbm>>) target(%arg4 : memref<80x125xi32, #tpu.memory_space<vmem>>) target_semaphore(%run_scoped3A : memref<!tpu.dma_semaphore, #tpu.memory_space<semaphore_mem>>)
      %dma_wait3A = arith.constant 0 : i32
      %dma_wait3A_48 = tpu.memref_slice %arg2[%mul3A_27, %dma_wait3A] : memref<2560x125xi32, #tpu.memory_space<hbm>> -> memref<80x125xi32, #tpu.memory_space<hbm>>
      %dma_wait3A_49 = arith.constant 0 : i32
      %dma_wait3A_50 = tpu.memref_slice %arg2[%mul3A_27, %dma_wait3A_49] : memref<2560x125xi32, #tpu.memory_space<hbm>> -> memref<80x125xi32, #tpu.memory_space<hbm>>
      tpu.wait_dma2 semaphore(%run_scoped3A : memref<!tpu.dma_semaphore, #tpu.memory_space<semaphore_mem>>) src(%dma_wait3A_50 : memref<80x125xi32, #tpu.memory_space<hbm>>) dst(%arg4 : memref<80x125xi32, #tpu.memory_space<vmem>>)
      tpu.yield
    }) : () -> ()
    %scan3A_28 = arith.constant 0 : i32
    %scan3A_29 = arith.constant 0 : i32
    %scan3A_30 = arith.constant 125 : i32
    %scan3A_31 = arith.addi %scan3A_29, %scan3A_30 : i32
    %scan3A_32 = arith.constant 1 : i32
    scf.for %scan3A_45 = %scan3A_29 to %scan3A_31 step %scan3A_32  : i32 {
      %broadcast_in_dim3A = arith.constant 1.000000e+00 : f32
      %broadcast_in_dim3A_46 = vector.broadcast %broadcast_in_dim3A : f32 to vector<16xf32>
      %swap3A = arith.index_cast %scan3A_45 : i32 to index
      %swap3A_47 = arith.constant 0 : index
      %swap3A_48 = tpu.vector_load %arg5[%swap3A, %swap3A_47] {strides = array<i32>} : memref<125x16xf32, #tpu.memory_space<vmem>>, vector<1x16xf32>,
      %swap3A_49 = vector.shape_cast %swap3A_48 : vector<1x16xf32> to vector<16xf32>
      %swap3A_50 = vector.shape_cast %broadcast_in_dim3A_46 : vector<16xf32> to vector<1x16xf32>
      tpu.vector_store %arg5[%swap3A, %swap3A_47], %swap3A_50 {strides = array<i32>} : memref<125x16xf32, #tpu.memory_space<vmem>>, vector<1x16xf32>,
    }
    %scan3A_33 = arith.constant 125 : i32
    %scan3A_34 = arith.constant 0 : i32
    %scan3A_35 = arith.constant 0 : i32
    %scan3A_36 = arith.constant 10 : i32
    %scan3A_37 = arith.addi %scan3A_35, %scan3A_36 : i32
    %scan3A_38 = arith.constant 1 : i32
    scf.for %scan3A_45 = %scan3A_35 to %scan3A_37 step %scan3A_38  : i32 {
      %mul3A_46 = arith.constant 8 : i32
      %mul3A_47 = arith.muli %scan3A_45, %mul3A_46 : i32
      %add3A_48 = arith.constant 0 : i32
      %add3A_49 = arith.addi %mul3A_47, %add3A_48 : i32
      %dma_start3A = arith.constant 0 : i32
      %dma_start3A_50 = tpu.memref_slice %arg4[%add3A_49, %dma_start3A] : memref<80x125xi32, #tpu.memory_space<vmem>> -> memref<1x125xi32, #tpu.memory_space<vmem>>
      %dma_start3A_51 = tpu.memref_squeeze %dma_start3A_50 : memref<1x125xi32, #tpu.memory_space<vmem>> -> memref<125xi32, #tpu.memory_space<vmem>>
      %dma_start3A_52 = arith.constant 0 : i32
      %dma_start3A_53 = arith.constant 0 : i32
      %dma_start3A_54 = tpu.memref_slice %arg9[%dma_start3A_52, %dma_start3A_53] : memref<10000x16xf32, #tpu.memory_space<vmem_shared>> -> memref<10000x16xf32, #tpu.memory_space<vmem_shared>>
      tpu.enqueue_indirect_dma source(%arg5 : memref<125x16xf32, #tpu.memory_space<vmem>>) target(%dma_start3A_54 : memref<10000x16xf32, #tpu.memory_space<vmem_shared>>) offsets(%dma_start3A_51 : memref<125xi32, #tpu.memory_space<vmem>>) semaphore(%arg10 : memref<!tpu.dma_semaphore, #tpu.memory_space<semaphore_mem>>) {add = true}
      %mul3A_55 = arith.constant 8 : i32
      %mul3A_56 = arith.muli %scan3A_45, %mul3A_55 : i32
      %add3A_57 = arith.constant 1 : i32
      %add3A_58 = arith.addi %mul3A_56, %add3A_57 : i32
      %dma_start3A_59 = arith.constant 0 : i32
      %dma_start3A_60 = tpu.memref_slice %arg4[%add3A_58, %dma_start3A_59] : memref<80x125xi32, #tpu.memory_space<vmem>> -> memref<1x125xi32, #tpu.memory_space<vmem>>
      %dma_start3A_61 = tpu.memref_squeeze %dma_start3A_60 : memref<1x125xi32, #tpu.memory_space<vmem>> -> memref<125xi32, #tpu.memory_space<vmem>>
      %dma_start3A_62 = arith.constant 0 : i32
      %dma_start3A_63 = arith.constant 0 : i32
      %dma_start3A_64 = tpu.memref_slice %arg9[%dma_start3A_62, %dma_start3A_63] : memref<10000x16xf32, #tpu.memory_space<vmem_shared>> -> memref<10000x16xf32, #tpu.memory_space<vmem_shared>>
      tpu.enqueue_indirect_dma source(%arg5 : memref<125x16xf32, #tpu.memory_space<vmem>>) target(%dma_start3A_64 : memref<10000x16xf32, #tpu.memory_space<vmem_shared>>) offsets(%dma_start3A_61 : memref<125xi32, #tpu.memory_space<vmem>>) semaphore(%arg10 : memref<!tpu.dma_semaphore, #tpu.memory_space<semaphore_mem>>) {add = true}
      %mul3A_65 = arith.constant 8 : i32
      %mul3A_66 = arith.muli %scan3A_45, %mul3A_65 : i32
      %add3A_67 = arith.constant 2 : i32
      %add3A_68 = arith.addi %mul3A_66, %add3A_67 : i32
      %dma_start3A_69 = arith.constant 0 : i32
      %dma_start3A_70 = tpu.memref_slice %arg4[%add3A_68, %dma_start3A_69] : memref<80x125xi32, #tpu.memory_space<vmem>> -> memref<1x125xi32, #tpu.memory_space<vmem>>
      %dma_start3A_71 = tpu.memref_squeeze %dma_start3A_70 : memref<1x125xi32, #tpu.memory_space<vmem>> -> memref<125xi32, #tpu.memory_space<vmem>>
      %dma_start3A_72 = arith.constant 0 : i32
      %dma_start3A_73 = arith.constant 0 : i32
      %dma_start3A_74 = tpu.memref_slice %arg9[%dma_start3A_72, %dma_start3A_73] : memref<10000x16xf32, #tpu.memory_space<vmem_shared>> -> memref<10000x16xf32, #tpu.memory_space<vmem_shared>>
      tpu.enqueue_indirect_dma source(%arg5 : memref<125x16xf32, #tpu.memory_space<vmem>>) target(%dma_start3A_74 : memref<10000x16xf32, #tpu.memory_space<vmem_shared>>) offsets(%dma_start3A_71 : memref<125xi32, #tpu.memory_space<vmem>>) semaphore(%arg10 : memref<!tpu.dma_semaphore, #tpu.memory_space<semaphore_mem>>) {add = true}
      %mul3A_75 = arith.constant 8 : i32
      %mul3A_76 = arith.muli %scan3A_45, %mul3A_75 : i32
      %add3A_77 = arith.constant 3 : i32
      %add3A_78 = arith.addi %mul3A_76, %add3A_77 : i32
      %dma_start3A_79 = arith.constant 0 : i32
      %dma_start3A_80 = tpu.memref_slice %arg4[%add3A_78, %dma_start3A_79] : memref<80x125xi32, #tpu.memory_space<vmem>> -> memref<1x125xi32, #tpu.memory_space<vmem>>
      %dma_start3A_81 = tpu.memref_squeeze %dma_start3A_80 : memref<1x125xi32, #tpu.memory_space<vmem>> -> memref<125xi32, #tpu.memory_space<vmem>>
      %dma_start3A_82 = arith.constant 0 : i32
      %dma_start3A_83 = arith.constant 0 : i32
      %dma_start3A_84 = tpu.memref_slice %arg9[%dma_start3A_82, %dma_start3A_83] : memref<10000x16xf32, #tpu.memory_space<vmem_shared>> -> memref<10000x16xf32, #tpu.memory_space<vmem_shared>>
      tpu.enqueue_indirect_dma source(%arg5 : memref<125x16xf32, #tpu.memory_space<vmem>>) target(%dma_start3A_84 : memref<10000x16xf32, #tpu.memory_space<vmem_shared>>) offsets(%dma_start3A_81 : memref<125xi32, #tpu.memory_space<vmem>>) semaphore(%arg10 : memref<!tpu.dma_semaphore, #tpu.memory_space<semaphore_mem>>) {add = true}
      %mul3A_85 = arith.constant 8 : i32
      %mul3A_86 = arith.muli %scan3A_45, %mul3A_85 : i32
      %add3A_87 = arith.constant 4 : i32
      %add3A_88 = arith.addi %mul3A_86, %add3A_87 : i32
      %dma_start3A_89 = arith.constant 0 : i32
      %dma_start3A_90 = tpu.memref_slice %arg4[%add3A_88, %dma_start3A_89] : memref<80x125xi32, #tpu.memory_space<vmem>> -> memref<1x125xi32, #tpu.memory_space<vmem>>
      %dma_start3A_91 = tpu.memref_squeeze %dma_start3A_90 : memref<1x125xi32, #tpu.memory_space<vmem>> -> memref<125xi32, #tpu.memory_space<vmem>>
      %dma_start3A_92 = arith.constant 0 : i32
      %dma_start3A_93 = arith.constant 0 : i32
      %dma_start3A_94 = tpu.memref_slice %arg9[%dma_start3A_92, %dma_start3A_93] : memref<10000x16xf32, #tpu.memory_space<vmem_shared>> -> memref<10000x16xf32, #tpu.memory_space<vmem_shared>>
      tpu.enqueue_indirect_dma source(%arg5 : memref<125x16xf32, #tpu.memory_space<vmem>>) target(%dma_start3A_94 : memref<10000x16xf32, #tpu.memory_space<vmem_shared>>) offsets(%dma_start3A_91 : memref<125xi32, #tpu.memory_space<vmem>>) semaphore(%arg10 : memref<!tpu.dma_semaphore, #tpu.memory_space<semaphore_mem>>) {add = true}
      %mul3A_95 = arith.constant 8 : i32
      %mul3A_96 = arith.muli %scan3A_45, %mul3A_95 : i32
      %add3A_97 = arith.constant 5 : i32
      %add3A_98 = arith.addi %mul3A_96, %add3A_97 : i32
      %dma_start3A_99 = arith.constant 0 : i32
      %dma_start3A_100 = tpu.memref_slice %arg4[%add3A_98, %dma_start3A_99] : memref<80x125xi32, #tpu.memory_space<vmem>> -> memref<1x125xi32, #tpu.memory_space<vmem>>
      %dma_start3A_101 = tpu.memref_squeeze %dma_start3A_100 : memref<1x125xi32, #tpu.memory_space<vmem>> -> memref<125xi32, #tpu.memory_space<vmem>>
      %dma_start3A_102 = arith.constant 0 : i32
      %dma_start3A_103 = arith.constant 0 : i32
      %dma_start3A_104 = tpu.memref_slice %arg9[%dma_start3A_102, %dma_start3A_103] : memref<10000x16xf32, #tpu.memory_space<vmem_shared>> -> memref<10000x16xf32, #tpu.memory_space<vmem_shared>>
      tpu.enqueue_indirect_dma source(%arg5 : memref<125x16xf32, #tpu.memory_space<vmem>>) target(%dma_start3A_104 : memref<10000x16xf32, #tpu.memory_space<vmem_shared>>) offsets(%dma_start3A_101 : memref<125xi32, #tpu.memory_space<vmem>>) semaphore(%arg10 : memref<!tpu.dma_semaphore, #tpu.memory_space<semaphore_mem>>) {add = true}
      %mul3A_105 = arith.constant 8 : i32
      %mul3A_106 = arith.muli %scan3A_45, %mul3A_105 : i32
      %add3A_107 = arith.constant 6 : i32
      %add3A_108 = arith.addi %mul3A_106, %add3A_107 : i32
      %dma_start3A_109 = arith.constant 0 : i32
      %dma_start3A_110 = tpu.memref_slice %arg4[%add3A_108, %dma_start3A_109] : memref<80x125xi32, #tpu.memory_space<vmem>> -> memref<1x125xi32, #tpu.memory_space<vmem>>
      %dma_start3A_111 = tpu.memref_squeeze %dma_start3A_110 : memref<1x125xi32, #tpu.memory_space<vmem>> -> memref<125xi32, #tpu.memory_space<vmem>>
      %dma_start3A_112 = arith.constant 0 : i32
      %dma_start3A_113 = arith.constant 0 : i32
      %dma_start3A_114 = tpu.memref_slice %arg9[%dma_start3A_112, %dma_start3A_113] : memref<10000x16xf32, #tpu.memory_space<vmem_shared>> -> memref<10000x16xf32, #tpu.memory_space<vmem_shared>>
      tpu.enqueue_indirect_dma source(%arg5 : memref<125x16xf32, #tpu.memory_space<vmem>>) target(%dma_start3A_114 : memref<10000x16xf32, #tpu.memory_space<vmem_shared>>) offsets(%dma_start3A_111 : memref<125xi32, #tpu.memory_space<vmem>>) semaphore(%arg10 : memref<!tpu.dma_semaphore, #tpu.memory_space<semaphore_mem>>) {add = true}
      %mul3A_115 = arith.constant 8 : i32
      %mul3A_116 = arith.muli %scan3A_45, %mul3A_115 : i32
      %add3A_117 = arith.constant 7 : i32
      %add3A_118 = arith.addi %mul3A_116, %add3A_117 : i32
      %dma_start3A_119 = arith.constant 0 : i32
      %dma_start3A_120 = tpu.memref_slice %arg4[%add3A_118, %dma_start3A_119] : memref<80x125xi32, #tpu.memory_space<vmem>> -> memref<1x125xi32, #tpu.memory_space<vmem>>
      %dma_start3A_121 = tpu.memref_squeeze %dma_start3A_120 : memref<1x125xi32, #tpu.memory_space<vmem>> -> memref<125xi32, #tpu.memory_space<vmem>>
      %dma_start3A_122 = arith.constant 0 : i32
      %dma_start3A_123 = arith.constant 0 : i32
      %dma_start3A_124 = tpu.memref_slice %arg9[%dma_start3A_122, %dma_start3A_123] : memref<10000x16xf32, #tpu.memory_space<vmem_shared>> -> memref<10000x16xf32, #tpu.memory_space<vmem_shared>>
      tpu.enqueue_indirect_dma source(%arg5 : memref<125x16xf32, #tpu.memory_space<vmem>>) target(%dma_start3A_124 : memref<10000x16xf32, #tpu.memory_space<vmem_shared>>) offsets(%dma_start3A_121 : memref<125xi32, #tpu.memory_space<vmem>>) semaphore(%arg10 : memref<!tpu.dma_semaphore, #tpu.memory_space<semaphore_mem>>) {add = true}
      %mul3A_125 = arith.constant 8 : i32
      %mul3A_126 = arith.muli %scan3A_45, %mul3A_125 : i32
      %add3A_127 = arith.constant 0 : i32
      %add3A_128 = arith.addi %mul3A_126, %add3A_127 : i32
      %dma_wait3A = arith.constant 0 : i32
      %dma_wait3A_129 = tpu.memref_slice %arg4[%add3A_128, %dma_wait3A] : memref<80x125xi32, #tpu.memory_space<vmem>> -> memref<1x125xi32, #tpu.memory_space<vmem>>
      %dma_wait3A_130 = tpu.memref_squeeze %dma_wait3A_129 : memref<1x125xi32, #tpu.memory_space<vmem>> -> memref<125xi32, #tpu.memory_space<vmem>>
      %dma_wait3A_131 = arith.constant 0 : i32
      %dma_wait3A_132 = arith.constant 0 : i32
      %dma_wait3A_133 = tpu.memref_slice %arg9[%dma_wait3A_131, %dma_wait3A_132] : memref<10000x16xf32, #tpu.memory_space<vmem_shared>> -> memref<10000x16xf32, #tpu.memory_space<vmem_shared>>
      tpu.wait_indirect_dma semaphore(%arg10 : memref<!tpu.dma_semaphore, #tpu.memory_space<semaphore_mem>>) src(%arg5 : memref<125x16xf32, #tpu.memory_space<vmem>>) dst(%dma_wait3A_133 : memref<10000x16xf32, #tpu.memory_space<vmem_shared>>)
      %mul3A_134 = arith.constant 8 : i32
      %mul3A_135 = arith.muli %scan3A_45, %mul3A_134 : i32
      %add3A_136 = arith.constant 1 : i32
      %add3A_137 = arith.addi %mul3A_135, %add3A_136 : i32
      %dma_wait3A_138 = arith.constant 0 : i32
      %dma_wait3A_139 = tpu.memref_slice %arg4[%add3A_137, %dma_wait3A_138] : memref<80x125xi32, #tpu.memory_space<vmem>> -> memref<1x125xi32, #tpu.memory_space<vmem>>
      %dma_wait3A_140 = tpu.memref_squeeze %dma_wait3A_139 : memref<1x125xi32, #tpu.memory_space<vmem>> -> memref<125xi32, #tpu.memory_space<vmem>>
      %dma_wait3A_141 = arith.constant 0 : i32
      %dma_wait3A_142 = arith.constant 0 : i32
      %dma_wait3A_143 = tpu.memref_slice %arg9[%dma_wait3A_141, %dma_wait3A_142] : memref<10000x16xf32, #tpu.memory_space<vmem_shared>> -> memref<10000x16xf32, #tpu.memory_space<vmem_shared>>
      tpu.wait_indirect_dma semaphore(%arg10 : memref<!tpu.dma_semaphore, #tpu.memory_space<semaphore_mem>>) src(%arg5 : memref<125x16xf32, #tpu.memory_space<vmem>>) dst(%dma_wait3A_143 : memref<10000x16xf32, #tpu.memory_space<vmem_shared>>)
      %mul3A_144 = arith.constant 8 : i32
      %mul3A_145 = arith.muli %scan3A_45, %mul3A_144 : i32
      %add3A_146 = arith.constant 2 : i32
      %add3A_147 = arith.addi %mul3A_145, %add3A_146 : i32
      %dma_wait3A_148 = arith.constant 0 : i32
      %dma_wait3A_149 = tpu.memref_slice %arg4[%add3A_147, %dma_wait3A_148] : memref<80x125xi32, #tpu.memory_space<vmem>> -> memref<1x125xi32, #tpu.memory_space<vmem>>
      %dma_wait3A_150 = tpu.memref_squeeze %dma_wait3A_149 : memref<1x125xi32, #tpu.memory_space<vmem>> -> memref<125xi32, #tpu.memory_space<vmem>>
      %dma_wait3A_151 = arith.constant 0 : i32
      %dma_wait3A_152 = arith.constant 0 : i32
      %dma_wait3A_153 = tpu.memref_slice %arg9[%dma_wait3A_151, %dma_wait3A_152] : memref<10000x16xf32, #tpu.memory_space<vmem_shared>> -> memref<10000x16xf32, #tpu.memory_space<vmem_shared>>
      tpu.wait_indirect_dma semaphore(%arg10 : memref<!tpu.dma_semaphore, #tpu.memory_space<semaphore_mem>>) src(%arg5 : memref<125x16xf32, #tpu.memory_space<vmem>>) dst(%dma_wait3A_153 : memref<10000x16xf32, #tpu.memory_space<vmem_shared>>)
      %mul3A_154 = arith.constant 8 : i32
      %mul3A_155 = arith.muli %scan3A_45, %mul3A_154 : i32
      %add3A_156 = arith.constant 3 : i32
      %add3A_157 = arith.addi %mul3A_155, %add3A_156 : i32
      %dma_wait3A_158 = arith.constant 0 : i32
      %dma_wait3A_159 = tpu.memref_slice %arg4[%add3A_157, %dma_wait3A_158] : memref<80x125xi32, #tpu.memory_space<vmem>> -> memref<1x125xi32, #tpu.memory_space<vmem>>
      %dma_wait3A_160 = tpu.memref_squeeze %dma_wait3A_159 : memref<1x125xi32, #tpu.memory_space<vmem>> -> memref<125xi32, #tpu.memory_space<vmem>>
      %dma_wait3A_161 = arith.constant 0 : i32
      %dma_wait3A_162 = arith.constant 0 : i32
      %dma_wait3A_163 = tpu.memref_slice %arg9[%dma_wait3A_161, %dma_wait3A_162] : memref<10000x16xf32, #tpu.memory_space<vmem_shared>> -> memref<10000x16xf32, #tpu.memory_space<vmem_shared>>
      tpu.wait_indirect_dma semaphore(%arg10 : memref<!tpu.dma_semaphore, #tpu.memory_space<semaphore_mem>>) src(%arg5 : memref<125x16xf32, #tpu.memory_space<vmem>>) dst(%dma_wait3A_163 : memref<10000x16xf32, #tpu.memory_space<vmem_shared>>)
      %mul3A_164 = arith.constant 8 : i32
      %mul3A_165 = arith.muli %scan3A_45, %mul3A_164 : i32
      %add3A_166 = arith.constant 4 : i32
      %add3A_167 = arith.addi %mul3A_165, %add3A_166 : i32
      %dma_wait3A_168 = arith.constant 0 : i32
      %dma_wait3A_169 = tpu.memref_slice %arg4[%add3A_167, %dma_wait3A_168] : memref<80x125xi32, #tpu.memory_space<vmem>> -> memref<1x125xi32, #tpu.memory_space<vmem>>
      %dma_wait3A_170 = tpu.memref_squeeze %dma_wait3A_169 : memref<1x125xi32, #tpu.memory_space<vmem>> -> memref<125xi32, #tpu.memory_space<vmem>>
      %dma_wait3A_171 = arith.constant 0 : i32
      %dma_wait3A_172 = arith.constant 0 : i32
      %dma_wait3A_173 = tpu.memref_slice %arg9[%dma_wait3A_171, %dma_wait3A_172] : memref<10000x16xf32, #tpu.memory_space<vmem_shared>> -> memref<10000x16xf32, #tpu.memory_space<vmem_shared>>
      tpu.wait_indirect_dma semaphore(%arg10 : memref<!tpu.dma_semaphore, #tpu.memory_space<semaphore_mem>>) src(%arg5 : memref<125x16xf32, #tpu.memory_space<vmem>>) dst(%dma_wait3A_173 : memref<10000x16xf32, #tpu.memory_space<vmem_shared>>)
      %mul3A_174 = arith.constant 8 : i32
      %mul3A_175 = arith.muli %scan3A_45, %mul3A_174 : i32
      %add3A_176 = arith.constant 5 : i32
      %add3A_177 = arith.addi %mul3A_175, %add3A_176 : i32
      %dma_wait3A_178 = arith.constant 0 : i32
      %dma_wait3A_179 = tpu.memref_slice %arg4[%add3A_177, %dma_wait3A_178] : memref<80x125xi32, #tpu.memory_space<vmem>> -> memref<1x125xi32, #tpu.memory_space<vmem>>
      %dma_wait3A_180 = tpu.memref_squeeze %dma_wait3A_179 : memref<1x125xi32, #tpu.memory_space<vmem>> -> memref<125xi32, #tpu.memory_space<vmem>>
      %dma_wait3A_181 = arith.constant 0 : i32
      %dma_wait3A_182 = arith.constant 0 : i32
      %dma_wait3A_183 = tpu.memref_slice %arg9[%dma_wait3A_181, %dma_wait3A_182] : memref<10000x16xf32, #tpu.memory_space<vmem_shared>> -> memref<10000x16xf32, #tpu.memory_space<vmem_shared>>
      tpu.wait_indirect_dma semaphore(%arg10 : memref<!tpu.dma_semaphore, #tpu.memory_space<semaphore_mem>>) src(%arg5 : memref<125x16xf32, #tpu.memory_space<vmem>>) dst(%dma_wait3A_183 : memref<10000x16xf32, #tpu.memory_space<vmem_shared>>)
      %mul3A_184 = arith.constant 8 : i32
      %mul3A_185 = arith.muli %scan3A_45, %mul3A_184 : i32
      %add3A_186 = arith.constant 6 : i32
      %add3A_187 = arith.addi %mul3A_185, %add3A_186 : i32
      %dma_wait3A_188 = arith.constant 0 : i32
      %dma_wait3A_189 = tpu.memref_slice %arg4[%add3A_187, %dma_wait3A_188] : memref<80x125xi32, #tpu.memory_space<vmem>> -> memref<1x125xi32, #tpu.memory_space<vmem>>
      %dma_wait3A_190 = tpu.memref_squeeze %dma_wait3A_189 : memref<1x125xi32, #tpu.memory_space<vmem>> -> memref<125xi32, #tpu.memory_space<vmem>>
      %dma_wait3A_191 = arith.constant 0 : i32
      %dma_wait3A_192 = arith.constant 0 : i32
      %dma_wait3A_193 = tpu.memref_slice %arg9[%dma_wait3A_191, %dma_wait3A_192] : memref<10000x16xf32, #tpu.memory_space<vmem_shared>> -> memref<10000x16xf32, #tpu.memory_space<vmem_shared>>
      tpu.wait_indirect_dma semaphore(%arg10 : memref<!tpu.dma_semaphore, #tpu.memory_space<semaphore_mem>>) src(%arg5 : memref<125x16xf32, #tpu.memory_space<vmem>>) dst(%dma_wait3A_193 : memref<10000x16xf32, #tpu.memory_space<vmem_shared>>)
      %mul3A_194 = arith.constant 8 : i32
      %mul3A_195 = arith.muli %scan3A_45, %mul3A_194 : i32
      %add3A_196 = arith.constant 7 : i32
      %add3A_197 = arith.addi %mul3A_195, %add3A_196 : i32
      %dma_wait3A_198 = arith.constant 0 : i32
      %dma_wait3A_199 = tpu.memref_slice %arg4[%add3A_197, %dma_wait3A_198] : memref<80x125xi32, #tpu.memory_space<vmem>> -> memref<1x125xi32, #tpu.memory_space<vmem>>
      %dma_wait3A_200 = tpu.memref_squeeze %dma_wait3A_199 : memref<1x125xi32, #tpu.memory_space<vmem>> -> memref<125xi32, #tpu.memory_space<vmem>>
      %dma_wait3A_201 = arith.constant 0 : i32
      %dma_wait3A_202 = arith.constant 0 : i32
      %dma_wait3A_203 = tpu.memref_slice %arg9[%dma_wait3A_201, %dma_wait3A_202] : memref<10000x16xf32, #tpu.memory_space<vmem_shared>> -> memref<10000x16xf32, #tpu.memory_space<vmem_shared>>
      tpu.wait_indirect_dma semaphore(%arg10 : memref<!tpu.dma_semaphore, #tpu.memory_space<semaphore_mem>>) src(%arg5 : memref<125x16xf32, #tpu.memory_space<vmem>>) dst(%dma_wait3A_203 : memref<10000x16xf32, #tpu.memory_space<vmem_shared>>)
    }
    %scan3A_39 = arith.constant 10 : i32
    %barrier3A_40 = arith.constant 0 : index
    tpu.barrier barrier_id(%barrier3A_40)
    %mul3A_41 = arith.constant 625 : i32
    %mul3A_42 = arith.muli %arg1, %mul3A_41 : i32
    %mul3A_43 = arith.constant 625 : i32
    %mul3A_44 = arith.muli %arg1, %mul3A_43 : i32
    "tpu.region"() ({
      %run_scoped3A = tpu.sem_alloc : memref<!tpu.dma_semaphore, #tpu.memory_space<semaphore_mem>>
      %dma_start3A = arith.constant 0 : i32
      %dma_start3A_45 = tpu.memref_slice %arg3[%arg0, %mul3A_44, %dma_start3A] : memref<2x10000x16xf32, #tpu.memory_space<hbm>> -> memref<1x625x16xf32, #tpu.memory_space<hbm>>
      %dma_start3A_46 = tpu.memref_squeeze %dma_start3A_45 : memref<1x625x16xf32, #tpu.memory_space<hbm>> -> memref<625x16xf32, #tpu.memory_space<hbm>>
      %dma_start3A_47 = arith.constant 0 : i32
      %dma_start3A_48 = tpu.memref_slice %arg9[%mul3A_42, %dma_start3A_47] : memref<10000x16xf32, #tpu.memory_space<vmem_shared>> -> memref<625x16xf32, #tpu.memory_space<vmem_shared>>
      tpu.enqueue_dma source(%dma_start3A_48 : memref<625x16xf32, #tpu.memory_space<vmem_shared>>) target(%dma_start3A_46 : memref<625x16xf32, #tpu.memory_space<hbm>>) target_semaphore(%run_scoped3A : memref<!tpu.dma_semaphore, #tpu.memory_space<semaphore_mem>>)
      %dma_wait3A = arith.constant 0 : i32
      %dma_wait3A_49 = tpu.memref_slice %arg3[%arg0, %mul3A_44, %dma_wait3A] : memref<2x10000x16xf32, #tpu.memory_space<hbm>> -> memref<1x625x16xf32, #tpu.memory_space<hbm>>
      %dma_wait3A_50 = tpu.memref_squeeze %dma_wait3A_49 : memref<1x625x16xf32, #tpu.memory_space<hbm>> -> memref<625x16xf32, #tpu.memory_space<hbm>>
      %dma_wait3A_51 = arith.constant 0 : i32
      %dma_wait3A_52 = tpu.memref_slice %arg9[%mul3A_42, %dma_wait3A_51] : memref<10000x16xf32, #tpu.memory_space<vmem_shared>> -> memref<625x16xf32, #tpu.memory_space<vmem_shared>>
      tpu.wait_dma2 semaphore(%run_scoped3A : memref<!tpu.dma_semaphore, #tpu.memory_space<semaphore_mem>>) src(%dma_wait3A_52 : memref<625x16xf32, #tpu.memory_space<vmem_shared>>) dst(%dma_wait3A_50 : memref<625x16xf32, #tpu.memory_space<hbm>>)
      tpu.yield
    }) : () -> ()
    return
  }
}

#map = affine_map<(d0, d1) -> (0, 0)>
#map1 = affine_map<(d0, d1) -> (0, 0, 0)>
module attributes {stable_mosaic.version = 14 : i64} {
  func.func @body(%arg0: i32, %arg1: i32, %arg2: memref<10000x128xbf16, #tpu.memory_space<hbm>>, %arg3: memref<2560x125xi32, #tpu.memory_space<hbm>>, %arg4: memref<2560x125xi32, #tpu.memory_space<hbm>>, %arg5: memref<2x10000x128xbf16, #tpu.memory_space<hbm>>, %arg6: memref<80x125xi32, #tpu.memory_space<vmem>>, %arg7: memref<80x125xi32, #tpu.memory_space<vmem>>, %arg8: memref<125x128xbf16, #tpu.memory_space<vmem>>, %arg9: memref<125x128xbf16, #tpu.memory_space<vmem>>, %arg10: memref<125x128xbf16, #tpu.memory_space<vmem>>, %arg11: memref<125x128xbf16, #tpu.memory_space<vmem>>, %arg12: memref<125x128xbf16, #tpu.memory_space<vmem>>, %arg13: memref<125x128xbf16, #tpu.memory_space<vmem>>, %arg14: memref<125x128xbf16, #tpu.memory_space<vmem>>, %arg15: memref<125x128xbf16, #tpu.memory_space<vmem>>, %arg16: memref<10000x128xbf16, #tpu.memory_space<vmem_shared>>, %arg17: memref<!tpu.dma_semaphore, #tpu.memory_space<semaphore_mem>>, %arg18: memref<!tpu.dma_semaphore, #tpu.memory_space<semaphore_mem>>, %arg19: memref<!tpu.dma_semaphore, #tpu.memory_space<semaphore_mem>>, %arg20: memref<!tpu.dma_semaphore, #tpu.memory_space<semaphore_mem>>, %arg21: memref<!tpu.dma_semaphore, #tpu.memory_space<semaphore_mem>>, %arg22: memref<!tpu.dma_semaphore, #tpu.memory_space<semaphore_mem>>, %arg23: memref<!tpu.dma_semaphore, #tpu.memory_space<semaphore_mem>>, %arg24: memref<!tpu.dma_semaphore, #tpu.memory_space<semaphore_mem>>, %arg25: memref<!tpu.dma_semaphore, #tpu.memory_space<semaphore_mem>>, %arg26: memref<!tpu.dma_semaphore, #tpu.memory_space<semaphore_mem>>, %arg27: memref<!tpu.dma_semaphore, #tpu.memory_space<semaphore_mem>>, %arg28: memref<!tpu.dma_semaphore, #tpu.memory_space<semaphore_mem>>, %arg29: memref<!tpu.dma_semaphore, #tpu.memory_space<semaphore_mem>>, %arg30: memref<!tpu.dma_semaphore, #tpu.memory_space<semaphore_mem>>, %arg31: memref<!tpu.dma_semaphore, #tpu.memory_space<semaphore_mem>>, %arg32: memref<!tpu.dma_semaphore, #tpu.memory_space<semaphore_mem>>) attributes {dimension_semantics = [#tpu.dimension_semantics<core_parallel>, #tpu.dimension_semantics<subcore_parallel>], iteration_bounds = array<i64: 2, 16>, scalar_prefetch = 0 : i64, scratch_operands = 27 : i64, tpu.core_type = #tpu.core_type<sc_vector_subcore>, window_params = [{transform_indices = #map}, {transform_indices = #map}, {transform_indices = #map}, {transform_indices = #map1}]} {
    %mul3A = arith.constant 2 : i32
    %mul3A_0 = arith.muli %arg1, %mul3A : i32
    %add3A = arith.addi %mul3A_0, %arg0 : i32
    %scan3A = arith.constant 0 : i32
    %scan3A_1 = arith.constant 0 : i32
    %scan3A_2 = arith.constant 125 : i32
    %scan3A_3 = arith.addi %scan3A_1, %scan3A_2 : i32
    %scan3A_4 = arith.constant 1 : i32
    scf.for %scan3A_96 = %scan3A_1 to %scan3A_3 step %scan3A_4  : i32 {
      %broadcast_in_dim3A = arith.constant 0.000000e+00 : bf16
      %broadcast_in_dim3A_97 = vector.broadcast %broadcast_in_dim3A : bf16 to vector<32xbf16>
      %swap3A = arith.index_cast %scan3A_96 : i32 to index
      %swap3A_98 = arith.constant 0 : index
      %swap3A_99 = tpu.vector_load %arg8[%swap3A, %swap3A_98] {strides = array<i32>} : memref<125x128xbf16, #tpu.memory_space<vmem>>, vector<1x32xbf16>,
      %swap3A_100 = vector.shape_cast %swap3A_99 : vector<1x32xbf16> to vector<32xbf16>
      %swap3A_101 = vector.shape_cast %broadcast_in_dim3A_97 : vector<32xbf16> to vector<1x32xbf16>
      tpu.vector_store %arg8[%swap3A, %swap3A_98], %swap3A_101 {strides = array<i32>} : memref<125x128xbf16, #tpu.memory_space<vmem>>, vector<1x32xbf16>,
      %broadcast_in_dim3A_102 = arith.constant 0.000000e+00 : bf16
      %broadcast_in_dim3A_103 = vector.broadcast %broadcast_in_dim3A_102 : bf16 to vector<32xbf16>
      %swap3A_104 = arith.index_cast %scan3A_96 : i32 to index
      %swap3A_105 = arith.constant 32 : index
      %swap3A_106 = tpu.vector_load %arg8[%swap3A_104, %swap3A_105] {strides = array<i32>} : memref<125x128xbf16, #tpu.memory_space<vmem>>, vector<1x32xbf16>,
      %swap3A_107 = vector.shape_cast %swap3A_106 : vector<1x32xbf16> to vector<32xbf16>
      %swap3A_108 = vector.shape_cast %broadcast_in_dim3A_103 : vector<32xbf16> to vector<1x32xbf16>
      tpu.vector_store %arg8[%swap3A_104, %swap3A_105], %swap3A_108 {strides = array<i32>} : memref<125x128xbf16, #tpu.memory_space<vmem>>, vector<1x32xbf16>,
      %broadcast_in_dim3A_109 = arith.constant 0.000000e+00 : bf16
      %broadcast_in_dim3A_110 = vector.broadcast %broadcast_in_dim3A_109 : bf16 to vector<32xbf16>
      %swap3A_111 = arith.index_cast %scan3A_96 : i32 to index
      %swap3A_112 = arith.constant 64 : index
      %swap3A_113 = tpu.vector_load %arg8[%swap3A_111, %swap3A_112] {strides = array<i32>} : memref<125x128xbf16, #tpu.memory_space<vmem>>, vector<1x32xbf16>,
      %swap3A_114 = vector.shape_cast %swap3A_113 : vector<1x32xbf16> to vector<32xbf16>
      %swap3A_115 = vector.shape_cast %broadcast_in_dim3A_110 : vector<32xbf16> to vector<1x32xbf16>
      tpu.vector_store %arg8[%swap3A_111, %swap3A_112], %swap3A_115 {strides = array<i32>} : memref<125x128xbf16, #tpu.memory_space<vmem>>, vector<1x32xbf16>,
      %broadcast_in_dim3A_116 = arith.constant 0.000000e+00 : bf16
      %broadcast_in_dim3A_117 = vector.broadcast %broadcast_in_dim3A_116 : bf16 to vector<32xbf16>
      %swap3A_118 = arith.index_cast %scan3A_96 : i32 to index
      %swap3A_119 = arith.constant 96 : index
      %swap3A_120 = tpu.vector_load %arg8[%swap3A_118, %swap3A_119] {strides = array<i32>} : memref<125x128xbf16, #tpu.memory_space<vmem>>, vector<1x32xbf16>,
      %swap3A_121 = vector.shape_cast %swap3A_120 : vector<1x32xbf16> to vector<32xbf16>
      %swap3A_122 = vector.shape_cast %broadcast_in_dim3A_117 : vector<32xbf16> to vector<1x32xbf16>
      tpu.vector_store %arg8[%swap3A_118, %swap3A_119], %swap3A_122 {strides = array<i32>} : memref<125x128xbf16, #tpu.memory_space<vmem>>, vector<1x32xbf16>,
    }
    %scan3A_5 = arith.constant 125 : i32
    %mul3A_6 = arith.constant 625 : i32
    %mul3A_7 = arith.muli %arg1, %mul3A_6 : i32
    %add3A_8 = arith.constant 0 : i32
    %add3A_9 = arith.addi %mul3A_7, %add3A_8 : i32
    "tpu.region"() ({
      %run_scoped3A = tpu.sem_alloc : memref<!tpu.dma_semaphore, #tpu.memory_space<semaphore_mem>>
      %dma_start3A_96 = arith.constant 0 : i32
      %dma_start3A_97 = tpu.memref_slice %arg16[%add3A_9, %dma_start3A_96] : memref<10000x128xbf16, #tpu.memory_space<vmem_shared>> -> memref<125x128xbf16, #tpu.memory_space<vmem_shared>>
      %dma_start3A_98 = arith.constant 0 : i32
      %dma_start3A_99 = tpu.memref_slice %arg16[%add3A_9, %dma_start3A_98] : memref<10000x128xbf16, #tpu.memory_space<vmem_shared>> -> memref<125x128xbf16, #tpu.memory_space<vmem_shared>>
      tpu.enqueue_dma source(%arg8 : memref<125x128xbf16, #tpu.memory_space<vmem>>) target(%dma_start3A_99 : memref<125x128xbf16, #tpu.memory_space<vmem_shared>>) target_semaphore(%run_scoped3A : memref<!tpu.dma_semaphore, #tpu.memory_space<semaphore_mem>>)
      %dma_wait3A = arith.constant 0 : i32
      %dma_wait3A_100 = tpu.memref_slice %arg16[%add3A_9, %dma_wait3A] : memref<10000x128xbf16, #tpu.memory_space<vmem_shared>> -> memref<125x128xbf16, #tpu.memory_space<vmem_shared>>
      %dma_wait3A_101 = arith.constant 0 : i32
      %dma_wait3A_102 = tpu.memref_slice %arg16[%add3A_9, %dma_wait3A_101] : memref<10000x128xbf16, #tpu.memory_space<vmem_shared>> -> memref<125x128xbf16, #tpu.memory_space<vmem_shared>>
      tpu.wait_dma2 semaphore(%run_scoped3A : memref<!tpu.dma_semaphore, #tpu.memory_space<semaphore_mem>>) src(%arg8 : memref<125x128xbf16, #tpu.memory_space<vmem>>) dst(%dma_wait3A_102 : memref<125x128xbf16, #tpu.memory_space<vmem_shared>>)
      tpu.yield
    }) : () -> ()
    %mul3A_10 = arith.constant 625 : i32
    %mul3A_11 = arith.muli %arg1, %mul3A_10 : i32
    %add3A_12 = arith.constant 125 : i32
    %add3A_13 = arith.addi %mul3A_11, %add3A_12 : i32
    "tpu.region"() ({
      %run_scoped3A = tpu.sem_alloc : memref<!tpu.dma_semaphore, #tpu.memory_space<semaphore_mem>>
      %dma_start3A_96 = arith.constant 0 : i32
      %dma_start3A_97 = tpu.memref_slice %arg16[%add3A_13, %dma_start3A_96] : memref<10000x128xbf16, #tpu.memory_space<vmem_shared>> -> memref<125x128xbf16, #tpu.memory_space<vmem_shared>>
      %dma_start3A_98 = arith.constant 0 : i32
      %dma_start3A_99 = tpu.memref_slice %arg16[%add3A_13, %dma_start3A_98] : memref<10000x128xbf16, #tpu.memory_space<vmem_shared>> -> memref<125x128xbf16, #tpu.memory_space<vmem_shared>>
      tpu.enqueue_dma source(%arg8 : memref<125x128xbf16, #tpu.memory_space<vmem>>) target(%dma_start3A_99 : memref<125x128xbf16, #tpu.memory_space<vmem_shared>>) target_semaphore(%run_scoped3A : memref<!tpu.dma_semaphore, #tpu.memory_space<semaphore_mem>>)
      %dma_wait3A = arith.constant 0 : i32
      %dma_wait3A_100 = tpu.memref_slice %arg16[%add3A_13, %dma_wait3A] : memref<10000x128xbf16, #tpu.memory_space<vmem_shared>> -> memref<125x128xbf16, #tpu.memory_space<vmem_shared>>
      %dma_wait3A_101 = arith.constant 0 : i32
      %dma_wait3A_102 = tpu.memref_slice %arg16[%add3A_13, %dma_wait3A_101] : memref<10000x128xbf16, #tpu.memory_space<vmem_shared>> -> memref<125x128xbf16, #tpu.memory_space<vmem_shared>>
      tpu.wait_dma2 semaphore(%run_scoped3A : memref<!tpu.dma_semaphore, #tpu.memory_space<semaphore_mem>>) src(%arg8 : memref<125x128xbf16, #tpu.memory_space<vmem>>) dst(%dma_wait3A_102 : memref<125x128xbf16, #tpu.memory_space<vmem_shared>>)
      tpu.yield
    }) : () -> ()
    %mul3A_14 = arith.constant 625 : i32
    %mul3A_15 = arith.muli %arg1, %mul3A_14 : i32
    %add3A_16 = arith.constant 250 : i32
    %add3A_17 = arith.addi %mul3A_15, %add3A_16 : i32
    "tpu.region"() ({
      %run_scoped3A = tpu.sem_alloc : memref<!tpu.dma_semaphore, #tpu.memory_space<semaphore_mem>>
      %dma_start3A_96 = arith.constant 0 : i32
      %dma_start3A_97 = tpu.memref_slice %arg16[%add3A_17, %dma_start3A_96] : memref<10000x128xbf16, #tpu.memory_space<vmem_shared>> -> memref<125x128xbf16, #tpu.memory_space<vmem_shared>>
      %dma_start3A_98 = arith.constant 0 : i32
      %dma_start3A_99 = tpu.memref_slice %arg16[%add3A_17, %dma_start3A_98] : memref<10000x128xbf16, #tpu.memory_space<vmem_shared>> -> memref<125x128xbf16, #tpu.memory_space<vmem_shared>>
      tpu.enqueue_dma source(%arg8 : memref<125x128xbf16, #tpu.memory_space<vmem>>) target(%dma_start3A_99 : memref<125x128xbf16, #tpu.memory_space<vmem_shared>>) target_semaphore(%run_scoped3A : memref<!tpu.dma_semaphore, #tpu.memory_space<semaphore_mem>>)
      %dma_wait3A = arith.constant 0 : i32
      %dma_wait3A_100 = tpu.memref_slice %arg16[%add3A_17, %dma_wait3A] : memref<10000x128xbf16, #tpu.memory_space<vmem_shared>> -> memref<125x128xbf16, #tpu.memory_space<vmem_shared>>
      %dma_wait3A_101 = arith.constant 0 : i32
      %dma_wait3A_102 = tpu.memref_slice %arg16[%add3A_17, %dma_wait3A_101] : memref<10000x128xbf16, #tpu.memory_space<vmem_shared>> -> memref<125x128xbf16, #tpu.memory_space<vmem_shared>>
      tpu.wait_dma2 semaphore(%run_scoped3A : memref<!tpu.dma_semaphore, #tpu.memory_space<semaphore_mem>>) src(%arg8 : memref<125x128xbf16, #tpu.memory_space<vmem>>) dst(%dma_wait3A_102 : memref<125x128xbf16, #tpu.memory_space<vmem_shared>>)
      tpu.yield
    }) : () -> ()
    %mul3A_18 = arith.constant 625 : i32
    %mul3A_19 = arith.muli %arg1, %mul3A_18 : i32
    %add3A_20 = arith.constant 375 : i32
    %add3A_21 = arith.addi %mul3A_19, %add3A_20 : i32
    "tpu.region"() ({
      %run_scoped3A = tpu.sem_alloc : memref<!tpu.dma_semaphore, #tpu.memory_space<semaphore_mem>>
      %dma_start3A_96 = arith.constant 0 : i32
      %dma_start3A_97 = tpu.memref_slice %arg16[%add3A_21, %dma_start3A_96] : memref<10000x128xbf16, #tpu.memory_space<vmem_shared>> -> memref<125x128xbf16, #tpu.memory_space<vmem_shared>>
      %dma_start3A_98 = arith.constant 0 : i32
      %dma_start3A_99 = tpu.memref_slice %arg16[%add3A_21, %dma_start3A_98] : memref<10000x128xbf16, #tpu.memory_space<vmem_shared>> -> memref<125x128xbf16, #tpu.memory_space<vmem_shared>>
      tpu.enqueue_dma source(%arg8 : memref<125x128xbf16, #tpu.memory_space<vmem>>) target(%dma_start3A_99 : memref<125x128xbf16, #tpu.memory_space<vmem_shared>>) target_semaphore(%run_scoped3A : memref<!tpu.dma_semaphore, #tpu.memory_space<semaphore_mem>>)
      %dma_wait3A = arith.constant 0 : i32
      %dma_wait3A_100 = tpu.memref_slice %arg16[%add3A_21, %dma_wait3A] : memref<10000x128xbf16, #tpu.memory_space<vmem_shared>> -> memref<125x128xbf16, #tpu.memory_space<vmem_shared>>
      %dma_wait3A_101 = arith.constant 0 : i32
      %dma_wait3A_102 = tpu.memref_slice %arg16[%add3A_21, %dma_wait3A_101] : memref<10000x128xbf16, #tpu.memory_space<vmem_shared>> -> memref<125x128xbf16, #tpu.memory_space<vmem_shared>>
      tpu.wait_dma2 semaphore(%run_scoped3A : memref<!tpu.dma_semaphore, #tpu.memory_space<semaphore_mem>>) src(%arg8 : memref<125x128xbf16, #tpu.memory_space<vmem>>) dst(%dma_wait3A_102 : memref<125x128xbf16, #tpu.memory_space<vmem_shared>>)
      tpu.yield
    }) : () -> ()
    %mul3A_22 = arith.constant 625 : i32
    %mul3A_23 = arith.muli %arg1, %mul3A_22 : i32
    %add3A_24 = arith.constant 500 : i32
    %add3A_25 = arith.addi %mul3A_23, %add3A_24 : i32
    "tpu.region"() ({
      %run_scoped3A = tpu.sem_alloc : memref<!tpu.dma_semaphore, #tpu.memory_space<semaphore_mem>>
      %dma_start3A_96 = arith.constant 0 : i32
      %dma_start3A_97 = tpu.memref_slice %arg16[%add3A_25, %dma_start3A_96] : memref<10000x128xbf16, #tpu.memory_space<vmem_shared>> -> memref<125x128xbf16, #tpu.memory_space<vmem_shared>>
      %dma_start3A_98 = arith.constant 0 : i32
      %dma_start3A_99 = tpu.memref_slice %arg16[%add3A_25, %dma_start3A_98] : memref<10000x128xbf16, #tpu.memory_space<vmem_shared>> -> memref<125x128xbf16, #tpu.memory_space<vmem_shared>>
      tpu.enqueue_dma source(%arg8 : memref<125x128xbf16, #tpu.memory_space<vmem>>) target(%dma_start3A_99 : memref<125x128xbf16, #tpu.memory_space<vmem_shared>>) target_semaphore(%run_scoped3A : memref<!tpu.dma_semaphore, #tpu.memory_space<semaphore_mem>>)
      %dma_wait3A = arith.constant 0 : i32
      %dma_wait3A_100 = tpu.memref_slice %arg16[%add3A_25, %dma_wait3A] : memref<10000x128xbf16, #tpu.memory_space<vmem_shared>> -> memref<125x128xbf16, #tpu.memory_space<vmem_shared>>
      %dma_wait3A_101 = arith.constant 0 : i32
      %dma_wait3A_102 = tpu.memref_slice %arg16[%add3A_25, %dma_wait3A_101] : memref<10000x128xbf16, #tpu.memory_space<vmem_shared>> -> memref<125x128xbf16, #tpu.memory_space<vmem_shared>>
      tpu.wait_dma2 semaphore(%run_scoped3A : memref<!tpu.dma_semaphore, #tpu.memory_space<semaphore_mem>>) src(%arg8 : memref<125x128xbf16, #tpu.memory_space<vmem>>) dst(%dma_wait3A_102 : memref<125x128xbf16, #tpu.memory_space<vmem_shared>>)
      tpu.yield
    }) : () -> ()
    %barrier3A = arith.constant 0 : index
    tpu.barrier barrier_id(%barrier3A)
    %mul3A_26 = arith.constant 80 : i32
    %mul3A_27 = arith.muli %add3A, %mul3A_26 : i32
    %add3A_28 = arith.constant 0 : i32
    %add3A_29 = arith.addi %mul3A_27, %add3A_28 : i32
    "tpu.region"() ({
      %run_scoped3A = tpu.sem_alloc : memref<!tpu.dma_semaphore, #tpu.memory_space<semaphore_mem>>
      %dma_start3A_96 = arith.constant 0 : i32
      %dma_start3A_97 = tpu.memref_slice %arg4[%add3A_29, %dma_start3A_96] : memref<2560x125xi32, #tpu.memory_space<hbm>> -> memref<80x125xi32, #tpu.memory_space<hbm>>
      %dma_start3A_98 = arith.constant 0 : i32
      %dma_start3A_99 = tpu.memref_slice %arg4[%add3A_29, %dma_start3A_98] : memref<2560x125xi32, #tpu.memory_space<hbm>> -> memref<80x125xi32, #tpu.memory_space<hbm>>
      tpu.enqueue_dma source(%dma_start3A_99 : memref<80x125xi32, #tpu.memory_space<hbm>>) target(%arg7 : memref<80x125xi32, #tpu.memory_space<vmem>>) target_semaphore(%run_scoped3A : memref<!tpu.dma_semaphore, #tpu.memory_space<semaphore_mem>>)
      %dma_wait3A = arith.constant 0 : i32
      %dma_wait3A_100 = tpu.memref_slice %arg4[%add3A_29, %dma_wait3A] : memref<2560x125xi32, #tpu.memory_space<hbm>> -> memref<80x125xi32, #tpu.memory_space<hbm>>
      %dma_wait3A_101 = arith.constant 0 : i32
      %dma_wait3A_102 = tpu.memref_slice %arg4[%add3A_29, %dma_wait3A_101] : memref<2560x125xi32, #tpu.memory_space<hbm>> -> memref<80x125xi32, #tpu.memory_space<hbm>>
      tpu.wait_dma2 semaphore(%run_scoped3A : memref<!tpu.dma_semaphore, #tpu.memory_space<semaphore_mem>>) src(%dma_wait3A_102 : memref<80x125xi32, #tpu.memory_space<hbm>>) dst(%arg7 : memref<80x125xi32, #tpu.memory_space<vmem>>)
      tpu.yield
    }) : () -> ()
    "tpu.region"() ({
      %run_scoped3A = tpu.sem_alloc : memref<!tpu.dma_semaphore, #tpu.memory_space<semaphore_mem>>
      %dma_start3A_96 = arith.constant 0 : i32
      %dma_start3A_97 = tpu.memref_slice %arg3[%add3A_29, %dma_start3A_96] : memref<2560x125xi32, #tpu.memory_space<hbm>> -> memref<80x125xi32, #tpu.memory_space<hbm>>
      %dma_start3A_98 = arith.constant 0 : i32
      %dma_start3A_99 = tpu.memref_slice %arg3[%add3A_29, %dma_start3A_98] : memref<2560x125xi32, #tpu.memory_space<hbm>> -> memref<80x125xi32, #tpu.memory_space<hbm>>
      tpu.enqueue_dma source(%dma_start3A_99 : memref<80x125xi32, #tpu.memory_space<hbm>>) target(%arg6 : memref<80x125xi32, #tpu.memory_space<vmem>>) target_semaphore(%run_scoped3A : memref<!tpu.dma_semaphore, #tpu.memory_space<semaphore_mem>>)
      %dma_wait3A = arith.constant 0 : i32
      %dma_wait3A_100 = tpu.memref_slice %arg3[%add3A_29, %dma_wait3A] : memref<2560x125xi32, #tpu.memory_space<hbm>> -> memref<80x125xi32, #tpu.memory_space<hbm>>
      %dma_wait3A_101 = arith.constant 0 : i32
      %dma_wait3A_102 = tpu.memref_slice %arg3[%add3A_29, %dma_wait3A_101] : memref<2560x125xi32, #tpu.memory_space<hbm>> -> memref<80x125xi32, #tpu.memory_space<hbm>>
      tpu.wait_dma2 semaphore(%run_scoped3A : memref<!tpu.dma_semaphore, #tpu.memory_space<semaphore_mem>>) src(%dma_wait3A_102 : memref<80x125xi32, #tpu.memory_space<hbm>>) dst(%arg6 : memref<80x125xi32, #tpu.memory_space<vmem>>)
      tpu.yield
    }) : () -> ()
    %dma_start3A = arith.constant 0 : i32
    %dma_start3A_30 = arith.constant 0 : i32
    %dma_start3A_31 = tpu.memref_slice %arg6[%dma_start3A, %dma_start3A_30] : memref<80x125xi32, #tpu.memory_space<vmem>> -> memref<1x125xi32, #tpu.memory_space<vmem>>
    %dma_start3A_32 = tpu.memref_squeeze %dma_start3A_31 : memref<1x125xi32, #tpu.memory_space<vmem>> -> memref<125xi32, #tpu.memory_space<vmem>>
    %dma_start3A_33 = arith.constant 0 : i32
    %dma_start3A_34 = arith.constant 0 : i32
    %dma_start3A_35 = tpu.memref_slice %arg2[%dma_start3A_33, %dma_start3A_34] : memref<10000x128xbf16, #tpu.memory_space<hbm>> -> memref<10000x128xbf16, #tpu.memory_space<hbm>>
    tpu.enqueue_indirect_dma source(%dma_start3A_35 : memref<10000x128xbf16, #tpu.memory_space<hbm>>) target(%arg8 : memref<125x128xbf16, #tpu.memory_space<vmem>>) offsets(%dma_start3A_32 : memref<125xi32, #tpu.memory_space<vmem>>) semaphore(%arg17 : memref<!tpu.dma_semaphore, #tpu.memory_space<semaphore_mem>>)
    %dma_start3A_36 = arith.constant 1 : i32
    %dma_start3A_37 = arith.constant 0 : i32
    %dma_start3A_38 = tpu.memref_slice %arg6[%dma_start3A_36, %dma_start3A_37] : memref<80x125xi32, #tpu.memory_space<vmem>> -> memref<1x125xi32, #tpu.memory_space<vmem>>
    %dma_start3A_39 = tpu.memref_squeeze %dma_start3A_38 : memref<1x125xi32, #tpu.memory_space<vmem>> -> memref<125xi32, #tpu.memory_space<vmem>>
    %dma_start3A_40 = arith.constant 0 : i32
    %dma_start3A_41 = arith.constant 0 : i32
    %dma_start3A_42 = tpu.memref_slice %arg2[%dma_start3A_40, %dma_start3A_41] : memref<10000x128xbf16, #tpu.memory_space<hbm>> -> memref<10000x128xbf16, #tpu.memory_space<hbm>>
    tpu.enqueue_indirect_dma source(%dma_start3A_42 : memref<10000x128xbf16, #tpu.memory_space<hbm>>) target(%arg9 : memref<125x128xbf16, #tpu.memory_space<vmem>>) offsets(%dma_start3A_39 : memref<125xi32, #tpu.memory_space<vmem>>) semaphore(%arg18 : memref<!tpu.dma_semaphore, #tpu.memory_space<semaphore_mem>>)
    %dma_start3A_43 = arith.constant 2 : i32
    %dma_start3A_44 = arith.constant 0 : i32
    %dma_start3A_45 = tpu.memref_slice %arg6[%dma_start3A_43, %dma_start3A_44] : memref<80x125xi32, #tpu.memory_space<vmem>> -> memref<1x125xi32, #tpu.memory_space<vmem>>
    %dma_start3A_46 = tpu.memref_squeeze %dma_start3A_45 : memref<1x125xi32, #tpu.memory_space<vmem>> -> memref<125xi32, #tpu.memory_space<vmem>>
    %dma_start3A_47 = arith.constant 0 : i32
    %dma_start3A_48 = arith.constant 0 : i32
    %dma_start3A_49 = tpu.memref_slice %arg2[%dma_start3A_47, %dma_start3A_48] : memref<10000x128xbf16, #tpu.memory_space<hbm>> -> memref<10000x128xbf16, #tpu.memory_space<hbm>>
    tpu.enqueue_indirect_dma source(%dma_start3A_49 : memref<10000x128xbf16, #tpu.memory_space<hbm>>) target(%arg10 : memref<125x128xbf16, #tpu.memory_space<vmem>>) offsets(%dma_start3A_46 : memref<125xi32, #tpu.memory_space<vmem>>) semaphore(%arg19 : memref<!tpu.dma_semaphore, #tpu.memory_space<semaphore_mem>>)
    %dma_start3A_50 = arith.constant 3 : i32
    %dma_start3A_51 = arith.constant 0 : i32
    %dma_start3A_52 = tpu.memref_slice %arg6[%dma_start3A_50, %dma_start3A_51] : memref<80x125xi32, #tpu.memory_space<vmem>> -> memref<1x125xi32, #tpu.memory_space<vmem>>
    %dma_start3A_53 = tpu.memref_squeeze %dma_start3A_52 : memref<1x125xi32, #tpu.memory_space<vmem>> -> memref<125xi32, #tpu.memory_space<vmem>>
    %dma_start3A_54 = arith.constant 0 : i32
    %dma_start3A_55 = arith.constant 0 : i32
    %dma_start3A_56 = tpu.memref_slice %arg2[%dma_start3A_54, %dma_start3A_55] : memref<10000x128xbf16, #tpu.memory_space<hbm>> -> memref<10000x128xbf16, #tpu.memory_space<hbm>>
    tpu.enqueue_indirect_dma source(%dma_start3A_56 : memref<10000x128xbf16, #tpu.memory_space<hbm>>) target(%arg11 : memref<125x128xbf16, #tpu.memory_space<vmem>>) offsets(%dma_start3A_53 : memref<125xi32, #tpu.memory_space<vmem>>) semaphore(%arg20 : memref<!tpu.dma_semaphore, #tpu.memory_space<semaphore_mem>>)
    %dma_start3A_57 = arith.constant 4 : i32
    %dma_start3A_58 = arith.constant 0 : i32
    %dma_start3A_59 = tpu.memref_slice %arg6[%dma_start3A_57, %dma_start3A_58] : memref<80x125xi32, #tpu.memory_space<vmem>> -> memref<1x125xi32, #tpu.memory_space<vmem>>
    %dma_start3A_60 = tpu.memref_squeeze %dma_start3A_59 : memref<1x125xi32, #tpu.memory_space<vmem>> -> memref<125xi32, #tpu.memory_space<vmem>>
    %dma_start3A_61 = arith.constant 0 : i32
    %dma_start3A_62 = arith.constant 0 : i32
    %dma_start3A_63 = tpu.memref_slice %arg2[%dma_start3A_61, %dma_start3A_62] : memref<10000x128xbf16, #tpu.memory_space<hbm>> -> memref<10000x128xbf16, #tpu.memory_space<hbm>>
    tpu.enqueue_indirect_dma source(%dma_start3A_63 : memref<10000x128xbf16, #tpu.memory_space<hbm>>) target(%arg12 : memref<125x128xbf16, #tpu.memory_space<vmem>>) offsets(%dma_start3A_60 : memref<125xi32, #tpu.memory_space<vmem>>) semaphore(%arg21 : memref<!tpu.dma_semaphore, #tpu.memory_space<semaphore_mem>>)
    %dma_start3A_64 = arith.constant 5 : i32
    %dma_start3A_65 = arith.constant 0 : i32
    %dma_start3A_66 = tpu.memref_slice %arg6[%dma_start3A_64, %dma_start3A_65] : memref<80x125xi32, #tpu.memory_space<vmem>> -> memref<1x125xi32, #tpu.memory_space<vmem>>
    %dma_start3A_67 = tpu.memref_squeeze %dma_start3A_66 : memref<1x125xi32, #tpu.memory_space<vmem>> -> memref<125xi32, #tpu.memory_space<vmem>>
    %dma_start3A_68 = arith.constant 0 : i32
    %dma_start3A_69 = arith.constant 0 : i32
    %dma_start3A_70 = tpu.memref_slice %arg2[%dma_start3A_68, %dma_start3A_69] : memref<10000x128xbf16, #tpu.memory_space<hbm>> -> memref<10000x128xbf16, #tpu.memory_space<hbm>>
    tpu.enqueue_indirect_dma source(%dma_start3A_70 : memref<10000x128xbf16, #tpu.memory_space<hbm>>) target(%arg13 : memref<125x128xbf16, #tpu.memory_space<vmem>>) offsets(%dma_start3A_67 : memref<125xi32, #tpu.memory_space<vmem>>) semaphore(%arg22 : memref<!tpu.dma_semaphore, #tpu.memory_space<semaphore_mem>>)
    %dma_start3A_71 = arith.constant 6 : i32
    %dma_start3A_72 = arith.constant 0 : i32
    %dma_start3A_73 = tpu.memref_slice %arg6[%dma_start3A_71, %dma_start3A_72] : memref<80x125xi32, #tpu.memory_space<vmem>> -> memref<1x125xi32, #tpu.memory_space<vmem>>
    %dma_start3A_74 = tpu.memref_squeeze %dma_start3A_73 : memref<1x125xi32, #tpu.memory_space<vmem>> -> memref<125xi32, #tpu.memory_space<vmem>>
    %dma_start3A_75 = arith.constant 0 : i32
    %dma_start3A_76 = arith.constant 0 : i32
    %dma_start3A_77 = tpu.memref_slice %arg2[%dma_start3A_75, %dma_start3A_76] : memref<10000x128xbf16, #tpu.memory_space<hbm>> -> memref<10000x128xbf16, #tpu.memory_space<hbm>>
    tpu.enqueue_indirect_dma source(%dma_start3A_77 : memref<10000x128xbf16, #tpu.memory_space<hbm>>) target(%arg14 : memref<125x128xbf16, #tpu.memory_space<vmem>>) offsets(%dma_start3A_74 : memref<125xi32, #tpu.memory_space<vmem>>) semaphore(%arg23 : memref<!tpu.dma_semaphore, #tpu.memory_space<semaphore_mem>>)
    %dma_start3A_78 = arith.constant 7 : i32
    %dma_start3A_79 = arith.constant 0 : i32
    %dma_start3A_80 = tpu.memref_slice %arg6[%dma_start3A_78, %dma_start3A_79] : memref<80x125xi32, #tpu.memory_space<vmem>> -> memref<1x125xi32, #tpu.memory_space<vmem>>
    %dma_start3A_81 = tpu.memref_squeeze %dma_start3A_80 : memref<1x125xi32, #tpu.memory_space<vmem>> -> memref<125xi32, #tpu.memory_space<vmem>>
    %dma_start3A_82 = arith.constant 0 : i32
    %dma_start3A_83 = arith.constant 0 : i32
    %dma_start3A_84 = tpu.memref_slice %arg2[%dma_start3A_82, %dma_start3A_83] : memref<10000x128xbf16, #tpu.memory_space<hbm>> -> memref<10000x128xbf16, #tpu.memory_space<hbm>>
    tpu.enqueue_indirect_dma source(%dma_start3A_84 : memref<10000x128xbf16, #tpu.memory_space<hbm>>) target(%arg15 : memref<125x128xbf16, #tpu.memory_space<vmem>>) offsets(%dma_start3A_81 : memref<125xi32, #tpu.memory_space<vmem>>) semaphore(%arg24 : memref<!tpu.dma_semaphore, #tpu.memory_space<semaphore_mem>>)
    %scan3A_85 = arith.constant 0 : i32
    %scan3A_86 = arith.constant 0 : i32
    %scan3A_87 = arith.constant 10 : i32
    %scan3A_88 = arith.addi %scan3A_86, %scan3A_87 : i32
    %scan3A_89 = arith.constant 1 : i32
    scf.for %scan3A_96 = %scan3A_86 to %scan3A_88 step %scan3A_89  : i32 {
      %mul3A_97 = arith.constant 8 : i32
      %mul3A_98 = arith.muli %scan3A_96, %mul3A_97 : i32
      %add3A_99 = arith.constant 0 : i32
      %add3A_100 = arith.addi %mul3A_98, %add3A_99 : i32
      %dma_wait3A = arith.constant 0 : i32
      %dma_wait3A_101 = tpu.memref_slice %arg6[%add3A_100, %dma_wait3A] : memref<80x125xi32, #tpu.memory_space<vmem>> -> memref<1x125xi32, #tpu.memory_space<vmem>>
      %dma_wait3A_102 = tpu.memref_squeeze %dma_wait3A_101 : memref<1x125xi32, #tpu.memory_space<vmem>> -> memref<125xi32, #tpu.memory_space<vmem>>
      %dma_wait3A_103 = arith.constant 0 : i32
      %dma_wait3A_104 = arith.constant 0 : i32
      %dma_wait3A_105 = tpu.memref_slice %arg2[%dma_wait3A_103, %dma_wait3A_104] : memref<10000x128xbf16, #tpu.memory_space<hbm>> -> memref<10000x128xbf16, #tpu.memory_space<hbm>>
      tpu.wait_indirect_dma semaphore(%arg17 : memref<!tpu.dma_semaphore, #tpu.memory_space<semaphore_mem>>) src(%dma_wait3A_105 : memref<10000x128xbf16, #tpu.memory_space<hbm>>) dst(%arg8 : memref<125x128xbf16, #tpu.memory_space<vmem>>)
      %add3A_106 = arith.constant 0 : i32
      %add3A_107 = arith.addi %mul3A_98, %add3A_106 : i32
      %dma_start3A_108 = arith.constant 0 : i32
      %dma_start3A_109 = tpu.memref_slice %arg7[%add3A_107, %dma_start3A_108] : memref<80x125xi32, #tpu.memory_space<vmem>> -> memref<1x125xi32, #tpu.memory_space<vmem>>
      %dma_start3A_110 = tpu.memref_squeeze %dma_start3A_109 : memref<1x125xi32, #tpu.memory_space<vmem>> -> memref<125xi32, #tpu.memory_space<vmem>>
      %dma_start3A_111 = arith.constant 0 : i32
      %dma_start3A_112 = arith.constant 0 : i32
      %dma_start3A_113 = tpu.memref_slice %arg16[%dma_start3A_111, %dma_start3A_112] : memref<10000x128xbf16, #tpu.memory_space<vmem_shared>> -> memref<10000x128xbf16, #tpu.memory_space<vmem_shared>>
      tpu.enqueue_indirect_dma source(%arg8 : memref<125x128xbf16, #tpu.memory_space<vmem>>) target(%dma_start3A_113 : memref<10000x128xbf16, #tpu.memory_space<vmem_shared>>) offsets(%dma_start3A_110 : memref<125xi32, #tpu.memory_space<vmem>>) semaphore(%arg25 : memref<!tpu.dma_semaphore, #tpu.memory_space<semaphore_mem>>) {add = true}
      %add3A_114 = arith.constant 1 : i32
      %add3A_115 = arith.addi %mul3A_98, %add3A_114 : i32
      %dma_wait3A_116 = arith.constant 0 : i32
      %dma_wait3A_117 = tpu.memref_slice %arg6[%add3A_115, %dma_wait3A_116] : memref<80x125xi32, #tpu.memory_space<vmem>> -> memref<1x125xi32, #tpu.memory_space<vmem>>
      %dma_wait3A_118 = tpu.memref_squeeze %dma_wait3A_117 : memref<1x125xi32, #tpu.memory_space<vmem>> -> memref<125xi32, #tpu.memory_space<vmem>>
      %dma_wait3A_119 = arith.constant 0 : i32
      %dma_wait3A_120 = arith.constant 0 : i32
      %dma_wait3A_121 = tpu.memref_slice %arg2[%dma_wait3A_119, %dma_wait3A_120] : memref<10000x128xbf16, #tpu.memory_space<hbm>> -> memref<10000x128xbf16, #tpu.memory_space<hbm>>
      tpu.wait_indirect_dma semaphore(%arg18 : memref<!tpu.dma_semaphore, #tpu.memory_space<semaphore_mem>>) src(%dma_wait3A_121 : memref<10000x128xbf16, #tpu.memory_space<hbm>>) dst(%arg9 : memref<125x128xbf16, #tpu.memory_space<vmem>>)
      %add3A_122 = arith.constant 1 : i32
      %add3A_123 = arith.addi %mul3A_98, %add3A_122 : i32
      %dma_start3A_124 = arith.constant 0 : i32
      %dma_start3A_125 = tpu.memref_slice %arg7[%add3A_123, %dma_start3A_124] : memref<80x125xi32, #tpu.memory_space<vmem>> -> memref<1x125xi32, #tpu.memory_space<vmem>>
      %dma_start3A_126 = tpu.memref_squeeze %dma_start3A_125 : memref<1x125xi32, #tpu.memory_space<vmem>> -> memref<125xi32, #tpu.memory_space<vmem>>
      %dma_start3A_127 = arith.constant 0 : i32
      %dma_start3A_128 = arith.constant 0 : i32
      %dma_start3A_129 = tpu.memref_slice %arg16[%dma_start3A_127, %dma_start3A_128] : memref<10000x128xbf16, #tpu.memory_space<vmem_shared>> -> memref<10000x128xbf16, #tpu.memory_space<vmem_shared>>
      tpu.enqueue_indirect_dma source(%arg9 : memref<125x128xbf16, #tpu.memory_space<vmem>>) target(%dma_start3A_129 : memref<10000x128xbf16, #tpu.memory_space<vmem_shared>>) offsets(%dma_start3A_126 : memref<125xi32, #tpu.memory_space<vmem>>) semaphore(%arg26 : memref<!tpu.dma_semaphore, #tpu.memory_space<semaphore_mem>>) {add = true}
      %add3A_130 = arith.constant 2 : i32
      %add3A_131 = arith.addi %mul3A_98, %add3A_130 : i32
      %dma_wait3A_132 = arith.constant 0 : i32
      %dma_wait3A_133 = tpu.memref_slice %arg6[%add3A_131, %dma_wait3A_132] : memref<80x125xi32, #tpu.memory_space<vmem>> -> memref<1x125xi32, #tpu.memory_space<vmem>>
      %dma_wait3A_134 = tpu.memref_squeeze %dma_wait3A_133 : memref<1x125xi32, #tpu.memory_space<vmem>> -> memref<125xi32, #tpu.memory_space<vmem>>
      %dma_wait3A_135 = arith.constant 0 : i32
      %dma_wait3A_136 = arith.constant 0 : i32
      %dma_wait3A_137 = tpu.memref_slice %arg2[%dma_wait3A_135, %dma_wait3A_136] : memref<10000x128xbf16, #tpu.memory_space<hbm>> -> memref<10000x128xbf16, #tpu.memory_space<hbm>>
      tpu.wait_indirect_dma semaphore(%arg19 : memref<!tpu.dma_semaphore, #tpu.memory_space<semaphore_mem>>) src(%dma_wait3A_137 : memref<10000x128xbf16, #tpu.memory_space<hbm>>) dst(%arg10 : memref<125x128xbf16, #tpu.memory_space<vmem>>)
      %add3A_138 = arith.constant 2 : i32
      %add3A_139 = arith.addi %mul3A_98, %add3A_138 : i32
      %dma_start3A_140 = arith.constant 0 : i32
      %dma_start3A_141 = tpu.memref_slice %arg7[%add3A_139, %dma_start3A_140] : memref<80x125xi32, #tpu.memory_space<vmem>> -> memref<1x125xi32, #tpu.memory_space<vmem>>
      %dma_start3A_142 = tpu.memref_squeeze %dma_start3A_141 : memref<1x125xi32, #tpu.memory_space<vmem>> -> memref<125xi32, #tpu.memory_space<vmem>>
      %dma_start3A_143 = arith.constant 0 : i32
      %dma_start3A_144 = arith.constant 0 : i32
      %dma_start3A_145 = tpu.memref_slice %arg16[%dma_start3A_143, %dma_start3A_144] : memref<10000x128xbf16, #tpu.memory_space<vmem_shared>> -> memref<10000x128xbf16, #tpu.memory_space<vmem_shared>>
      tpu.enqueue_indirect_dma source(%arg10 : memref<125x128xbf16, #tpu.memory_space<vmem>>) target(%dma_start3A_145 : memref<10000x128xbf16, #tpu.memory_space<vmem_shared>>) offsets(%dma_start3A_142 : memref<125xi32, #tpu.memory_space<vmem>>) semaphore(%arg27 : memref<!tpu.dma_semaphore, #tpu.memory_space<semaphore_mem>>) {add = true}
      %add3A_146 = arith.constant 3 : i32
      %add3A_147 = arith.addi %mul3A_98, %add3A_146 : i32
      %dma_wait3A_148 = arith.constant 0 : i32
      %dma_wait3A_149 = tpu.memref_slice %arg6[%add3A_147, %dma_wait3A_148] : memref<80x125xi32, #tpu.memory_space<vmem>> -> memref<1x125xi32, #tpu.memory_space<vmem>>
      %dma_wait3A_150 = tpu.memref_squeeze %dma_wait3A_149 : memref<1x125xi32, #tpu.memory_space<vmem>> -> memref<125xi32, #tpu.memory_space<vmem>>
      %dma_wait3A_151 = arith.constant 0 : i32
      %dma_wait3A_152 = arith.constant 0 : i32
      %dma_wait3A_153 = tpu.memref_slice %arg2[%dma_wait3A_151, %dma_wait3A_152] : memref<10000x128xbf16, #tpu.memory_space<hbm>> -> memref<10000x128xbf16, #tpu.memory_space<hbm>>
      tpu.wait_indirect_dma semaphore(%arg20 : memref<!tpu.dma_semaphore, #tpu.memory_space<semaphore_mem>>) src(%dma_wait3A_153 : memref<10000x128xbf16, #tpu.memory_space<hbm>>) dst(%arg11 : memref<125x128xbf16, #tpu.memory_space<vmem>>)
      %add3A_154 = arith.constant 3 : i32
      %add3A_155 = arith.addi %mul3A_98, %add3A_154 : i32
      %dma_start3A_156 = arith.constant 0 : i32
      %dma_start3A_157 = tpu.memref_slice %arg7[%add3A_155, %dma_start3A_156] : memref<80x125xi32, #tpu.memory_space<vmem>> -> memref<1x125xi32, #tpu.memory_space<vmem>>
      %dma_start3A_158 = tpu.memref_squeeze %dma_start3A_157 : memref<1x125xi32, #tpu.memory_space<vmem>> -> memref<125xi32, #tpu.memory_space<vmem>>
      %dma_start3A_159 = arith.constant 0 : i32
      %dma_start3A_160 = arith.constant 0 : i32
      %dma_start3A_161 = tpu.memref_slice %arg16[%dma_start3A_159, %dma_start3A_160] : memref<10000x128xbf16, #tpu.memory_space<vmem_shared>> -> memref<10000x128xbf16, #tpu.memory_space<vmem_shared>>
      tpu.enqueue_indirect_dma source(%arg11 : memref<125x128xbf16, #tpu.memory_space<vmem>>) target(%dma_start3A_161 : memref<10000x128xbf16, #tpu.memory_space<vmem_shared>>) offsets(%dma_start3A_158 : memref<125xi32, #tpu.memory_space<vmem>>) semaphore(%arg28 : memref<!tpu.dma_semaphore, #tpu.memory_space<semaphore_mem>>) {add = true}
      %add3A_162 = arith.constant 4 : i32
      %add3A_163 = arith.addi %mul3A_98, %add3A_162 : i32
      %dma_wait3A_164 = arith.constant 0 : i32
      %dma_wait3A_165 = tpu.memref_slice %arg6[%add3A_163, %dma_wait3A_164] : memref<80x125xi32, #tpu.memory_space<vmem>> -> memref<1x125xi32, #tpu.memory_space<vmem>>
      %dma_wait3A_166 = tpu.memref_squeeze %dma_wait3A_165 : memref<1x125xi32, #tpu.memory_space<vmem>> -> memref<125xi32, #tpu.memory_space<vmem>>
      %dma_wait3A_167 = arith.constant 0 : i32
      %dma_wait3A_168 = arith.constant 0 : i32
      %dma_wait3A_169 = tpu.memref_slice %arg2[%dma_wait3A_167, %dma_wait3A_168] : memref<10000x128xbf16, #tpu.memory_space<hbm>> -> memref<10000x128xbf16, #tpu.memory_space<hbm>>
      tpu.wait_indirect_dma semaphore(%arg21 : memref<!tpu.dma_semaphore, #tpu.memory_space<semaphore_mem>>) src(%dma_wait3A_169 : memref<10000x128xbf16, #tpu.memory_space<hbm>>) dst(%arg12 : memref<125x128xbf16, #tpu.memory_space<vmem>>)
      %add3A_170 = arith.constant 4 : i32
      %add3A_171 = arith.addi %mul3A_98, %add3A_170 : i32
      %dma_start3A_172 = arith.constant 0 : i32
      %dma_start3A_173 = tpu.memref_slice %arg7[%add3A_171, %dma_start3A_172] : memref<80x125xi32, #tpu.memory_space<vmem>> -> memref<1x125xi32, #tpu.memory_space<vmem>>
      %dma_start3A_174 = tpu.memref_squeeze %dma_start3A_173 : memref<1x125xi32, #tpu.memory_space<vmem>> -> memref<125xi32, #tpu.memory_space<vmem>>
      %dma_start3A_175 = arith.constant 0 : i32
      %dma_start3A_176 = arith.constant 0 : i32
      %dma_start3A_177 = tpu.memref_slice %arg16[%dma_start3A_175, %dma_start3A_176] : memref<10000x128xbf16, #tpu.memory_space<vmem_shared>> -> memref<10000x128xbf16, #tpu.memory_space<vmem_shared>>
      tpu.enqueue_indirect_dma source(%arg12 : memref<125x128xbf16, #tpu.memory_space<vmem>>) target(%dma_start3A_177 : memref<10000x128xbf16, #tpu.memory_space<vmem_shared>>) offsets(%dma_start3A_174 : memref<125xi32, #tpu.memory_space<vmem>>) semaphore(%arg29 : memref<!tpu.dma_semaphore, #tpu.memory_space<semaphore_mem>>) {add = true}
      %add3A_178 = arith.constant 5 : i32
      %add3A_179 = arith.addi %mul3A_98, %add3A_178 : i32
      %dma_wait3A_180 = arith.constant 0 : i32
      %dma_wait3A_181 = tpu.memref_slice %arg6[%add3A_179, %dma_wait3A_180] : memref<80x125xi32, #tpu.memory_space<vmem>> -> memref<1x125xi32, #tpu.memory_space<vmem>>
      %dma_wait3A_182 = tpu.memref_squeeze %dma_wait3A_181 : memref<1x125xi32, #tpu.memory_space<vmem>> -> memref<125xi32, #tpu.memory_space<vmem>>
      %dma_wait3A_183 = arith.constant 0 : i32
      %dma_wait3A_184 = arith.constant 0 : i32
      %dma_wait3A_185 = tpu.memref_slice %arg2[%dma_wait3A_183, %dma_wait3A_184] : memref<10000x128xbf16, #tpu.memory_space<hbm>> -> memref<10000x128xbf16, #tpu.memory_space<hbm>>
      tpu.wait_indirect_dma semaphore(%arg22 : memref<!tpu.dma_semaphore, #tpu.memory_space<semaphore_mem>>) src(%dma_wait3A_185 : memref<10000x128xbf16, #tpu.memory_space<hbm>>) dst(%arg13 : memref<125x128xbf16, #tpu.memory_space<vmem>>)
      %add3A_186 = arith.constant 5 : i32
      %add3A_187 = arith.addi %mul3A_98, %add3A_186 : i32
      %dma_start3A_188 = arith.constant 0 : i32
      %dma_start3A_189 = tpu.memref_slice %arg7[%add3A_187, %dma_start3A_188] : memref<80x125xi32, #tpu.memory_space<vmem>> -> memref<1x125xi32, #tpu.memory_space<vmem>>
      %dma_start3A_190 = tpu.memref_squeeze %dma_start3A_189 : memref<1x125xi32, #tpu.memory_space<vmem>> -> memref<125xi32, #tpu.memory_space<vmem>>
      %dma_start3A_191 = arith.constant 0 : i32
      %dma_start3A_192 = arith.constant 0 : i32
      %dma_start3A_193 = tpu.memref_slice %arg16[%dma_start3A_191, %dma_start3A_192] : memref<10000x128xbf16, #tpu.memory_space<vmem_shared>> -> memref<10000x128xbf16, #tpu.memory_space<vmem_shared>>
      tpu.enqueue_indirect_dma source(%arg13 : memref<125x128xbf16, #tpu.memory_space<vmem>>) target(%dma_start3A_193 : memref<10000x128xbf16, #tpu.memory_space<vmem_shared>>) offsets(%dma_start3A_190 : memref<125xi32, #tpu.memory_space<vmem>>) semaphore(%arg30 : memref<!tpu.dma_semaphore, #tpu.memory_space<semaphore_mem>>) {add = true}
      %add3A_194 = arith.constant 6 : i32
      %add3A_195 = arith.addi %mul3A_98, %add3A_194 : i32
      %dma_wait3A_196 = arith.constant 0 : i32
      %dma_wait3A_197 = tpu.memref_slice %arg6[%add3A_195, %dma_wait3A_196] : memref<80x125xi32, #tpu.memory_space<vmem>> -> memref<1x125xi32, #tpu.memory_space<vmem>>
      %dma_wait3A_198 = tpu.memref_squeeze %dma_wait3A_197 : memref<1x125xi32, #tpu.memory_space<vmem>> -> memref<125xi32, #tpu.memory_space<vmem>>
      %dma_wait3A_199 = arith.constant 0 : i32
      %dma_wait3A_200 = arith.constant 0 : i32
      %dma_wait3A_201 = tpu.memref_slice %arg2[%dma_wait3A_199, %dma_wait3A_200] : memref<10000x128xbf16, #tpu.memory_space<hbm>> -> memref<10000x128xbf16, #tpu.memory_space<hbm>>
      tpu.wait_indirect_dma semaphore(%arg23 : memref<!tpu.dma_semaphore, #tpu.memory_space<semaphore_mem>>) src(%dma_wait3A_201 : memref<10000x128xbf16, #tpu.memory_space<hbm>>) dst(%arg14 : memref<125x128xbf16, #tpu.memory_space<vmem>>)
      %add3A_202 = arith.constant 6 : i32
      %add3A_203 = arith.addi %mul3A_98, %add3A_202 : i32
      %dma_start3A_204 = arith.constant 0 : i32
      %dma_start3A_205 = tpu.memref_slice %arg7[%add3A_203, %dma_start3A_204] : memref<80x125xi32, #tpu.memory_space<vmem>> -> memref<1x125xi32, #tpu.memory_space<vmem>>
      %dma_start3A_206 = tpu.memref_squeeze %dma_start3A_205 : memref<1x125xi32, #tpu.memory_space<vmem>> -> memref<125xi32, #tpu.memory_space<vmem>>
      %dma_start3A_207 = arith.constant 0 : i32
      %dma_start3A_208 = arith.constant 0 : i32
      %dma_start3A_209 = tpu.memref_slice %arg16[%dma_start3A_207, %dma_start3A_208] : memref<10000x128xbf16, #tpu.memory_space<vmem_shared>> -> memref<10000x128xbf16, #tpu.memory_space<vmem_shared>>
      tpu.enqueue_indirect_dma source(%arg14 : memref<125x128xbf16, #tpu.memory_space<vmem>>) target(%dma_start3A_209 : memref<10000x128xbf16, #tpu.memory_space<vmem_shared>>) offsets(%dma_start3A_206 : memref<125xi32, #tpu.memory_space<vmem>>) semaphore(%arg31 : memref<!tpu.dma_semaphore, #tpu.memory_space<semaphore_mem>>) {add = true}
      %add3A_210 = arith.constant 7 : i32
      %add3A_211 = arith.addi %mul3A_98, %add3A_210 : i32
      %dma_wait3A_212 = arith.constant 0 : i32
      %dma_wait3A_213 = tpu.memref_slice %arg6[%add3A_211, %dma_wait3A_212] : memref<80x125xi32, #tpu.memory_space<vmem>> -> memref<1x125xi32, #tpu.memory_space<vmem>>
      %dma_wait3A_214 = tpu.memref_squeeze %dma_wait3A_213 : memref<1x125xi32, #tpu.memory_space<vmem>> -> memref<125xi32, #tpu.memory_space<vmem>>
      %dma_wait3A_215 = arith.constant 0 : i32
      %dma_wait3A_216 = arith.constant 0 : i32
      %dma_wait3A_217 = tpu.memref_slice %arg2[%dma_wait3A_215, %dma_wait3A_216] : memref<10000x128xbf16, #tpu.memory_space<hbm>> -> memref<10000x128xbf16, #tpu.memory_space<hbm>>
      tpu.wait_indirect_dma semaphore(%arg24 : memref<!tpu.dma_semaphore, #tpu.memory_space<semaphore_mem>>) src(%dma_wait3A_217 : memref<10000x128xbf16, #tpu.memory_space<hbm>>) dst(%arg15 : memref<125x128xbf16, #tpu.memory_space<vmem>>)
      %add3A_218 = arith.constant 7 : i32
      %add3A_219 = arith.addi %mul3A_98, %add3A_218 : i32
      %dma_start3A_220 = arith.constant 0 : i32
      %dma_start3A_221 = tpu.memref_slice %arg7[%add3A_219, %dma_start3A_220] : memref<80x125xi32, #tpu.memory_space<vmem>> -> memref<1x125xi32, #tpu.memory_space<vmem>>
      %dma_start3A_222 = tpu.memref_squeeze %dma_start3A_221 : memref<1x125xi32, #tpu.memory_space<vmem>> -> memref<125xi32, #tpu.memory_space<vmem>>
      %dma_start3A_223 = arith.constant 0 : i32
      %dma_start3A_224 = arith.constant 0 : i32
      %dma_start3A_225 = tpu.memref_slice %arg16[%dma_start3A_223, %dma_start3A_224] : memref<10000x128xbf16, #tpu.memory_space<vmem_shared>> -> memref<10000x128xbf16, #tpu.memory_space<vmem_shared>>
      tpu.enqueue_indirect_dma source(%arg15 : memref<125x128xbf16, #tpu.memory_space<vmem>>) target(%dma_start3A_225 : memref<10000x128xbf16, #tpu.memory_space<vmem_shared>>) offsets(%dma_start3A_222 : memref<125xi32, #tpu.memory_space<vmem>>) semaphore(%arg32 : memref<!tpu.dma_semaphore, #tpu.memory_space<semaphore_mem>>) {add = true}
      %add3A_226 = arith.constant 0 : i32
      %add3A_227 = arith.addi %mul3A_98, %add3A_226 : i32
      %dma_wait3A_228 = arith.constant 0 : i32
      %dma_wait3A_229 = tpu.memref_slice %arg7[%add3A_227, %dma_wait3A_228] : memref<80x125xi32, #tpu.memory_space<vmem>> -> memref<1x125xi32, #tpu.memory_space<vmem>>
      %dma_wait3A_230 = tpu.memref_squeeze %dma_wait3A_229 : memref<1x125xi32, #tpu.memory_space<vmem>> -> memref<125xi32, #tpu.memory_space<vmem>>
      %dma_wait3A_231 = arith.constant 0 : i32
      %dma_wait3A_232 = arith.constant 0 : i32
      %dma_wait3A_233 = tpu.memref_slice %arg16[%dma_wait3A_231, %dma_wait3A_232] : memref<10000x128xbf16, #tpu.memory_space<vmem_shared>> -> memref<10000x128xbf16, #tpu.memory_space<vmem_shared>>
      tpu.wait_indirect_dma semaphore(%arg25 : memref<!tpu.dma_semaphore, #tpu.memory_space<semaphore_mem>>) src(%arg8 : memref<125x128xbf16, #tpu.memory_space<vmem>>) dst(%dma_wait3A_233 : memref<10000x128xbf16, #tpu.memory_space<vmem_shared>>)
      %add3A_234 = arith.constant 8 : i32
      %add3A_235 = arith.addi %mul3A_98, %add3A_234 : i32
      %add3A_236 = arith.constant 0 : i32
      %add3A_237 = arith.addi %add3A_235, %add3A_236 : i32
      %lt3A = arith.constant 80 : i32
      %lt3A_238 = arith.cmpi slt, %add3A_237, %lt3A : i32
      %convert_element_type3A = arith.extui %lt3A_238 : i1 to i32
      %cond3A = arith.constant 0 : i32
      %cond3A_239 = arith.cmpi ne, %convert_element_type3A, %cond3A : i32
      scf.if %cond3A_239 {
        %add3A_359 = arith.constant 8 : i32
        %add3A_360 = arith.addi %mul3A_98, %add3A_359 : i32
        %add3A_361 = arith.constant 0 : i32
        %add3A_362 = arith.addi %add3A_360, %add3A_361 : i32
        %dma_start3A_363 = arith.constant 0 : i32
        %dma_start3A_364 = tpu.memref_slice %arg6[%add3A_362, %dma_start3A_363] : memref<80x125xi32, #tpu.memory_space<vmem>> -> memref<1x125xi32, #tpu.memory_space<vmem>>
        %dma_start3A_365 = tpu.memref_squeeze %dma_start3A_364 : memref<1x125xi32, #tpu.memory_space<vmem>> -> memref<125xi32, #tpu.memory_space<vmem>>
        %dma_start3A_366 = arith.constant 0 : i32
        %dma_start3A_367 = arith.constant 0 : i32
        %dma_start3A_368 = tpu.memref_slice %arg2[%dma_start3A_366, %dma_start3A_367] : memref<10000x128xbf16, #tpu.memory_space<hbm>> -> memref<10000x128xbf16, #tpu.memory_space<hbm>>
        tpu.enqueue_indirect_dma source(%dma_start3A_368 : memref<10000x128xbf16, #tpu.memory_space<hbm>>) target(%arg8 : memref<125x128xbf16, #tpu.memory_space<vmem>>) offsets(%dma_start3A_365 : memref<125xi32, #tpu.memory_space<vmem>>) semaphore(%arg17 : memref<!tpu.dma_semaphore, #tpu.memory_space<semaphore_mem>>)
      } else {
      }
      %add3A_240 = arith.constant 1 : i32
      %add3A_241 = arith.addi %mul3A_98, %add3A_240 : i32
      %dma_wait3A_242 = arith.constant 0 : i32
      %dma_wait3A_243 = tpu.memref_slice %arg7[%add3A_241, %dma_wait3A_242] : memref<80x125xi32, #tpu.memory_space<vmem>> -> memref<1x125xi32, #tpu.memory_space<vmem>>
      %dma_wait3A_244 = tpu.memref_squeeze %dma_wait3A_243 : memref<1x125xi32, #tpu.memory_space<vmem>> -> memref<125xi32, #tpu.memory_space<vmem>>
      %dma_wait3A_245 = arith.constant 0 : i32
      %dma_wait3A_246 = arith.constant 0 : i32
      %dma_wait3A_247 = tpu.memref_slice %arg16[%dma_wait3A_245, %dma_wait3A_246] : memref<10000x128xbf16, #tpu.memory_space<vmem_shared>> -> memref<10000x128xbf16, #tpu.memory_space<vmem_shared>>
      tpu.wait_indirect_dma semaphore(%arg26 : memref<!tpu.dma_semaphore, #tpu.memory_space<semaphore_mem>>) src(%arg9 : memref<125x128xbf16, #tpu.memory_space<vmem>>) dst(%dma_wait3A_247 : memref<10000x128xbf16, #tpu.memory_space<vmem_shared>>)
      %add3A_248 = arith.constant 8 : i32
      %add3A_249 = arith.addi %mul3A_98, %add3A_248 : i32
      %add3A_250 = arith.constant 1 : i32
      %add3A_251 = arith.addi %add3A_249, %add3A_250 : i32
      %lt3A_252 = arith.constant 80 : i32
      %lt3A_253 = arith.cmpi slt, %add3A_251, %lt3A_252 : i32
      %convert_element_type3A_254 = arith.extui %lt3A_253 : i1 to i32
      %cond3A_255 = arith.constant 0 : i32
      %cond3A_256 = arith.cmpi ne, %convert_element_type3A_254, %cond3A_255 : i32
      scf.if %cond3A_256 {
        %add3A_359 = arith.constant 8 : i32
        %add3A_360 = arith.addi %mul3A_98, %add3A_359 : i32
        %add3A_361 = arith.constant 1 : i32
        %add3A_362 = arith.addi %add3A_360, %add3A_361 : i32
        %dma_start3A_363 = arith.constant 0 : i32
        %dma_start3A_364 = tpu.memref_slice %arg6[%add3A_362, %dma_start3A_363] : memref<80x125xi32, #tpu.memory_space<vmem>> -> memref<1x125xi32, #tpu.memory_space<vmem>>
        %dma_start3A_365 = tpu.memref_squeeze %dma_start3A_364 : memref<1x125xi32, #tpu.memory_space<vmem>> -> memref<125xi32, #tpu.memory_space<vmem>>
        %dma_start3A_366 = arith.constant 0 : i32
        %dma_start3A_367 = arith.constant 0 : i32
        %dma_start3A_368 = tpu.memref_slice %arg2[%dma_start3A_366, %dma_start3A_367] : memref<10000x128xbf16, #tpu.memory_space<hbm>> -> memref<10000x128xbf16, #tpu.memory_space<hbm>>
        tpu.enqueue_indirect_dma source(%dma_start3A_368 : memref<10000x128xbf16, #tpu.memory_space<hbm>>) target(%arg9 : memref<125x128xbf16, #tpu.memory_space<vmem>>) offsets(%dma_start3A_365 : memref<125xi32, #tpu.memory_space<vmem>>) semaphore(%arg18 : memref<!tpu.dma_semaphore, #tpu.memory_space<semaphore_mem>>)
      } else {
      }
      %add3A_257 = arith.constant 2 : i32
      %add3A_258 = arith.addi %mul3A_98, %add3A_257 : i32
      %dma_wait3A_259 = arith.constant 0 : i32
      %dma_wait3A_260 = tpu.memref_slice %arg7[%add3A_258, %dma_wait3A_259] : memref<80x125xi32, #tpu.memory_space<vmem>> -> memref<1x125xi32, #tpu.memory_space<vmem>>
      %dma_wait3A_261 = tpu.memref_squeeze %dma_wait3A_260 : memref<1x125xi32, #tpu.memory_space<vmem>> -> memref<125xi32, #tpu.memory_space<vmem>>
      %dma_wait3A_262 = arith.constant 0 : i32
      %dma_wait3A_263 = arith.constant 0 : i32
      %dma_wait3A_264 = tpu.memref_slice %arg16[%dma_wait3A_262, %dma_wait3A_263] : memref<10000x128xbf16, #tpu.memory_space<vmem_shared>> -> memref<10000x128xbf16, #tpu.memory_space<vmem_shared>>
      tpu.wait_indirect_dma semaphore(%arg27 : memref<!tpu.dma_semaphore, #tpu.memory_space<semaphore_mem>>) src(%arg10 : memref<125x128xbf16, #tpu.memory_space<vmem>>) dst(%dma_wait3A_264 : memref<10000x128xbf16, #tpu.memory_space<vmem_shared>>)
      %add3A_265 = arith.constant 8 : i32
      %add3A_266 = arith.addi %mul3A_98, %add3A_265 : i32
      %add3A_267 = arith.constant 2 : i32
      %add3A_268 = arith.addi %add3A_266, %add3A_267 : i32
      %lt3A_269 = arith.constant 80 : i32
      %lt3A_270 = arith.cmpi slt, %add3A_268, %lt3A_269 : i32
      %convert_element_type3A_271 = arith.extui %lt3A_270 : i1 to i32
      %cond3A_272 = arith.constant 0 : i32
      %cond3A_273 = arith.cmpi ne, %convert_element_type3A_271, %cond3A_272 : i32
      scf.if %cond3A_273 {
        %add3A_359 = arith.constant 8 : i32
        %add3A_360 = arith.addi %mul3A_98, %add3A_359 : i32
        %add3A_361 = arith.constant 2 : i32
        %add3A_362 = arith.addi %add3A_360, %add3A_361 : i32
        %dma_start3A_363 = arith.constant 0 : i32
        %dma_start3A_364 = tpu.memref_slice %arg6[%add3A_362, %dma_start3A_363] : memref<80x125xi32, #tpu.memory_space<vmem>> -> memref<1x125xi32, #tpu.memory_space<vmem>>
        %dma_start3A_365 = tpu.memref_squeeze %dma_start3A_364 : memref<1x125xi32, #tpu.memory_space<vmem>> -> memref<125xi32, #tpu.memory_space<vmem>>
        %dma_start3A_366 = arith.constant 0 : i32
        %dma_start3A_367 = arith.constant 0 : i32
        %dma_start3A_368 = tpu.memref_slice %arg2[%dma_start3A_366, %dma_start3A_367] : memref<10000x128xbf16, #tpu.memory_space<hbm>> -> memref<10000x128xbf16, #tpu.memory_space<hbm>>
        tpu.enqueue_indirect_dma source(%dma_start3A_368 : memref<10000x128xbf16, #tpu.memory_space<hbm>>) target(%arg10 : memref<125x128xbf16, #tpu.memory_space<vmem>>) offsets(%dma_start3A_365 : memref<125xi32, #tpu.memory_space<vmem>>) semaphore(%arg19 : memref<!tpu.dma_semaphore, #tpu.memory_space<semaphore_mem>>)
      } else {
      }
      %add3A_274 = arith.constant 3 : i32
      %add3A_275 = arith.addi %mul3A_98, %add3A_274 : i32
      %dma_wait3A_276 = arith.constant 0 : i32
      %dma_wait3A_277 = tpu.memref_slice %arg7[%add3A_275, %dma_wait3A_276] : memref<80x125xi32, #tpu.memory_space<vmem>> -> memref<1x125xi32, #tpu.memory_space<vmem>>
      %dma_wait3A_278 = tpu.memref_squeeze %dma_wait3A_277 : memref<1x125xi32, #tpu.memory_space<vmem>> -> memref<125xi32, #tpu.memory_space<vmem>>
      %dma_wait3A_279 = arith.constant 0 : i32
      %dma_wait3A_280 = arith.constant 0 : i32
      %dma_wait3A_281 = tpu.memref_slice %arg16[%dma_wait3A_279, %dma_wait3A_280] : memref<10000x128xbf16, #tpu.memory_space<vmem_shared>> -> memref<10000x128xbf16, #tpu.memory_space<vmem_shared>>
      tpu.wait_indirect_dma semaphore(%arg28 : memref<!tpu.dma_semaphore, #tpu.memory_space<semaphore_mem>>) src(%arg11 : memref<125x128xbf16, #tpu.memory_space<vmem>>) dst(%dma_wait3A_281 : memref<10000x128xbf16, #tpu.memory_space<vmem_shared>>)
      %add3A_282 = arith.constant 8 : i32
      %add3A_283 = arith.addi %mul3A_98, %add3A_282 : i32
      %add3A_284 = arith.constant 3 : i32
      %add3A_285 = arith.addi %add3A_283, %add3A_284 : i32
      %lt3A_286 = arith.constant 80 : i32
      %lt3A_287 = arith.cmpi slt, %add3A_285, %lt3A_286 : i32
      %convert_element_type3A_288 = arith.extui %lt3A_287 : i1 to i32
      %cond3A_289 = arith.constant 0 : i32
      %cond3A_290 = arith.cmpi ne, %convert_element_type3A_288, %cond3A_289 : i32
      scf.if %cond3A_290 {
        %add3A_359 = arith.constant 8 : i32
        %add3A_360 = arith.addi %mul3A_98, %add3A_359 : i32
        %add3A_361 = arith.constant 3 : i32
        %add3A_362 = arith.addi %add3A_360, %add3A_361 : i32
        %dma_start3A_363 = arith.constant 0 : i32
        %dma_start3A_364 = tpu.memref_slice %arg6[%add3A_362, %dma_start3A_363] : memref<80x125xi32, #tpu.memory_space<vmem>> -> memref<1x125xi32, #tpu.memory_space<vmem>>
        %dma_start3A_365 = tpu.memref_squeeze %dma_start3A_364 : memref<1x125xi32, #tpu.memory_space<vmem>> -> memref<125xi32, #tpu.memory_space<vmem>>
        %dma_start3A_366 = arith.constant 0 : i32
        %dma_start3A_367 = arith.constant 0 : i32
        %dma_start3A_368 = tpu.memref_slice %arg2[%dma_start3A_366, %dma_start3A_367] : memref<10000x128xbf16, #tpu.memory_space<hbm>> -> memref<10000x128xbf16, #tpu.memory_space<hbm>>
        tpu.enqueue_indirect_dma source(%dma_start3A_368 : memref<10000x128xbf16, #tpu.memory_space<hbm>>) target(%arg11 : memref<125x128xbf16, #tpu.memory_space<vmem>>) offsets(%dma_start3A_365 : memref<125xi32, #tpu.memory_space<vmem>>) semaphore(%arg20 : memref<!tpu.dma_semaphore, #tpu.memory_space<semaphore_mem>>)
      } else {
      }
      %add3A_291 = arith.constant 4 : i32
      %add3A_292 = arith.addi %mul3A_98, %add3A_291 : i32
      %dma_wait3A_293 = arith.constant 0 : i32
      %dma_wait3A_294 = tpu.memref_slice %arg7[%add3A_292, %dma_wait3A_293] : memref<80x125xi32, #tpu.memory_space<vmem>> -> memref<1x125xi32, #tpu.memory_space<vmem>>
      %dma_wait3A_295 = tpu.memref_squeeze %dma_wait3A_294 : memref<1x125xi32, #tpu.memory_space<vmem>> -> memref<125xi32, #tpu.memory_space<vmem>>
      %dma_wait3A_296 = arith.constant 0 : i32
      %dma_wait3A_297 = arith.constant 0 : i32
      %dma_wait3A_298 = tpu.memref_slice %arg16[%dma_wait3A_296, %dma_wait3A_297] : memref<10000x128xbf16, #tpu.memory_space<vmem_shared>> -> memref<10000x128xbf16, #tpu.memory_space<vmem_shared>>
      tpu.wait_indirect_dma semaphore(%arg29 : memref<!tpu.dma_semaphore, #tpu.memory_space<semaphore_mem>>) src(%arg12 : memref<125x128xbf16, #tpu.memory_space<vmem>>) dst(%dma_wait3A_298 : memref<10000x128xbf16, #tpu.memory_space<vmem_shared>>)
      %add3A_299 = arith.constant 8 : i32
      %add3A_300 = arith.addi %mul3A_98, %add3A_299 : i32
      %add3A_301 = arith.constant 4 : i32
      %add3A_302 = arith.addi %add3A_300, %add3A_301 : i32
      %lt3A_303 = arith.constant 80 : i32
      %lt3A_304 = arith.cmpi slt, %add3A_302, %lt3A_303 : i32
      %convert_element_type3A_305 = arith.extui %lt3A_304 : i1 to i32
      %cond3A_306 = arith.constant 0 : i32
      %cond3A_307 = arith.cmpi ne, %convert_element_type3A_305, %cond3A_306 : i32
      scf.if %cond3A_307 {
        %add3A_359 = arith.constant 8 : i32
        %add3A_360 = arith.addi %mul3A_98, %add3A_359 : i32
        %add3A_361 = arith.constant 4 : i32
        %add3A_362 = arith.addi %add3A_360, %add3A_361 : i32
        %dma_start3A_363 = arith.constant 0 : i32
        %dma_start3A_364 = tpu.memref_slice %arg6[%add3A_362, %dma_start3A_363] : memref<80x125xi32, #tpu.memory_space<vmem>> -> memref<1x125xi32, #tpu.memory_space<vmem>>
        %dma_start3A_365 = tpu.memref_squeeze %dma_start3A_364 : memref<1x125xi32, #tpu.memory_space<vmem>> -> memref<125xi32, #tpu.memory_space<vmem>>
        %dma_start3A_366 = arith.constant 0 : i32
        %dma_start3A_367 = arith.constant 0 : i32
        %dma_start3A_368 = tpu.memref_slice %arg2[%dma_start3A_366, %dma_start3A_367] : memref<10000x128xbf16, #tpu.memory_space<hbm>> -> memref<10000x128xbf16, #tpu.memory_space<hbm>>
        tpu.enqueue_indirect_dma source(%dma_start3A_368 : memref<10000x128xbf16, #tpu.memory_space<hbm>>) target(%arg12 : memref<125x128xbf16, #tpu.memory_space<vmem>>) offsets(%dma_start3A_365 : memref<125xi32, #tpu.memory_space<vmem>>) semaphore(%arg21 : memref<!tpu.dma_semaphore, #tpu.memory_space<semaphore_mem>>)
      } else {
      }
      %add3A_308 = arith.constant 5 : i32
      %add3A_309 = arith.addi %mul3A_98, %add3A_308 : i32
      %dma_wait3A_310 = arith.constant 0 : i32
      %dma_wait3A_311 = tpu.memref_slice %arg7[%add3A_309, %dma_wait3A_310] : memref<80x125xi32, #tpu.memory_space<vmem>> -> memref<1x125xi32, #tpu.memory_space<vmem>>
      %dma_wait3A_312 = tpu.memref_squeeze %dma_wait3A_311 : memref<1x125xi32, #tpu.memory_space<vmem>> -> memref<125xi32, #tpu.memory_space<vmem>>
      %dma_wait3A_313 = arith.constant 0 : i32
      %dma_wait3A_314 = arith.constant 0 : i32
      %dma_wait3A_315 = tpu.memref_slice %arg16[%dma_wait3A_313, %dma_wait3A_314] : memref<10000x128xbf16, #tpu.memory_space<vmem_shared>> -> memref<10000x128xbf16, #tpu.memory_space<vmem_shared>>
      tpu.wait_indirect_dma semaphore(%arg30 : memref<!tpu.dma_semaphore, #tpu.memory_space<semaphore_mem>>) src(%arg13 : memref<125x128xbf16, #tpu.memory_space<vmem>>) dst(%dma_wait3A_315 : memref<10000x128xbf16, #tpu.memory_space<vmem_shared>>)
      %add3A_316 = arith.constant 8 : i32
      %add3A_317 = arith.addi %mul3A_98, %add3A_316 : i32
      %add3A_318 = arith.constant 5 : i32
      %add3A_319 = arith.addi %add3A_317, %add3A_318 : i32
      %lt3A_320 = arith.constant 80 : i32
      %lt3A_321 = arith.cmpi slt, %add3A_319, %lt3A_320 : i32
      %convert_element_type3A_322 = arith.extui %lt3A_321 : i1 to i32
      %cond3A_323 = arith.constant 0 : i32
      %cond3A_324 = arith.cmpi ne, %convert_element_type3A_322, %cond3A_323 : i32
      scf.if %cond3A_324 {
        %add3A_359 = arith.constant 8 : i32
        %add3A_360 = arith.addi %mul3A_98, %add3A_359 : i32
        %add3A_361 = arith.constant 5 : i32
        %add3A_362 = arith.addi %add3A_360, %add3A_361 : i32
        %dma_start3A_363 = arith.constant 0 : i32
        %dma_start3A_364 = tpu.memref_slice %arg6[%add3A_362, %dma_start3A_363] : memref<80x125xi32, #tpu.memory_space<vmem>> -> memref<1x125xi32, #tpu.memory_space<vmem>>
        %dma_start3A_365 = tpu.memref_squeeze %dma_start3A_364 : memref<1x125xi32, #tpu.memory_space<vmem>> -> memref<125xi32, #tpu.memory_space<vmem>>
        %dma_start3A_366 = arith.constant 0 : i32
        %dma_start3A_367 = arith.constant 0 : i32
        %dma_start3A_368 = tpu.memref_slice %arg2[%dma_start3A_366, %dma_start3A_367] : memref<10000x128xbf16, #tpu.memory_space<hbm>> -> memref<10000x128xbf16, #tpu.memory_space<hbm>>
        tpu.enqueue_indirect_dma source(%dma_start3A_368 : memref<10000x128xbf16, #tpu.memory_space<hbm>>) target(%arg13 : memref<125x128xbf16, #tpu.memory_space<vmem>>) offsets(%dma_start3A_365 : memref<125xi32, #tpu.memory_space<vmem>>) semaphore(%arg22 : memref<!tpu.dma_semaphore, #tpu.memory_space<semaphore_mem>>)
      } else {
      }
      %add3A_325 = arith.constant 6 : i32
      %add3A_326 = arith.addi %mul3A_98, %add3A_325 : i32
      %dma_wait3A_327 = arith.constant 0 : i32
      %dma_wait3A_328 = tpu.memref_slice %arg7[%add3A_326, %dma_wait3A_327] : memref<80x125xi32, #tpu.memory_space<vmem>> -> memref<1x125xi32, #tpu.memory_space<vmem>>
      %dma_wait3A_329 = tpu.memref_squeeze %dma_wait3A_328 : memref<1x125xi32, #tpu.memory_space<vmem>> -> memref<125xi32, #tpu.memory_space<vmem>>
      %dma_wait3A_330 = arith.constant 0 : i32
      %dma_wait3A_331 = arith.constant 0 : i32
      %dma_wait3A_332 = tpu.memref_slice %arg16[%dma_wait3A_330, %dma_wait3A_331] : memref<10000x128xbf16, #tpu.memory_space<vmem_shared>> -> memref<10000x128xbf16, #tpu.memory_space<vmem_shared>>
      tpu.wait_indirect_dma semaphore(%arg31 : memref<!tpu.dma_semaphore, #tpu.memory_space<semaphore_mem>>) src(%arg14 : memref<125x128xbf16, #tpu.memory_space<vmem>>) dst(%dma_wait3A_332 : memref<10000x128xbf16, #tpu.memory_space<vmem_shared>>)
      %add3A_333 = arith.constant 8 : i32
      %add3A_334 = arith.addi %mul3A_98, %add3A_333 : i32
      %add3A_335 = arith.constant 6 : i32
      %add3A_336 = arith.addi %add3A_334, %add3A_335 : i32
      %lt3A_337 = arith.constant 80 : i32
      %lt3A_338 = arith.cmpi slt, %add3A_336, %lt3A_337 : i32
      %convert_element_type3A_339 = arith.extui %lt3A_338 : i1 to i32
      %cond3A_340 = arith.constant 0 : i32
      %cond3A_341 = arith.cmpi ne, %convert_element_type3A_339, %cond3A_340 : i32
      scf.if %cond3A_341 {
        %add3A_359 = arith.constant 8 : i32
        %add3A_360 = arith.addi %mul3A_98, %add3A_359 : i32
        %add3A_361 = arith.constant 6 : i32
        %add3A_362 = arith.addi %add3A_360, %add3A_361 : i32
        %dma_start3A_363 = arith.constant 0 : i32
        %dma_start3A_364 = tpu.memref_slice %arg6[%add3A_362, %dma_start3A_363] : memref<80x125xi32, #tpu.memory_space<vmem>> -> memref<1x125xi32, #tpu.memory_space<vmem>>
        %dma_start3A_365 = tpu.memref_squeeze %dma_start3A_364 : memref<1x125xi32, #tpu.memory_space<vmem>> -> memref<125xi32, #tpu.memory_space<vmem>>
        %dma_start3A_366 = arith.constant 0 : i32
        %dma_start3A_367 = arith.constant 0 : i32
        %dma_start3A_368 = tpu.memref_slice %arg2[%dma_start3A_366, %dma_start3A_367] : memref<10000x128xbf16, #tpu.memory_space<hbm>> -> memref<10000x128xbf16, #tpu.memory_space<hbm>>
        tpu.enqueue_indirect_dma source(%dma_start3A_368 : memref<10000x128xbf16, #tpu.memory_space<hbm>>) target(%arg14 : memref<125x128xbf16, #tpu.memory_space<vmem>>) offsets(%dma_start3A_365 : memref<125xi32, #tpu.memory_space<vmem>>) semaphore(%arg23 : memref<!tpu.dma_semaphore, #tpu.memory_space<semaphore_mem>>)
      } else {
      }
      %add3A_342 = arith.constant 7 : i32
      %add3A_343 = arith.addi %mul3A_98, %add3A_342 : i32
      %dma_wait3A_344 = arith.constant 0 : i32
      %dma_wait3A_345 = tpu.memref_slice %arg7[%add3A_343, %dma_wait3A_344] : memref<80x125xi32, #tpu.memory_space<vmem>> -> memref<1x125xi32, #tpu.memory_space<vmem>>
      %dma_wait3A_346 = tpu.memref_squeeze %dma_wait3A_345 : memref<1x125xi32, #tpu.memory_space<vmem>> -> memref<125xi32, #tpu.memory_space<vmem>>
      %dma_wait3A_347 = arith.constant 0 : i32
      %dma_wait3A_348 = arith.constant 0 : i32
      %dma_wait3A_349 = tpu.memref_slice %arg16[%dma_wait3A_347, %dma_wait3A_348] : memref<10000x128xbf16, #tpu.memory_space<vmem_shared>> -> memref<10000x128xbf16, #tpu.memory_space<vmem_shared>>
      tpu.wait_indirect_dma semaphore(%arg32 : memref<!tpu.dma_semaphore, #tpu.memory_space<semaphore_mem>>) src(%arg15 : memref<125x128xbf16, #tpu.memory_space<vmem>>) dst(%dma_wait3A_349 : memref<10000x128xbf16, #tpu.memory_space<vmem_shared>>)
      %add3A_350 = arith.constant 8 : i32
      %add3A_351 = arith.addi %mul3A_98, %add3A_350 : i32
      %add3A_352 = arith.constant 7 : i32
      %add3A_353 = arith.addi %add3A_351, %add3A_352 : i32
      %lt3A_354 = arith.constant 80 : i32
      %lt3A_355 = arith.cmpi slt, %add3A_353, %lt3A_354 : i32
      %convert_element_type3A_356 = arith.extui %lt3A_355 : i1 to i32
      %cond3A_357 = arith.constant 0 : i32
      %cond3A_358 = arith.cmpi ne, %convert_element_type3A_356, %cond3A_357 : i32
      scf.if %cond3A_358 {
        %add3A_359 = arith.constant 8 : i32
        %add3A_360 = arith.addi %mul3A_98, %add3A_359 : i32
        %add3A_361 = arith.constant 7 : i32
        %add3A_362 = arith.addi %add3A_360, %add3A_361 : i32
        %dma_start3A_363 = arith.constant 0 : i32
        %dma_start3A_364 = tpu.memref_slice %arg6[%add3A_362, %dma_start3A_363] : memref<80x125xi32, #tpu.memory_space<vmem>> -> memref<1x125xi32, #tpu.memory_space<vmem>>
        %dma_start3A_365 = tpu.memref_squeeze %dma_start3A_364 : memref<1x125xi32, #tpu.memory_space<vmem>> -> memref<125xi32, #tpu.memory_space<vmem>>
        %dma_start3A_366 = arith.constant 0 : i32
        %dma_start3A_367 = arith.constant 0 : i32
        %dma_start3A_368 = tpu.memref_slice %arg2[%dma_start3A_366, %dma_start3A_367] : memref<10000x128xbf16, #tpu.memory_space<hbm>> -> memref<10000x128xbf16, #tpu.memory_space<hbm>>
        tpu.enqueue_indirect_dma source(%dma_start3A_368 : memref<10000x128xbf16, #tpu.memory_space<hbm>>) target(%arg15 : memref<125x128xbf16, #tpu.memory_space<vmem>>) offsets(%dma_start3A_365 : memref<125xi32, #tpu.memory_space<vmem>>) semaphore(%arg24 : memref<!tpu.dma_semaphore, #tpu.memory_space<semaphore_mem>>)
      } else {
      }
    }
    %scan3A_90 = arith.constant 10 : i32
    %barrier3A_91 = arith.constant 0 : index
    tpu.barrier barrier_id(%barrier3A_91)
    %mul3A_92 = arith.constant 625 : i32
    %mul3A_93 = arith.muli %arg1, %mul3A_92 : i32
    %mul3A_94 = arith.constant 625 : i32
    %mul3A_95 = arith.muli %arg1, %mul3A_94 : i32
    "tpu.region"() ({
      %run_scoped3A = tpu.sem_alloc : memref<!tpu.dma_semaphore, #tpu.memory_space<semaphore_mem>>
      %dma_start3A_96 = arith.constant 0 : i32
      %dma_start3A_97 = tpu.memref_slice %arg5[%arg0, %mul3A_95, %dma_start3A_96] : memref<2x10000x128xbf16, #tpu.memory_space<hbm>> -> memref<1x625x128xbf16, #tpu.memory_space<hbm>>
      %dma_start3A_98 = tpu.memref_squeeze %dma_start3A_97 : memref<1x625x128xbf16, #tpu.memory_space<hbm>> -> memref<625x128xbf16, #tpu.memory_space<hbm>>
      %dma_start3A_99 = arith.constant 0 : i32
      %dma_start3A_100 = tpu.memref_slice %arg16[%mul3A_93, %dma_start3A_99] : memref<10000x128xbf16, #tpu.memory_space<vmem_shared>> -> memref<625x128xbf16, #tpu.memory_space<vmem_shared>>
      tpu.enqueue_dma source(%dma_start3A_100 : memref<625x128xbf16, #tpu.memory_space<vmem_shared>>) target(%dma_start3A_98 : memref<625x128xbf16, #tpu.memory_space<hbm>>) target_semaphore(%run_scoped3A : memref<!tpu.dma_semaphore, #tpu.memory_space<semaphore_mem>>)
      %dma_wait3A = arith.constant 0 : i32
      %dma_wait3A_101 = tpu.memref_slice %arg5[%arg0, %mul3A_95, %dma_wait3A] : memref<2x10000x128xbf16, #tpu.memory_space<hbm>> -> memref<1x625x128xbf16, #tpu.memory_space<hbm>>
      %dma_wait3A_102 = tpu.memref_squeeze %dma_wait3A_101 : memref<1x625x128xbf16, #tpu.memory_space<hbm>> -> memref<625x128xbf16, #tpu.memory_space<hbm>>
      %dma_wait3A_103 = arith.constant 0 : i32
      %dma_wait3A_104 = tpu.memref_slice %arg16[%mul3A_93, %dma_wait3A_103] : memref<10000x128xbf16, #tpu.memory_space<vmem_shared>> -> memref<625x128xbf16, #tpu.memory_space<vmem_shared>>
      tpu.wait_dma2 semaphore(%run_scoped3A : memref<!tpu.dma_semaphore, #tpu.memory_space<semaphore_mem>>) src(%dma_wait3A_104 : memref<625x128xbf16, #tpu.memory_space<vmem_shared>>) dst(%dma_wait3A_102 : memref<625x128xbf16, #tpu.memory_space<hbm>>)
      tpu.yield
    }) : () -> ()
    return
  }
}

module attributes {stable_mosaic.version = 14 : i64} {
  func.func @_tc1_body(%arg0: i32, %arg1: memref<1000x128xf32, #tpu.memory_space<vmem>>, %arg2: memref<2x1000x16xf32, #tpu.memory_space<vmem>>, %arg3: memref<1000x128xbf16, #tpu.memory_space<vmem>>, %arg4: memref<1000x1xf32, #tpu.memory_space<vmem>>) attributes {dimension_semantics = [#tpu.dimension_semantics<arbitrary>], iteration_bounds = array<i64: 10>, scalar_prefetch = 0 : i64, scratch_operands = 0 : i64, tpu.core_type = #tpu.core_type<tc>, window_params = [{transform_indices = @transform_0, window_bounds = array<i64: 1000, 128>}, {transform_indices = @transform_1, window_bounds = array<i64: 2, 1000, 16>}, {transform_indices = @transform_2, window_bounds = array<i64: 1000, 128>}, {transform_indices = @transform_3, window_bounds = array<i64: 1000, 1>}]} {
    %get3A = arith.constant 0 : index
    %get3A_0 = arith.constant 0 : index
    %get3A_1 = vector.load %arg1[%get3A, %get3A_0] : memref<1000x128xf32, #tpu.memory_space<vmem>>, vector<1000x128xf32>
    %get3A_2 = arith.constant 0 : index
    %get3A_3 = arith.constant 0 : index
    %get3A_4 = arith.constant 0 : index
    %get3A_5 = vector.load %arg2[%get3A_2, %get3A_3, %get3A_4] : memref<2x1000x16xf32, #tpu.memory_space<vmem>>, vector<1x1000x1xf32>
    %get3A_6 = vector.shape_cast %get3A_5 : vector<1x1000x1xf32> to vector<1000x1xf32>
    %get3A_7 = arith.constant 1 : index
    %get3A_8 = arith.constant 0 : index
    %get3A_9 = arith.constant 0 : index
    %get3A_10 = vector.load %arg2[%get3A_7, %get3A_8, %get3A_9] : memref<2x1000x16xf32, #tpu.memory_space<vmem>>, vector<1x1000x1xf32>
    %get3A_11 = vector.shape_cast %get3A_10 : vector<1x1000x1xf32> to vector<1000x1xf32>
    %add3A = arith.addf %get3A_6, %get3A_11 : vector<1000x1xf32>
    %add3A_12 = arith.constant 1.000000e+00 : f32
    %add3A_13 = vector.broadcast %add3A_12 : f32 to vector<1000x1xf32>
    %add3A_14 = arith.addf %add3A, %add3A_13 : vector<1000x1xf32>
    %rsqrt3A = math.rsqrt %add3A_14 : vector<1000x1xf32>
    %swap3A = arith.constant 0 : index
    %swap3A_15 = arith.constant 0 : index
    %swap3A_16 = vector.load %arg4[%swap3A, %swap3A_15] : memref<1000x1xf32, #tpu.memory_space<vmem>>, vector<1000x1xf32>
    tpu.vector_store %arg4[%swap3A, %swap3A_15], %rsqrt3A {strides = array<i32>} : memref<1000x1xf32, #tpu.memory_space<vmem>>, vector<1000x1xf32>,
    %mul3A = vector.broadcast %rsqrt3A : vector<1000x1xf32> to vector<1000x128xf32>
    %mul3A_17 = arith.mulf %get3A_1, %mul3A : vector<1000x128xf32>
    %convert_element_type3A = arith.truncf %mul3A_17 : vector<1000x128xf32> to vector<1000x128xbf16>
    %swap3A_18 = arith.constant 0 : index
    %swap3A_19 = arith.constant 0 : index
    %swap3A_20 = vector.load %arg3[%swap3A_18, %swap3A_19] : memref<1000x128xbf16, #tpu.memory_space<vmem>>, vector<1000x128xbf16>
    tpu.vector_store %arg3[%swap3A_18, %swap3A_19], %convert_element_type3A {strides = array<i32>} : memref<1000x128xbf16, #tpu.memory_space<vmem>>, vector<1000x128xbf16>,
    return
  }
  func.func @transform_0(%arg0: i32) -> (i32, i32) {
    %c0_i32 = arith.constant 0 : i32
    %c0_i32_0 = arith.constant 0 : i32
    return %arg0, %c0_i32 : i32, i32
  }
  func.func @transform_1(%arg0: i32) -> (i32, i32, i32) {
    %c0_i32 = arith.constant 0 : i32
    %c0_i32_0 = arith.constant 0 : i32
    %c0_i32_1 = arith.constant 0 : i32
    return %c0_i32, %arg0, %c0_i32_0 : i32, i32, i32
  }
  func.func @transform_2(%arg0: i32) -> (i32, i32) {
    %c0_i32 = arith.constant 0 : i32
    %c0_i32_0 = arith.constant 0 : i32
    return %arg0, %c0_i32 : i32, i32
  }
  func.func @transform_3(%arg0: i32) -> (i32, i32) {
    %c0_i32 = arith.constant 0 : i32
    %c0_i32_0 = arith.constant 0 : i32
    return %arg0, %c0_i32 : i32, i32
  }
}

module attributes {stable_mosaic.version = 14 : i64} {
  func.func @_tc0_body(%arg0: i32, %arg1: memref<1000x128xf32, #tpu.memory_space<vmem>>, %arg2: memref<128x256xf32, #tpu.memory_space<vmem>>, %arg3: memref<1x256xf32, #tpu.memory_space<vmem>>, %arg4: memref<256x64xf32, #tpu.memory_space<vmem>>, %arg5: memref<1x64xf32, #tpu.memory_space<vmem>>, %arg6: memref<64x256xf32, #tpu.memory_space<vmem>>, %arg7: memref<1x256xf32, #tpu.memory_space<vmem>>, %arg8: memref<256x128xf32, #tpu.memory_space<vmem>>, %arg9: memref<1x128xf32, #tpu.memory_space<vmem>>, %arg10: memref<1000x256xf32, #tpu.memory_space<vmem>>, %arg11: memref<1000x64xf32, #tpu.memory_space<vmem>>, %arg12: memref<1000x128xf32, #tpu.memory_space<vmem>>) attributes {dimension_semantics = [#tpu.dimension_semantics<arbitrary>], iteration_bounds = array<i64: 10>, scalar_prefetch = 0 : i64, scratch_operands = 0 : i64, tpu.core_type = #tpu.core_type<tc>, window_params = [{transform_indices = @transform_0, window_bounds = array<i64: 1000, 128>}, {pipeline_mode = #tpu.pipeline_mode<synchronous>, transform_indices = @transform_1, window_bounds = array<i64: 128, 256>}, {pipeline_mode = #tpu.pipeline_mode<synchronous>, transform_indices = @transform_2, window_bounds = array<i64: 1, 256>}, {pipeline_mode = #tpu.pipeline_mode<synchronous>, transform_indices = @transform_3, window_bounds = array<i64: 256, 64>}, {pipeline_mode = #tpu.pipeline_mode<synchronous>, transform_indices = @transform_4, window_bounds = array<i64: 1, 64>}, {pipeline_mode = #tpu.pipeline_mode<synchronous>, transform_indices = @transform_5, window_bounds = array<i64: 64, 256>}, {pipeline_mode = #tpu.pipeline_mode<synchronous>, transform_indices = @transform_6, window_bounds = array<i64: 1, 256>}, {pipeline_mode = #tpu.pipeline_mode<synchronous>, transform_indices = @transform_7, window_bounds = array<i64: 256, 128>}, {pipeline_mode = #tpu.pipeline_mode<synchronous>, transform_indices = @transform_8, window_bounds = array<i64: 1, 128>}, {transform_indices = @transform_9, window_bounds = array<i64: 1000, 256>}, {transform_indices = @transform_10, window_bounds = array<i64: 1000, 64>}, {transform_indices = @transform_11, window_bounds = array<i64: 1000, 128>}]} {
    %get3A = arith.constant 0 : index
    %get3A_0 = arith.constant 0 : index
    %get3A_1 = vector.load %arg1[%get3A, %get3A_0] : memref<1000x128xf32, #tpu.memory_space<vmem>>, vector<1000x128xf32>
    %get3A_2 = arith.constant 0 : index
    %get3A_3 = arith.constant 0 : index
    %get3A_4 = vector.load %arg2[%get3A_2, %get3A_3] : memref<128x256xf32, #tpu.memory_space<vmem>>, vector<128x256xf32>
    %dot_general3A = arith.constant dense<0.000000e+00> : vector<1000x256xf32>
    %dot_general3A_5 = tpu.matmul %get3A_1, %get3A_4, %dot_general3A {dimension_numbers = #tpu.dot_dimension_numbers<[1], [0], [0], [1], [0, 0, 1, 1], [], []>, transpose_lhs_hint = false} : vector<1000x128xf32>, vector<128x256xf32>, vector<1000x256xf32> -> vector<1000x256xf32>
    %get3A_6 = arith.constant 0 : index
    %get3A_7 = arith.constant 0 : index
    %get3A_8 = vector.load %arg3[%get3A_6, %get3A_7] : memref<1x256xf32, #tpu.memory_space<vmem>>, vector<1x256xf32>
    %add3A = vector.broadcast %get3A_8 : vector<1x256xf32> to vector<1000x256xf32>
    %add3A_9 = arith.addf %dot_general3A_5, %add3A : vector<1000x256xf32>
    %max3A = arith.constant 0.000000e+00 : f32
    %max3A_10 = vector.broadcast %max3A : f32 to vector<1000x256xf32>
    %max3A_11 = arith.maximumf %add3A_9, %max3A_10 : vector<1000x256xf32>
    %swap3A = arith.constant 0 : index
    %swap3A_12 = arith.constant 0 : index
    %swap3A_13 = vector.load %arg10[%swap3A, %swap3A_12] : memref<1000x256xf32, #tpu.memory_space<vmem>>, vector<1000x256xf32>
    tpu.vector_store %arg10[%swap3A, %swap3A_12], %max3A_11 {strides = array<i32>} : memref<1000x256xf32, #tpu.memory_space<vmem>>, vector<1000x256xf32>,
    %get3A_14 = arith.constant 0 : index
    %get3A_15 = arith.constant 0 : index
    %get3A_16 = vector.load %arg4[%get3A_14, %get3A_15] : memref<256x64xf32, #tpu.memory_space<vmem>>, vector<256x64xf32>
    %dot_general3A_17 = arith.constant dense<0.000000e+00> : vector<1000x64xf32>
    %dot_general3A_18 = tpu.matmul %max3A_11, %get3A_16, %dot_general3A_17 {dimension_numbers = #tpu.dot_dimension_numbers<[1], [0], [0], [1], [0, 0, 1, 1], [], []>, transpose_lhs_hint = false} : vector<1000x256xf32>, vector<256x64xf32>, vector<1000x64xf32> -> vector<1000x64xf32>
    %get3A_19 = arith.constant 0 : index
    %get3A_20 = arith.constant 0 : index
    %get3A_21 = vector.load %arg5[%get3A_19, %get3A_20] : memref<1x64xf32, #tpu.memory_space<vmem>>, vector<1x64xf32>
    %add3A_22 = vector.broadcast %get3A_21 : vector<1x64xf32> to vector<1000x64xf32>
    %add3A_23 = arith.addf %dot_general3A_18, %add3A_22 : vector<1000x64xf32>
    %swap3A_24 = arith.constant 0 : index
    %swap3A_25 = arith.constant 0 : index
    %swap3A_26 = vector.load %arg11[%swap3A_24, %swap3A_25] : memref<1000x64xf32, #tpu.memory_space<vmem>>, vector<1000x64xf32>
    tpu.vector_store %arg11[%swap3A_24, %swap3A_25], %add3A_23 {strides = array<i32>} : memref<1000x64xf32, #tpu.memory_space<vmem>>, vector<1000x64xf32>,
    %get3A_27 = arith.constant 0 : index
    %get3A_28 = arith.constant 0 : index
    %get3A_29 = vector.load %arg6[%get3A_27, %get3A_28] : memref<64x256xf32, #tpu.memory_space<vmem>>, vector<64x256xf32>
    %dot_general3A_30 = arith.constant dense<0.000000e+00> : vector<1000x256xf32>
    %dot_general3A_31 = tpu.matmul %add3A_23, %get3A_29, %dot_general3A_30 {dimension_numbers = #tpu.dot_dimension_numbers<[1], [0], [0], [1], [0, 0, 1, 1], [], []>, transpose_lhs_hint = false} : vector<1000x64xf32>, vector<64x256xf32>, vector<1000x256xf32> -> vector<1000x256xf32>
    %get3A_32 = arith.constant 0 : index
    %get3A_33 = arith.constant 0 : index
    %get3A_34 = vector.load %arg7[%get3A_32, %get3A_33] : memref<1x256xf32, #tpu.memory_space<vmem>>, vector<1x256xf32>
    %add3A_35 = vector.broadcast %get3A_34 : vector<1x256xf32> to vector<1000x256xf32>
    %add3A_36 = arith.addf %dot_general3A_31, %add3A_35 : vector<1000x256xf32>
    %max3A_37 = arith.constant 0.000000e+00 : f32
    %max3A_38 = vector.broadcast %max3A_37 : f32 to vector<1000x256xf32>
    %max3A_39 = arith.maximumf %add3A_36, %max3A_38 : vector<1000x256xf32>
    %get3A_40 = arith.constant 0 : index
    %get3A_41 = arith.constant 0 : index
    %get3A_42 = vector.load %arg8[%get3A_40, %get3A_41] : memref<256x128xf32, #tpu.memory_space<vmem>>, vector<256x128xf32>
    %dot_general3A_43 = arith.constant dense<0.000000e+00> : vector<1000x128xf32>
    %dot_general3A_44 = tpu.matmul %max3A_39, %get3A_42, %dot_general3A_43 {dimension_numbers = #tpu.dot_dimension_numbers<[1], [0], [0], [1], [0, 0, 1, 1], [], []>, transpose_lhs_hint = false} : vector<1000x256xf32>, vector<256x128xf32>, vector<1000x128xf32> -> vector<1000x128xf32>
    %get3A_45 = arith.constant 0 : index
    %get3A_46 = arith.constant 0 : index
    %get3A_47 = vector.load %arg9[%get3A_45, %get3A_46] : memref<1x128xf32, #tpu.memory_space<vmem>>, vector<1x128xf32>
    %add3A_48 = vector.broadcast %get3A_47 : vector<1x128xf32> to vector<1000x128xf32>
    %add3A_49 = arith.addf %dot_general3A_44, %add3A_48 : vector<1000x128xf32>
    %swap3A_50 = arith.constant 0 : index
    %swap3A_51 = arith.constant 0 : index
    %swap3A_52 = vector.load %arg12[%swap3A_50, %swap3A_51] : memref<1000x128xf32, #tpu.memory_space<vmem>>, vector<1000x128xf32>
    tpu.vector_store %arg12[%swap3A_50, %swap3A_51], %add3A_49 {strides = array<i32>} : memref<1000x128xf32, #tpu.memory_space<vmem>>, vector<1000x128xf32>,
    return
  }
  func.func @transform_0(%arg0: i32) -> (i32, i32) {
    %c0_i32 = arith.constant 0 : i32
    %c0_i32_0 = arith.constant 0 : i32
    return %arg0, %c0_i32 : i32, i32
  }
  func.func @transform_1(%arg0: i32) -> (i32, i32) {
    %c0_i32 = arith.constant 0 : i32
    %c0_i32_0 = arith.constant 0 : i32
    %c0_i32_1 = arith.constant 0 : i32
    return %c0_i32, %c0_i32_0 : i32, i32
  }
  func.func @transform_2(%arg0: i32) -> (i32, i32) {
    %c0_i32 = arith.constant 0 : i32
    %c0_i32_0 = arith.constant 0 : i32
    %c0_i32_1 = arith.constant 0 : i32
    return %c0_i32, %c0_i32_0 : i32, i32
  }
  func.func @transform_3(%arg0: i32) -> (i32, i32) {
    %c0_i32 = arith.constant 0 : i32
    %c0_i32_0 = arith.constant 0 : i32
    %c0_i32_1 = arith.constant 0 : i32
    return %c0_i32, %c0_i32_0 : i32, i32
  }
  func.func @transform_4(%arg0: i32) -> (i32, i32) {
    %c0_i32 = arith.constant 0 : i32
    %c0_i32_0 = arith.constant 0 : i32
    %c0_i32_1 = arith.constant 0 : i32
    return %c0_i32, %c0_i32_0 : i32, i32
  }
  func.func @transform_5(%arg0: i32) -> (i32, i32) {
    %c0_i32 = arith.constant 0 : i32
    %c0_i32_0 = arith.constant 0 : i32
    %c0_i32_1 = arith.constant 0 : i32
    return %c0_i32, %c0_i32_0 : i32, i32
  }
  func.func @transform_6(%arg0: i32) -> (i32, i32) {
    %c0_i32 = arith.constant 0 : i32
    %c0_i32_0 = arith.constant 0 : i32
    %c0_i32_1 = arith.constant 0 : i32
    return %c0_i32, %c0_i32_0 : i32, i32
  }
  func.func @transform_7(%arg0: i32) -> (i32, i32) {
    %c0_i32 = arith.constant 0 : i32
    %c0_i32_0 = arith.constant 0 : i32
    %c0_i32_1 = arith.constant 0 : i32
    return %c0_i32, %c0_i32_0 : i32, i32
  }
  func.func @transform_8(%arg0: i32) -> (i32, i32) {
    %c0_i32 = arith.constant 0 : i32
    %c0_i32_0 = arith.constant 0 : i32
    %c0_i32_1 = arith.constant 0 : i32
    return %c0_i32, %c0_i32_0 : i32, i32
  }
  func.func @transform_9(%arg0: i32) -> (i32, i32) {
    %c0_i32 = arith.constant 0 : i32
    %c0_i32_0 = arith.constant 0 : i32
    return %arg0, %c0_i32 : i32, i32
  }
  func.func @transform_10(%arg0: i32) -> (i32, i32) {
    %c0_i32 = arith.constant 0 : i32
    %c0_i32_0 = arith.constant 0 : i32
    return %arg0, %c0_i32 : i32, i32
  }
  func.func @transform_11(%arg0: i32) -> (i32, i32) {
    %c0_i32 = arith.constant 0 : i32
    %c0_i32_0 = arith.constant 0 : i32
    return %arg0, %c0_i32 : i32, i32
  }
}

module attributes {stable_mosaic.version = 14 : i64} {
  func.func @_tc2_body(%arg0: i32, %arg1: memref<2x1000x128xbf16, #tpu.memory_space<vmem>>, %arg2: memref<1000x128xf32, #tpu.memory_space<vmem>>, %arg3: memref<1000x1xf32, #tpu.memory_space<vmem>>, %arg4: memref<1000x256xf32, #tpu.memory_space<vmem>>, %arg5: memref<1000x64xf32, #tpu.memory_space<vmem>>, %arg6: memref<128x256xf32, #tpu.memory_space<vmem>>, %arg7: memref<1x256xf32, #tpu.memory_space<vmem>>, %arg8: memref<256x16xf32, #tpu.memory_space<vmem>>, %arg9: memref<64x1xf32, #tpu.memory_space<vmem>>, %arg10: memref<1000x16xf32, #tpu.memory_space<vmem>>, %arg11: memref<1000x1xf32, #tpu.memory_space<vmem>>, %arg12: memref<1000x32xbf16, #tpu.memory_space<vmem>>) attributes {dimension_semantics = [#tpu.dimension_semantics<arbitrary>], iteration_bounds = array<i64: 10>, scalar_prefetch = 0 : i64, scratch_operands = 0 : i64, tpu.core_type = #tpu.core_type<tc>, window_params = [{transform_indices = @transform_0, window_bounds = array<i64: 2, 1000, 128>}, {transform_indices = @transform_1, window_bounds = array<i64: 1000, 128>}, {transform_indices = @transform_2, window_bounds = array<i64: 1000, 1>}, {transform_indices = @transform_3, window_bounds = array<i64: 1000, 256>}, {transform_indices = @transform_4, window_bounds = array<i64: 1000, 64>}, {pipeline_mode = #tpu.pipeline_mode<synchronous>, transform_indices = @transform_5, window_bounds = array<i64: 128, 256>}, {pipeline_mode = #tpu.pipeline_mode<synchronous>, transform_indices = @transform_6, window_bounds = array<i64: 1, 256>}, {pipeline_mode = #tpu.pipeline_mode<synchronous>, transform_indices = @transform_7, window_bounds = array<i64: 256, 16>}, {pipeline_mode = #tpu.pipeline_mode<synchronous>, transform_indices = @transform_8, window_bounds = array<i64: 64, 1>}, {transform_indices = @transform_9, window_bounds = array<i64: 1000, 16>}, {transform_indices = @transform_10, window_bounds = array<i64: 1000, 1>}, {transform_indices = @transform_11, window_bounds = array<i64: 1000, 32>}]} {
    %get3A = arith.constant 0 : index
    %get3A_0 = arith.constant 0 : index
    %get3A_1 = vector.load %arg3[%get3A, %get3A_0] : memref<1000x1xf32, #tpu.memory_space<vmem>>, vector<1000x1xf32>
    %get3A_2 = arith.constant 0 : index
    %get3A_3 = arith.constant 0 : index
    %get3A_4 = arith.constant 0 : index
    %get3A_5 = vector.load %arg1[%get3A_2, %get3A_3, %get3A_4] : memref<2x1000x128xbf16, #tpu.memory_space<vmem>>, vector<1x1000x128xbf16>
    %get3A_6 = vector.shape_cast %get3A_5 : vector<1x1000x128xbf16> to vector<1000x128xbf16>
    %convert_element_type3A = arith.extf %get3A_6 : vector<1000x128xbf16> to vector<1000x128xf32>
    %get3A_7 = arith.constant 1 : index
    %get3A_8 = arith.constant 0 : index
    %get3A_9 = arith.constant 0 : index
    %get3A_10 = vector.load %arg1[%get3A_7, %get3A_8, %get3A_9] : memref<2x1000x128xbf16, #tpu.memory_space<vmem>>, vector<1x1000x128xbf16>
    %get3A_11 = vector.shape_cast %get3A_10 : vector<1x1000x128xbf16> to vector<1000x128xbf16>
    %convert_element_type3A_12 = arith.extf %get3A_11 : vector<1000x128xbf16> to vector<1000x128xf32>
    %add3A = arith.addf %convert_element_type3A, %convert_element_type3A_12 : vector<1000x128xf32>
    %mul3A = vector.broadcast %get3A_1 : vector<1000x1xf32> to vector<1000x128xf32>
    %mul3A_13 = arith.mulf %mul3A, %add3A : vector<1000x128xf32>
    %mul3A_14 = arith.mulf %get3A_1, %get3A_1 : vector<1000x1xf32>
    %get3A_15 = arith.constant 0 : index
    %get3A_16 = arith.constant 0 : index
    %get3A_17 = vector.load %arg2[%get3A_15, %get3A_16] : memref<1000x128xf32, #tpu.memory_space<vmem>>, vector<1000x128xf32>
    %mul3A_18 = vector.broadcast %mul3A_14 : vector<1000x1xf32> to vector<1000x128xf32>
    %mul3A_19 = arith.mulf %mul3A_18, %get3A_17 : vector<1000x128xf32>
    %add3A_20 = arith.addf %mul3A_13, %mul3A_19 : vector<1000x128xf32>
    %get3A_21 = arith.constant 0 : index
    %get3A_22 = arith.constant 0 : index
    %get3A_23 = vector.load %arg6[%get3A_21, %get3A_22] : memref<128x256xf32, #tpu.memory_space<vmem>>, vector<128x256xf32>
    %dot_general3A = arith.constant dense<0.000000e+00> : vector<1000x256xf32>
    %dot_general3A_24 = tpu.matmul %add3A_20, %get3A_23, %dot_general3A {dimension_numbers = #tpu.dot_dimension_numbers<[1], [0], [0], [1], [0, 0, 1, 1], [], []>, transpose_lhs_hint = false} : vector<1000x128xf32>, vector<128x256xf32>, vector<1000x256xf32> -> vector<1000x256xf32>
    %get3A_25 = arith.constant 0 : index
    %get3A_26 = arith.constant 0 : index
    %get3A_27 = vector.load %arg7[%get3A_25, %get3A_26] : memref<1x256xf32, #tpu.memory_space<vmem>>, vector<1x256xf32>
    %add3A_28 = vector.broadcast %get3A_27 : vector<1x256xf32> to vector<1000x256xf32>
    %add3A_29 = arith.addf %dot_general3A_24, %add3A_28 : vector<1000x256xf32>
    %mul3A_30 = arith.constant 5.000000e-01 : f32
    %mul3A_31 = vector.broadcast %mul3A_30 : f32 to vector<1000x256xf32>
    %mul3A_32 = arith.mulf %mul3A_31, %add3A_29 : vector<1000x256xf32>
    %get3A_33 = arith.constant 0 : index
    %get3A_34 = arith.constant 0 : index
    %get3A_35 = vector.load %arg4[%get3A_33, %get3A_34] : memref<1000x256xf32, #tpu.memory_space<vmem>>, vector<1000x256xf32>
    %mul3A_36 = arith.constant 5.000000e-01 : f32
    %mul3A_37 = vector.broadcast %mul3A_36 : f32 to vector<1000x256xf32>
    %mul3A_38 = arith.mulf %mul3A_37, %get3A_35 : vector<1000x256xf32>
    %add3A_39 = arith.addf %mul3A_32, %mul3A_38 : vector<1000x256xf32>
    %get3A_40 = arith.constant 0 : index
    %get3A_41 = arith.constant 0 : index
    %get3A_42 = vector.load %arg8[%get3A_40, %get3A_41] : memref<256x16xf32, #tpu.memory_space<vmem>>, vector<256x16xf32>
    %dot_general3A_43 = arith.constant dense<0.000000e+00> : vector<1000x16xf32>
    %dot_general3A_44 = tpu.matmul %add3A_39, %get3A_42, %dot_general3A_43 {dimension_numbers = #tpu.dot_dimension_numbers<[1], [0], [0], [1], [0, 0, 1, 1], [], []>, transpose_lhs_hint = false} : vector<1000x256xf32>, vector<256x16xf32>, vector<1000x16xf32> -> vector<1000x16xf32>
    %get3A_45 = arith.constant 0 : index
    %get3A_46 = arith.constant 0 : index
    %get3A_47 = vector.load %arg5[%get3A_45, %get3A_46] : memref<1000x64xf32, #tpu.memory_space<vmem>>, vector<1000x64xf32>
    %get3A_48 = arith.constant 0 : index
    %get3A_49 = arith.constant 0 : index
    %get3A_50 = vector.load %arg9[%get3A_48, %get3A_49] : memref<64x1xf32, #tpu.memory_space<vmem>>, vector<64x1xf32>
    %dot_general3A_51 = arith.constant dense<0.000000e+00> : vector<1000x1xf32>
    %dot_general3A_52 = tpu.matmul %get3A_47, %get3A_50, %dot_general3A_51 {dimension_numbers = #tpu.dot_dimension_numbers<[1], [0], [0], [1], [0, 0, 1, 1], [], []>, transpose_lhs_hint = false} : vector<1000x64xf32>, vector<64x1xf32>, vector<1000x1xf32> -> vector<1000x1xf32>
    %swap3A = arith.constant 0 : index
    %swap3A_53 = arith.constant 0 : index
    %swap3A_54 = vector.load %arg10[%swap3A, %swap3A_53] : memref<1000x16xf32, #tpu.memory_space<vmem>>, vector<1000x16xf32>
    tpu.vector_store %arg10[%swap3A, %swap3A_53], %dot_general3A_44 {strides = array<i32>} : memref<1000x16xf32, #tpu.memory_space<vmem>>, vector<1000x16xf32>,
    %swap3A_55 = arith.constant 0 : index
    %swap3A_56 = arith.constant 0 : index
    %swap3A_57 = vector.load %arg11[%swap3A_55, %swap3A_56] : memref<1000x1xf32, #tpu.memory_space<vmem>>, vector<1000x1xf32>
    tpu.vector_store %arg11[%swap3A_55, %swap3A_56], %dot_general3A_52 {strides = array<i32>} : memref<1000x1xf32, #tpu.memory_space<vmem>>, vector<1000x1xf32>,
    %mul3A_58 = vector.broadcast %get3A_1 : vector<1000x1xf32> to vector<1000x16xf32>
    %mul3A_59 = arith.mulf %dot_general3A_44, %mul3A_58 : vector<1000x16xf32>
    %mul3A_60 = arith.mulf %dot_general3A_52, %get3A_1 : vector<1000x1xf32>
    %broadcast_in_dim3A = arith.constant 0.000000e+00 : f32
    %broadcast_in_dim3A_61 = vector.broadcast %broadcast_in_dim3A : f32 to vector<1000x15xf32>
    %concatenate3A = tpu.concatenate %mul3A_59, %mul3A_60, %broadcast_in_dim3A_61 in 1 : vector<1000x16xf32>, vector<1000x1xf32>, vector<1000x15xf32> -> vector<1000x32xf32>
    %convert_element_type3A_62 = arith.truncf %concatenate3A : vector<1000x32xf32> to vector<1000x32xbf16>
    %swap3A_63 = arith.constant 0 : index
    %swap3A_64 = arith.constant 0 : index
    %swap3A_65 = vector.load %arg12[%swap3A_63, %swap3A_64] : memref<1000x32xbf16, #tpu.memory_space<vmem>>, vector<1000x32xbf16>
    tpu.vector_store %arg12[%swap3A_63, %swap3A_64], %convert_element_type3A_62 {strides = array<i32>} : memref<1000x32xbf16, #tpu.memory_space<vmem>>, vector<1000x32xbf16>,
    return
  }
  func.func @transform_0(%arg0: i32) -> (i32, i32, i32) {
    %c0_i32 = arith.constant 0 : i32
    %c0_i32_0 = arith.constant 0 : i32
    %c0_i32_1 = arith.constant 0 : i32
    return %c0_i32, %arg0, %c0_i32_0 : i32, i32, i32
  }
  func.func @transform_1(%arg0: i32) -> (i32, i32) {
    %c0_i32 = arith.constant 0 : i32
    %c0_i32_0 = arith.constant 0 : i32
    return %arg0, %c0_i32 : i32, i32
  }
  func.func @transform_2(%arg0: i32) -> (i32, i32) {
    %c0_i32 = arith.constant 0 : i32
    %c0_i32_0 = arith.constant 0 : i32
    return %arg0, %c0_i32 : i32, i32
  }
  func.func @transform_3(%arg0: i32) -> (i32, i32) {
    %c0_i32 = arith.constant 0 : i32
    %c0_i32_0 = arith.constant 0 : i32
    return %arg0, %c0_i32 : i32, i32
  }
  func.func @transform_4(%arg0: i32) -> (i32, i32) {
    %c0_i32 = arith.constant 0 : i32
    %c0_i32_0 = arith.constant 0 : i32
    return %arg0, %c0_i32 : i32, i32
  }
  func.func @transform_5(%arg0: i32) -> (i32, i32) {
    %c0_i32 = arith.constant 0 : i32
    %c0_i32_0 = arith.constant 0 : i32
    %c0_i32_1 = arith.constant 0 : i32
    return %c0_i32, %c0_i32_0 : i32, i32
  }
  func.func @transform_6(%arg0: i32) -> (i32, i32) {
    %c0_i32 = arith.constant 0 : i32
    %c0_i32_0 = arith.constant 0 : i32
    %c0_i32_1 = arith.constant 0 : i32
    return %c0_i32, %c0_i32_0 : i32, i32
  }
  func.func @transform_7(%arg0: i32) -> (i32, i32) {
    %c0_i32 = arith.constant 0 : i32
    %c0_i32_0 = arith.constant 0 : i32
    %c0_i32_1 = arith.constant 0 : i32
    return %c0_i32, %c0_i32_0 : i32, i32
  }
  func.func @transform_8(%arg0: i32) -> (i32, i32) {
    %c0_i32 = arith.constant 0 : i32
    %c0_i32_0 = arith.constant 0 : i32
    %c0_i32_1 = arith.constant 0 : i32
    return %c0_i32, %c0_i32_0 : i32, i32
  }
  func.func @transform_9(%arg0: i32) -> (i32, i32) {
    %c0_i32 = arith.constant 0 : i32
    %c0_i32_0 = arith.constant 0 : i32
    return %arg0, %c0_i32 : i32, i32
  }
  func.func @transform_10(%arg0: i32) -> (i32, i32) {
    %c0_i32 = arith.constant 0 : i32
    %c0_i32_0 = arith.constant 0 : i32
    return %arg0, %c0_i32 : i32, i32
  }
  func.func @transform_11(%arg0: i32) -> (i32, i32) {
    %c0_i32 = arith.constant 0 : i32
    %c0_i32_0 = arith.constant 0 : i32
    return %arg0, %c0_i32 : i32, i32
  }
}

module attributes {stable_mosaic.version = 14 : i64} {
  func.func @_tc3_body(%arg0: i32, %arg1: memref<2x1000x32xbf16, #tpu.memory_space<vmem>>, %arg2: memref<1000x16xf32, #tpu.memory_space<vmem>>, %arg3: memref<1000x1xf32, #tpu.memory_space<vmem>>, %arg4: memref<1000x1xf32, #tpu.memory_space<vmem>>, %arg5: memref<1x16xf32, #tpu.memory_space<vmem>>, %arg6: memref<1x1xf32, #tpu.memory_space<vmem>>, %arg7: memref<1000x16xf32, #tpu.memory_space<vmem>>, %arg8: memref<1000x1xf32, #tpu.memory_space<vmem>>) attributes {dimension_semantics = [#tpu.dimension_semantics<arbitrary>], iteration_bounds = array<i64: 10>, scalar_prefetch = 0 : i64, scratch_operands = 0 : i64, tpu.core_type = #tpu.core_type<tc>, window_params = [{transform_indices = @transform_0, window_bounds = array<i64: 2, 1000, 32>}, {transform_indices = @transform_1, window_bounds = array<i64: 1000, 16>}, {transform_indices = @transform_2, window_bounds = array<i64: 1000, 1>}, {transform_indices = @transform_3, window_bounds = array<i64: 1000, 1>}, {pipeline_mode = #tpu.pipeline_mode<synchronous>, transform_indices = @transform_4, window_bounds = array<i64: 1, 16>}, {pipeline_mode = #tpu.pipeline_mode<synchronous>, transform_indices = @transform_5, window_bounds = array<i64: 1, 1>}, {transform_indices = @transform_6, window_bounds = array<i64: 1000, 16>}, {transform_indices = @transform_7, window_bounds = array<i64: 1000, 1>}]} {
    %get3A = arith.constant 0 : index
    %get3A_0 = arith.constant 0 : index
    %get3A_1 = vector.load %arg4[%get3A, %get3A_0] : memref<1000x1xf32, #tpu.memory_space<vmem>>, vector<1000x1xf32>
    %mul3A = arith.mulf %get3A_1, %get3A_1 : vector<1000x1xf32>
    %get3A_2 = arith.constant 0 : index
    %get3A_3 = arith.constant 0 : index
    %get3A_4 = arith.constant 0 : index
    %get3A_5 = vector.load %arg1[%get3A_2, %get3A_3, %get3A_4] : memref<2x1000x32xbf16, #tpu.memory_space<vmem>>, vector<1x1000x32xbf16>
    %get3A_6 = vector.shape_cast %get3A_5 : vector<1x1000x32xbf16> to vector<1000x32xbf16>
    %convert_element_type3A = arith.extf %get3A_6 : vector<1000x32xbf16> to vector<1000x32xf32>
    %get3A_7 = arith.constant 1 : index
    %get3A_8 = arith.constant 0 : index
    %get3A_9 = arith.constant 0 : index
    %get3A_10 = vector.load %arg1[%get3A_7, %get3A_8, %get3A_9] : memref<2x1000x32xbf16, #tpu.memory_space<vmem>>, vector<1x1000x32xbf16>
    %get3A_11 = vector.shape_cast %get3A_10 : vector<1x1000x32xbf16> to vector<1000x32xbf16>
    %convert_element_type3A_12 = arith.extf %get3A_11 : vector<1000x32xbf16> to vector<1000x32xf32>
    %add3A = arith.addf %convert_element_type3A, %convert_element_type3A_12 : vector<1000x32xf32>
    %slice3A = vector.extract_strided_slice %add3A {offsets = [0, 0], sizes = [1000, 16], strides = [1, 1]} : vector<1000x32xf32> to vector<1000x16xf32>
    %mul3A_13 = vector.broadcast %get3A_1 : vector<1000x1xf32> to vector<1000x16xf32>
    %mul3A_14 = arith.mulf %mul3A_13, %slice3A : vector<1000x16xf32>
    %get3A_15 = arith.constant 0 : index
    %get3A_16 = arith.constant 0 : index
    %get3A_17 = vector.load %arg2[%get3A_15, %get3A_16] : memref<1000x16xf32, #tpu.memory_space<vmem>>, vector<1000x16xf32>
    %mul3A_18 = vector.broadcast %mul3A : vector<1000x1xf32> to vector<1000x16xf32>
    %mul3A_19 = arith.mulf %mul3A_18, %get3A_17 : vector<1000x16xf32>
    %add3A_20 = arith.addf %mul3A_14, %mul3A_19 : vector<1000x16xf32>
    %get3A_21 = arith.constant 0 : index
    %get3A_22 = arith.constant 0 : index
    %get3A_23 = vector.load %arg5[%get3A_21, %get3A_22] : memref<1x16xf32, #tpu.memory_space<vmem>>, vector<1x16xf32>
    %add3A_24 = vector.broadcast %get3A_23 : vector<1x16xf32> to vector<1000x16xf32>
    %add3A_25 = arith.addf %add3A_20, %add3A_24 : vector<1000x16xf32>
    %reduce_max3A = arith.constant dense<0xFF800000> : vector<1000xf32>
    %reduce_max3A_26 = vector.multi_reduction <maximumf>, %add3A_25, %reduce_max3A [1] : vector<1000x16xf32> to vector<1000xf32>
    %broadcast_in_dim3A = vector.shape_cast %reduce_max3A_26 : vector<1000xf32> to vector<1000x1xf32>
    %sub3A = vector.broadcast %broadcast_in_dim3A : vector<1000x1xf32> to vector<1000x16xf32>
    %sub3A_27 = arith.subf %add3A_25, %sub3A : vector<1000x16xf32>
    %exp3A = math.exp %sub3A_27 : vector<1000x16xf32>
    %reduce_sum3A = arith.constant dense<0.000000e+00> : vector<1000xf32>
    %reduce_sum3A_28 = vector.multi_reduction <add>, %exp3A, %reduce_sum3A [1] : vector<1000x16xf32> to vector<1000xf32>
    %broadcast_in_dim3A_29 = vector.shape_cast %reduce_sum3A_28 : vector<1000xf32> to vector<1000x1xf32>
    %log3A = math.log %broadcast_in_dim3A_29 : vector<1000x1xf32>
    %sub3A_30 = vector.broadcast %log3A : vector<1000x1xf32> to vector<1000x16xf32>
    %sub3A_31 = arith.subf %sub3A_27, %sub3A_30 : vector<1000x16xf32>
    %swap3A = arith.constant 0 : index
    %swap3A_32 = arith.constant 0 : index
    %swap3A_33 = vector.load %arg7[%swap3A, %swap3A_32] : memref<1000x16xf32, #tpu.memory_space<vmem>>, vector<1000x16xf32>
    tpu.vector_store %arg7[%swap3A, %swap3A_32], %sub3A_31 {strides = array<i32>} : memref<1000x16xf32, #tpu.memory_space<vmem>>, vector<1000x16xf32>,
    %slice3A_34 = vector.extract_strided_slice %add3A {offsets = [0, 16], sizes = [1000, 1], strides = [1, 1]} : vector<1000x32xf32> to vector<1000x1xf32>
    %mul3A_35 = arith.mulf %get3A_1, %slice3A_34 : vector<1000x1xf32>
    %get3A_36 = arith.constant 0 : index
    %get3A_37 = arith.constant 0 : index
    %get3A_38 = vector.load %arg3[%get3A_36, %get3A_37] : memref<1000x1xf32, #tpu.memory_space<vmem>>, vector<1000x1xf32>
    %mul3A_39 = arith.mulf %mul3A, %get3A_38 : vector<1000x1xf32>
    %add3A_40 = arith.addf %mul3A_35, %mul3A_39 : vector<1000x1xf32>
    %get3A_41 = arith.constant 0 : index
    %get3A_42 = arith.constant 0 : index
    %get3A_43 = vector.load %arg6[%get3A_41, %get3A_42] : memref<1x1xf32, #tpu.memory_space<vmem>>, vector<1x1xf32>
    %add3A_44 = vector.broadcast %get3A_43 : vector<1x1xf32> to vector<1000x1xf32>
    %add3A_45 = arith.addf %add3A_40, %add3A_44 : vector<1000x1xf32>
    %swap3A_46 = arith.constant 0 : index
    %swap3A_47 = arith.constant 0 : index
    %swap3A_48 = vector.load %arg8[%swap3A_46, %swap3A_47] : memref<1000x1xf32, #tpu.memory_space<vmem>>, vector<1000x1xf32>
    tpu.vector_store %arg8[%swap3A_46, %swap3A_47], %add3A_45 {strides = array<i32>} : memref<1000x1xf32, #tpu.memory_space<vmem>>, vector<1000x1xf32>,
    return
  }
  func.func @transform_0(%arg0: i32) -> (i32, i32, i32) {
    %c0_i32 = arith.constant 0 : i32
    %c0_i32_0 = arith.constant 0 : i32
    %c0_i32_1 = arith.constant 0 : i32
    return %c0_i32, %arg0, %c0_i32_0 : i32, i32, i32
  }
  func.func @transform_1(%arg0: i32) -> (i32, i32) {
    %c0_i32 = arith.constant 0 : i32
    %c0_i32_0 = arith.constant 0 : i32
    return %arg0, %c0_i32 : i32, i32
  }
  func.func @transform_2(%arg0: i32) -> (i32, i32) {
    %c0_i32 = arith.constant 0 : i32
    %c0_i32_0 = arith.constant 0 : i32
    return %arg0, %c0_i32 : i32, i32
  }
  func.func @transform_3(%arg0: i32) -> (i32, i32) {
    %c0_i32 = arith.constant 0 : i32
    %c0_i32_0 = arith.constant 0 : i32
    return %arg0, %c0_i32 : i32, i32
  }
  func.func @transform_4(%arg0: i32) -> (i32, i32) {
    %c0_i32 = arith.constant 0 : i32
    %c0_i32_0 = arith.constant 0 : i32
    %c0_i32_1 = arith.constant 0 : i32
    return %c0_i32, %c0_i32_0 : i32, i32
  }
  func.func @transform_5(%arg0: i32) -> (i32, i32) {
    %c0_i32 = arith.constant 0 : i32
    %c0_i32_0 = arith.constant 0 : i32
    %c0_i32_1 = arith.constant 0 : i32
    return %c0_i32, %c0_i32_0 : i32, i32
  }
  func.func @transform_6(%arg0: i32) -> (i32, i32) {
    %c0_i32 = arith.constant 0 : i32
    %c0_i32_0 = arith.constant 0 : i32
    return %arg0, %c0_i32 : i32, i32
  }
  func.func @transform_7(%arg0: i32) -> (i32, i32) {
    %c0_i32 = arith.constant 0 : i32
    %c0_i32_0 = arith.constant 0 : i32
    return %arg0, %c0_i32 : i32, i32
  }
}

</mosaic_0001>

<sc_bundles>
// kernel: kernel.12.cloned.1.call-start
scs
__scs_entry_jumppad:
0x0: {  	(pc) =	sbr.rel $0x88, $3  }
0x1: {  	(tag) =	ssettag $0x0;
	lr =	simm.s32 $0x1  }
0x2: {  	[smem:$0x3F91] =	sst lr;
	_ =	strace $0xD0000000  }
0x3: {  	_ = 	snop  }
0x4: {  	_ = 	snop  }
0x5: {  	_ = 	snop  }
0x6: {  	_ = 	snop  }
0x7: {  	_ = 	snop  }
__scs_overlays_trampoline_lowered:
0x8: {  	[smem:$0x3FA0] =	sst s0  }
0x9: {  	[smem:$0x3FA1] =	sst s1  }
0xa: {  	[smem:$0x3FA2] =	sst s2  }
0xb: {  	[smem:$0x3FA3] =	sst s3  }
0xc: {  	[smem:$0x3FA4] =	sst s4  }
0xd: {  	[smem:$0x3FA5] =	sst s5  }
0xe: {  	[smem:$0x3FA6] =	sst s6  }
0xf: {  	[smem:$0x3FA7] =	sst s7  }
0x10: {  	[smem:$0x3FA8] =	sst s8  }
0x11: {  	[smem:$0x3FA9] =	sst s9;
	s0 =	simm.s32 @!p0 $0x0  }
0x12: {  	s1 =	sld [smem:$0x3F8F];
	s0 =	simm.s32 @p0 $0x1  }
0x13: {  	[smem:$0x3FAA] =	sst s0;
	s0 =	simm.s32 @!p1 $0x0  }
0x14: {  	s2 =	sld [smem:$0x3F8E];
	s0 =	simm.s32 @p1 $0x1  }
0x15: {  	[smem:$0x3FAB] =	sst s0;
	s0 =	simm.s32 @!p2 $0x0  }
0x16: {  	s3 =	sld [smem:$0x3FDB];
	s0 =	simm.s32 @p2 $0x1  }
0x17: {  	s4 =	simm.s32 $0x1BF5;
	[smem:$0x3FAD] =	sst s0  }
0x18: {  	s0 =	sld [smem:$0x3F90];
	_ =	swait.ge [sflag:s4], $0x0  }
0x19: {  	s7 =	sld [smem:$0x3F91]  }
0x1a: {  	s8 =	sadd.s32 $0xFFFFE003, lr  }
0x1b: {  	s9 =	sadd.s32 $0xFFFFFEF7, lr;
	s5 =	simm.s32 $0xFFFFFFFF;
	p2 =	slt.u32 s8, $0xFFFFF086  }
0x1c: {  	p1 =	slt.u32 s9, $0xF7A;
	s5 =	simm.s32 @!p2 $0x0  }
0x1d: {  	s5 =	simm.s32 @p1 $0x1;
	p0 =	seq.s32 s7, s2  }
0x1e: {  	s7 =	smul.u32 @!p0 $0xF7A, s2;
	p2 =	seq.s32 @!p0 s5, $0x0  }
0x1f: {  	s9 =	smul.u32 $0xF7A, s1;
	s8 =	simm.s32 @!p0 $0x1BF5;
	p2 =	por !p2, p0  }
0x20: {  	[sflag:s8] =	ssyncset.s32 @!p0 $0xFFFFF086;
	s6 =	sadd.s32 @!p0 s3, s7;
	s7 =	simm.s32 @!p0 $0x108  }
0x21: {  	s3 =	sadd.s32 s3, s9;
	s6 =	sadd.s32 @!p0 $0x88, s6;
	s7 =	simm.s32 @p2 $0x1082  }
0x22: {  	[simem:s7], [sflag:s8] =	dma.local @!p0 [hbm:s6], $0xF7A  }
0x23: {  	s9 =	sor.u32 $0xD0000000, s2;
	s6 =	simm.s32 $0x108;
	_ =	swait.ge @!p0 [sflag:s8], $0x0  }
0x24: {  	s3 =	sadd.s32 $0x88, s3;
	s6 =	simm.s32 @!p1 $0x1082;
	[sflag:s4] =	ssyncset.s32 $0xFFFFF086  }
0x25: {  	[simem:s6], [sflag:s4] =	dma.local [hbm:s3], $0xF7A  }
0x26: {  	[smem:$0x3F91] =	sst s1;
	(tag) =	ssettag s2;
	_ =	strace s9  }
0x27: {  	s1 =	sld [smem:$0x3FA1]  }
0x28: {  	s2 =	sld [smem:$0x3FA2]  }
0x29: {  	s4 =	sld [smem:$0x3FA4]  }
0x2a: {  	p0 =	seq.s32 s5, $0x0;
	s5 =	sld [smem:$0x3FA5]  }
0x2b: {  	s6 =	sld [smem:$0x3FA6]  }
0x2c: {  	s7 =	sld [smem:$0x3FA7]  }
0x2d: {  	s3 =	simm.s32 $0x108;
	s8 =	sld [smem:$0x3FA8]  }
0x2e: {  	s3 =	simm.s32 @!p0 $0x1082;
	s9 =	sld [smem:$0x3FA9]  }
0x2f: {  	lr =	sadd.s32 s0, s3;
	s0 =	sld [smem:$0x3FA0]  }
0x30: {  	s3 =	sld [smem:$0x3FA3]  }
0x31: {  	[smem:$0x3FAC] =	sst s10  }
0x32: {  	s10 =	sld [smem:$0x3FAA];
	_ =	sdelay $0x3  }
0x33: {  	p0 =	seq.s32 s10, $0x1;
	s10 =	sld [smem:$0x3FAC];
	_ =	sdelay $0x3  }
0x34: {  	[smem:$0x3FAC] =	sst s10  }
0x35: {  	s10 =	sld [smem:$0x3FAB];
	_ =	sdelay $0x3  }
0x36: {  	p1 =	seq.s32 s10, $0x1;
	s10 =	sld [smem:$0x3FAC];
	_ =	sdelay $0x3  }
0x37: {  	[smem:$0x3FAC] =	sst s10  }
0x38: {  	s10 =	sld [smem:$0x3FAD]  }
0x39: {  	_ = 	snop;
	(pc) =	sbr.ind lr, $3  }
0x3a: {  	_ = 	snop  }
0x3b: {  	_ = 	snop  }
0x3c: {  	p2 =	seq.s32 s10, $0x1;
	s10 =	sld [smem:$0x3FAC]  }
0x3d: {  	_ =	shalt  }
0x3e: {  	_ =	shalt  }
0x3f: {  	_ =	shalt  }
0x40: {  	_ =	shalt  }
0x41: {  	_ =	shalt  }
0x42: {  	_ =	shalt  }
0x43: {  	_ =	shalt  }
0x44: {  	_ =	shalt  }
0x45: {  	_ =	shalt  }
0x46: {  	_ =	shalt  }
0x47: {  	_ =	shalt  }
0x48: {  	_ =	shalt  }
0x49: {  	_ =	shalt  }
0x4a: {  	_ =	shalt  }
0x4b: {  	_ =	shalt  }
0x4c: {  	_ =	shalt  }
0x4d: {  	_ =	shalt  }
0x4e: {  	_ =	shalt  }
0x4f: {  	_ =	shalt  }
0x50: {  	_ =	shalt  }
0x51: {  	_ =	shalt  }
0x52: {  	_ =	shalt  }
0x53: {  	_ =	shalt  }
0x54: {  	_ =	shalt  }
0x55: {  	_ =	shalt  }
0x56: {  	_ =	shalt  }
0x57: {  	_ =	shalt  }
0x58: {  	_ =	shalt  }
0x59: {  	_ =	shalt  }
0x5a: {  	_ =	shalt  }
0x5b: {  	_ =	shalt  }
0x5c: {  	_ =	shalt  }
0x5d: {  	_ =	shalt  }
0x5e: {  	_ =	shalt  }
0x5f: {  	_ =	shalt  }
0x60: {  	_ =	shalt  }
0x61: {  	_ =	shalt  }
0x62: {  	_ =	shalt  }
0x63: {  	_ =	shalt  }
0x64: {  	_ =	shalt  }
0x65: {  	_ =	shalt  }
0x66: {  	_ =	shalt  }
0x67: {  	_ =	shalt  }
0x68: {  	_ =	shalt  }
0x69: {  	_ =	shalt  }
0x6a: {  	_ =	shalt  }
0x6b: {  	_ =	shalt  }
0x6c: {  	_ =	shalt  }
0x6d: {  	_ =	shalt  }
0x6e: {  	_ =	shalt  }
0x6f: {  	_ =	shalt  }
0x70: {  	_ =	shalt  }
0x71: {  	_ =	shalt  }
0x72: {  	_ =	shalt  }
0x73: {  	_ =	shalt  }
0x74: {  	_ =	shalt  }
0x75: {  	_ =	shalt  }
0x76: {  	_ =	shalt  }
0x77: {  	_ =	shalt  }
0x78: {  	_ =	shalt  }
0x79: {  	_ =	shalt  }
0x7a: {  	_ =	shalt  }
0x7b: {  	_ =	shalt  }
0x7c: {  	_ =	shalt  }
0x7d: {  	_ =	shalt  }
0x7e: {  	_ =	shalt  }
0x7f: {  	_ =	shalt  }
0x80: {  	_ =	shalt  }
0x81: {  	_ =	shalt  }
0x82: {  	_ =	shalt  }
0x83: {  	_ =	shalt  }
0x84: {  	_ =	shalt  }
0x85: {  	_ =	shalt  }
0x86: {  	_ =	shalt  }
0x87: {  	_ =	shalt  }
.Lfunc_end0:
.L_simem_size_0:
called_computation.1_lowered:
.L_overlay_start_0:
0x88: {  	s2 =	sld [smem:$0x3FD9]  }
0x89: {  	s3 =	sld [smem:$0x3FFE];
	_ =	sdelay $0x1  }
0x8a: {  	s1 =	srdreg.scid  }
0x8b: {  	s0 =	sand.u32 $0x1, s1  }
0x8c: {  	s16 =	sshll.u32 s0, $0xA;
	s2 =	sadd.s32 s3, s2  }
0x8d: {  	s2 =	sadd.s32 s2, s16  }
0x8e: {  	[smem:$0x3FB8] =	sst s2  }
0x8f: {  	_ = 	snop  }
0x90: {  	(tm) =	ssettm $0x1  }
0x91: {  	s17 =	sld [smem:$0x3FFB];
	_ =	sdelay $0x3  }
0x92: {  	_ =	strace s17  }
0x93: {  	s2 =	sld [smem:$0x3FFC];
	_ =	sdelay $0x3  }
0x94: {  	_ =	strace s2  }
0x95: {  	s2 =	sld [smem:$0x3FFD];
	_ =	sdelay $0x3  }
0x96: {  	_ =	strace s2  }
0x97: {  	_ =	strace $0x8FFFFFFF  }
0x98: {  	s18 =	sld [smem:$0x3FDB];
	_ =	sdelay $0x1  }
0x99: {  	s19 =	simm.s32 $_scs_section_size  }
0x9a: {  	s4 =	simm.s32 $_size__tile_overlayer_lowered;
	s5 =	simm.s32 $_tile_overlayer_lowered  }
0x9b: {  	s22 =	simm.s32 $0x1BFF;
	s21 =	sshll.u32 s5, $0x1;
	s2 =	sadd.s32 s19, s18  }
0x9c: {  	s6 =	simm.s32 $0x0;
	s20 =	sshll.u32 s4, $0x1;
	s4 =	sadd.s32 s21, s2  }
0x9d: {  	[timem:s6], [sflag:s22] =	dma.local [hbm:s4], s20  }
0x9e: {  	_ =	swait.ge [sflag:s22], s20  }
0x9f: {  	s3 =	ssub.s32 $0x0, s20;
	[sflag:s22] =	ssyncset.done $0x0  }
0xa0: {  	[sflag:s22] =	ssyncadd.s32 s3;
	_ =	sdelay $0x1  }
0xa1: {  	s23 =	simm.s32 $0x1B8B  }
0xa2: {  	_ =	swait.ge [sflag:s23], $0x1  }
0xa3: {  	[sflag:s23] =	ssyncset.done $0x0  }
0xa4: {  	s25 =	simm.s32 $0x1B8E;
	s24 =	sld [smem:$0x3FFE];
	[sflag:s23] =	ssyncadd.s32 $0xFFFFFFFF  }
0xa5: {  	s26 =	simm.s32 $execute0_lowered;
	[smem:$0x3FD2] =	sst s25  }
0xa6: {  	s4 =	sshll.u32 s26, $0x1;
	_ =	strace $0x80000049;
	[dreg:$0x1] =	wrdreg $0xFFFFFFFF  }
0xa7: {  	s28 =	simm.s32 $_size_execute0_lowered;
	s2 =	sadd.s32 s2, s4;
	[dreg:$0x0] =	wrdreg $0x0  }
0xa8: {  	s4 =	sshll.u32 s28, $0x1;
	[dreg:$0x2] =	wrdreg s2  }
0xa9: {  	[dreg:$0x3] =	wrdreg s4  }
0xaa: {  	[dreg:$0x4] =	wrdreg $0xC0  }
0xab: {  	_ =	task [dreg:s6], $0x5FFFF  }
0xac: {  	[dreg:$0x1] =	wrdreg $0xFFFFFFFF  }
0xad: {  	[dreg:$0x0] =	wrdreg $0x60  }
0xae: {  	[dreg:$0x2] =	wrdreg s24  }
0xaf: {  	[dreg:$0x3] =	wrdreg $0x14A000  }
0xb0: {  	[dreg:$0x4] =	wrdreg $0x9  }
0xb1: {  	_ =	task.clear_ibuf [dreg:s6], $0x5FFFF;
	_ =	strace $0x90000049  }
0xb2: {  	s29 =	simm.s32 $0x9;
	_ =	strace $0x8000004B  }
0xb3: {  	_ =	swait.ge [sflag:s29], $0x1  }
0xb4: {  	[sflag:s29] =	ssyncadd.s32 $0xFFFFFFFF  }
0xb5: {  	_ =	strace $0x9000004B  }
0xb6: {  	_ =	sfence  }
0xb7: {  	s30 =	sld [smem:$0x0];
	_ =	sdelay $0x2  }
0xb8: {  	s31 =	sshll.u32 s1, $0xD;
	s1 =	sshrl.u32 s1, $0x2  }
0xb9: {  	s3 =	sand.u32 $0x4000, s31;
	s1 =	sadd.s32 s1, s30  }
0xba: {  	s0 =	sor.u32 s3, s0;
	s1 =	sshll.u32 s1, $0x11  }
0xbb: {  	s0 =	sor.u32 s1, s0  }
0xbc: {  	s0 =	sadd.s32 $0x8F2B, s0  }
0xbd: {  	[sflag:s0] =	ssyncadd.remote.s32 $0x1  }
0xbe: {  	_ =	sfence.sel $0xFFFF  }
0xbf: {  	[dreg:$0x0] =	wrdreg $0xFFFFFFFF;
	(pc) =	sbr.abs _section_cstart, $3  }
0xc0: {  	[dreg:$0x1] =	wrdreg $0xFFFFFFFF  }
0xc1: {  	_ =	task.clear_ibuf [dreg:s6], $0x2FFFF;
	_ =	strace $0x9FFFFFFF  }
0xc2: {  	(tm) =	ssettm $0x7FFFFFFF  }
0xc3: {  	_ =	shalt  }
tec
execute0_lowered:
.L_overlay_start_1:
0x0: {  	(tag) =	ssettag $0x1  }
0x1: {  	s0 =	rddreg [dreg:$0x0]  }
0x2: {  	s2 =	rddreg [dreg:$0x1]  }
0x3: {  	s1 =	srdreg.scid;
	s3 =	stileid.u32  }
0x4: {  	s13 =	simm.s32 $0x0;
	s14 =	simm.s32 $0x5000;
	s15 =	simm.s32 $0x11  }
0x5: {  	s28 =	simm.s32 $0xEC40;
	s30 =	simm.s32 $0x10B80;
	s16 =	simm.s32 $0x2  }
0x6: {  	s29 =	simm.s32 $0x8;
	s31 =	simm.s32 $0x9;
	s9 =	simm.s32 $0xD  }
0x7: {  	s10 =	simm.s32 $0xE;
	s11 =	simm.s32 $0xF;
	s5 =	smul.u32 $0x13880, s3  }
0x8: {  	s12 =	simm.s32 $0x10;
	s1 =	sand.u32 $0x1, s1;
	s8 =	smul.u32 $0x27100, s3  }
0x9: {  	s4 =	sshll.u32 s3, $0x1;
	[smem:$0x7FF] =	sst s13;
	s6 =	smul.u32 $0x138800, s1  }
0xa: {  	s4 =	sor.u32 s1, s4;
	_ =	strace $0x8000004A;
	s1 =	ssub.s32 $0x2, s1  }
0xb: {  	s7 =	smul.u32 $0x500, s4;
	s4 =	sadd.s32 $0x3E800, s0;
	s17 =	sshrl.u32 s1, $0x1  }
0xc: {  	s8 =	sshrl.u32 s8, $0x2;
	s6 =	sadd.s32 s5, s6;
	s5 =	sshrl.u32 s5, $0x1  }
0xd: {  	s1 =	ssub.s32 s1, s17;
	s19 =	sadd.s32 s8, s2;
	s17 =	simm.s32 $0x7D  }
0xe: {  	s8 =	simm.s32 $0xC;
	s6 =	sshrl.u32 s6, $0x4;
	s18 =	sadd.s32 s5, s2  }
0xf: {  	s7 =	sadd.s32 s7, s0;
	s20 =	sadd.s32 $0x1F40, s19;
	[dreg:$0x4] =	wrdreg s18  }
0x10: {  	s21 =	sadd.s32 $0x3E80, s19;
	s22 =	sadd.s32 $0x5DC0, s19;
	[dreg:$0x5] =	wrdreg s20  }
0x11: {  	s23 =	sadd.s32 $0x7D00, s19;
	s26 =	smax.u32 s1, $0x1;
	[dreg:$0x6] =	wrdreg s21  }
0x12: {  	s19 =	simm.s32 $0x6F40;
	s1 =	simm.s32 $0x1;
	[dreg:$0x7] =	wrdreg s22  }
0x13: {  	s0 =	sadd.s32 s6, s0;
	[dreg:$0x8] =	wrdreg s23;
	s24 =	sadd.s32 $0x3600, s7  }
0x14: {  	s25 =	sadd.s32 $0xD600, s7;
	[dreg:$0xc] =	wrdreg s26;
	s21 =	simm.s32 $0x8E80  }
.Ltmp0:
0x15: {  	s23 =	simm.s32 $0xADC0;
	s18 =	simm.s32 $0x3;
	(pc) =	sbr.rel .LBB2_1-.Ltmp0, $4  }
0x16: {  	s20 =	simm.s32 $0x4;
	s22 =	simm.s32 $0x5;
	s26 =	simm.s32 $0x7  }
0x17: {  	s6 =	simm.s32 $0xA;
	s7 =	simm.s32 $0xB;
	[dreg:$0x9] =	wrdreg s24  }
0x18: {  	[dreg:$0xa] =	wrdreg s25;
	s0 =	sadd.s32 $0x52200, s0;
	s25 =	simm.s32 $0xCD00  }
0x19: {  	v0 =	vimm.bf16 $0.0e+00;
	s24 =	simm.s32 $0x6;
	[dreg:$0xb] =	wrdreg s0;
	s0 =	simm.s32 $0x12AC0  }
.LBB2_6:
0x1a: {  	_ =	swait.ge [sflag:s6], $0x1F40  }
0x1b: {  	[sflag:s6] =	ssyncset.done $0x0  }
0x1c: {  	[sflag:s6] =	ssyncadd.s32 $0xFFFFE0C0  }
0x1d: {  	_ =	swait.ge [sflag:s7], $0x1F40  }
0x1e: {  	[sflag:s7] =	ssyncset.done $0x0  }
0x1f: {  	[sflag:s7] =	ssyncadd.s32 $0xFFFFE0C0  }
0x20: {  	_ =	swait.ge [sflag:s8], $0x1F40  }
0x21: {  	[sflag:s8] =	ssyncset.done $0x0  }
0x22: {  	[sflag:s8] =	ssyncadd.s32 $0xFFFFE0C0  }
0x23: {  	_ =	swait.ge [sflag:s9], $0x1F40  }
0x24: {  	[sflag:s9] =	ssyncset.done $0x0  }
0x25: {  	[sflag:s9] =	ssyncadd.s32 $0xFFFFE0C0  }
0x26: {  	_ =	swait.ge [sflag:s10], $0x1F40  }
0x27: {  	[sflag:s10] =	ssyncset.done $0x0  }
0x28: {  	[sflag:s10] =	ssyncadd.s32 $0xFFFFE0C0  }
0x29: {  	_ =	swait.ge [sflag:s11], $0x1F40  }
0x2a: {  	[sflag:s11] =	ssyncset.done $0x0  }
0x2b: {  	[sflag:s11] =	ssyncadd.s32 $0xFFFFE0C0  }
0x2c: {  	_ =	swait.ge [sflag:s12], $0x1F40  }
0x2d: {  	[sflag:s12] =	ssyncset.done $0x0  }
0x2e: {  	[sflag:s12] =	ssyncadd.s32 $0xFFFFE0C0  }
0x2f: {  	s3 =	stileid.u32;
	[bflag:$0x0] =	sbarrier.arrive $0xFFFF  }
0x30: {  	s3 =	sshll.u32 s3, $0x6;
	s5 =	rddreg [dreg:$0x4]  }
0x31: {  	s3 =	sor.u32 $0x1C11, s3;
	s13 =	rddreg [dreg:$0xb];
	s5 =	sshrl.u32 s5, $0x3  }
0x32: {  	[hbm:s13], [sflag:s3] =	dma.local [spmem:s5], $0x1388  }
0x33: {  	_ =	swait.ge [sflag:s15], $0x1388  }
0x34: {  	s3 =	rddreg [dreg:$0x3]  }
0x35: {  	s5 =	rddreg [dreg:$0xc];
	s13 =	sadd.s32 $0x1, s3  }
0x36: {  	p0 =	sne.s32 s13, s5  }
.Ltmp1:
0x37: {  	_ = 	snop;
	(pc) =	sbr.rel @!p0 .LBB2_7-.Ltmp1, $3  }
0x38: {  	_ =	sdelay $0x1  }
0x39: {  	[sflag:s15] =	ssyncset.done $0x0  }
0x3a: {  	[sflag:s15] =	ssyncadd.s32 $0xFFFFEC78  }
.LBB2_1:
0x3b: {  	[dreg:$0x3] =	wrdreg s13;
	s13 =	simm.s32 $0x100;
	s5 =	simm.s32 $0x0  }
.LBB2_2:
0x3c: {  	p0 =	sne.s32 s13, $0x7C00;
	[tilespmem:s5+$0x5030] =	vst v0;
	s3 =	smov.u32 s13;
	s13 =	sadd.s32 $0x100, s13  }
.Ltmp2:
0x3d: {  	[tilespmem:s5+$0x5020] =	vst v0;
	(pc) =	sbr.rel @p0 .LBB2_2-.Ltmp2, $3  }
0x3e: {  	[tilespmem:s5+$0x5000] =	vst v0  }
0x3f: {  	[tilespmem:s5+$0x5010] =	vst v0;
	_ =	sdelay $0x1  }
0x40: {  	s5 =	sshra.s32 s3, $0x2  }
0x41: {  	[tilespmem:s5+$0x5030] =	vst v0  }
0x42: {  	[tilespmem:s5+$0x5020] =	vst v0  }
0x43: {  	[tilespmem:s5+$0x5000] =	vst v0  }
0x44: {  	[tilespmem:s5+$0x5010] =	vst v0;
	s3 =	rddreg [dreg:$0x4]  }
0x45: {  	[spmem:s3] =	stream.linear.scatter [tilespmem:s14], [sflag:$0x11], $0x1F40, $0x38;
	[tilespmem:$0x1E640] =	vst v63  }
0x46: {  	_ =	swait.ge [sflag:s15], $0x1F40  }
0x47: {  	[sflag:s15] =	ssyncset.done $0x0  }
0x48: {  	s5 =	rddreg [dreg:$0x5];
	[sflag:s15] =	ssyncadd.s32 $0xFFFFE0C0  }
0x49: {  	[spmem:s5] =	stream.linear.scatter [tilespmem:s14], [sflag:$0x11], $0x1F40, $0x38;
	[tilespmem:$0x1E640] =	vst v63  }
0x4a: {  	_ =	swait.ge [sflag:s15], $0x1F40  }
0x4b: {  	[sflag:s15] =	ssyncset.done $0x0  }
0x4c: {  	s13 =	rddreg [dreg:$0x6];
	[sflag:s15] =	ssyncadd.s32 $0xFFFFE0C0  }
0x4d: {  	[spmem:s13] =	stream.linear.scatter [tilespmem:s14], [sflag:$0x11], $0x1F40, $0x38;
	[tilespmem:$0x1E640] =	vst v63  }
0x4e: {  	_ =	swait.ge [sflag:s15], $0x1F40  }
0x4f: {  	[sflag:s15] =	ssyncset.done $0x0  }
0x50: {  	s5 =	rddreg [dreg:$0x7];
	[sflag:s15] =	ssyncadd.s32 $0xFFFFE0C0  }
0x51: {  	[spmem:s5] =	stream.linear.scatter [tilespmem:s14], [sflag:$0x11], $0x1F40, $0x38;
	[tilespmem:$0x1E640] =	vst v63  }
0x52: {  	_ =	swait.ge [sflag:s15], $0x1F40  }
0x53: {  	[sflag:s15] =	ssyncset.done $0x0  }
0x54: {  	s13 =	rddreg [dreg:$0x8];
	[sflag:s15] =	ssyncadd.s32 $0xFFFFE0C0  }
0x55: {  	[spmem:s13] =	stream.linear.scatter [tilespmem:s14], [sflag:$0x11], $0x1F40, $0x38;
	[tilespmem:$0x1E640] =	vst v63  }
0x56: {  	_ =	swait.ge [sflag:s15], $0x1F40  }
0x57: {  	[sflag:s15] =	ssyncset.done $0x0  }
0x58: {  	[sflag:s15] =	ssyncadd.s32 $0xFFFFE0C0  }
0x59: {  	[bflag:$0x0] =	sbarrier.arrive $0xFFFF  }
0x5a: {  	s5 =	simm.s32 $0x2800;
	s13 =	simm.s32 $0x0;
	s3 =	rddreg [dreg:$0x9]  }
0x5b: {  	[tilespmem:s5], [sflag:$0x11] =	stream.linear.gather [hbm4b:s3+s13], $0x2800, $0x38;
	[tilespmem:$0x1E640] =	vst v63  }
0x5c: {  	_ =	swait.ge [sflag:s15], $0x2800  }
0x5d: {  	[sflag:s15] =	ssyncset.done $0x0  }
0x5e: {  	s5 =	rddreg [dreg:$0xa];
	[sflag:s15] =	ssyncadd.s32 $0xFFFFD800  }
0x5f: {  	[tilespmem:s13], [sflag:$0x11] =	stream.linear.gather [hbm4b:s5+s13], $0x2800, $0x38;
	[tilespmem:$0x1E640] =	vst v63  }
0x60: {  	_ =	swait.ge [sflag:s15], $0x2800  }
0x61: {  	[sflag:s15] =	ssyncset.done $0x0  }
0x62: {  	[sflag:s15] =	ssyncadd.s32 $0xFFFFD800  }
0x63: {  	[tilespmem:s14], [sflag:$0x1] =	stream.indirect.gather [hbm4b:s4+s17], $0x40, s13, s17, $0xb8;
	[tilespmem:$0x1E640] =	vst v63  }
0x64: {  	s5 =	simm.s32 $0x80  }
0x65: {  	[tilespmem:s19], [sflag:$0x2] =	stream.indirect.gather [hbm4b:s4+s17], $0x40, s5, s17, $0xb8;
	[tilespmem:$0x1E640] =	vst v63  }
0x66: {  	s5 =	simm.s32 $0x100  }
0x67: {  	[tilespmem:s21], [sflag:$0x3] =	stream.indirect.gather [hbm4b:s4+s17], $0x40, s5, s17, $0xb8;
	[tilespmem:$0x1E640] =	vst v63  }
0x68: {  	s5 =	simm.s32 $0x180  }
0x69: {  	[tilespmem:s23], [sflag:$0x4] =	stream.indirect.gather [hbm4b:s4+s17], $0x40, s5, s17, $0xb8;
	[tilespmem:$0x1E640] =	vst v63  }
0x6a: {  	s5 =	simm.s32 $0x200  }
0x6b: {  	[tilespmem:s25], [sflag:$0x5] =	stream.indirect.gather [hbm4b:s4+s17], $0x40, s5, s17, $0xb8;
	[tilespmem:$0x1E640] =	vst v63  }
0x6c: {  	s5 =	simm.s32 $0x280  }
0x6d: {  	[tilespmem:s28], [sflag:$0x6] =	stream.indirect.gather [hbm4b:s4+s17], $0x40, s5, s17, $0xb8;
	[tilespmem:$0x1E640] =	vst v63  }
0x6e: {  	s5 =	simm.s32 $0x300  }
0x6f: {  	[tilespmem:s30], [sflag:$0x7] =	stream.indirect.gather [hbm4b:s4+s17], $0x40, s5, s17, $0xb8;
	[tilespmem:$0x1E640] =	vst v63  }
0x70: {  	s5 =	simm.s32 $0x380  }
0x71: {  	[tilespmem:s0], [sflag:$0x8] =	stream.indirect.gather [hbm4b:s4+s17], $0x40, s5, s17, $0xb8;
	[tilespmem:$0x1E640] =	vst v63  }
.LBB2_4:
0x72: {  	_ =	swait.ge [sflag:s1], $0x1F40  }
0x73: {  	s5 =	sshra.s32 s13, $0x2;
	[sflag:s1] =	ssyncset.done $0x0  }
0x74: {  	s3 =	sadd.s32 $0x2800, s5;
	[sflag:s1] =	ssyncadd.s32 $0xFFFFE0C0  }
0x75: {  	[spmem:s2] =	stream.indirect.scatter.add.bf16 [tilespmem:s14], [sflag:$0x9], $0x40, s3, s17, $0xb8;
	[tilespmem:$0x1E640] =	vst v63  }
0x76: {  	_ =	swait.ge [sflag:s16], $0x1F40  }
0x77: {  	[sflag:s16] =	ssyncset.done $0x0  }
0x78: {  	s3 =	sadd.s32 $0x2880, s5;
	[sflag:s16] =	ssyncadd.s32 $0xFFFFE0C0  }
0x79: {  	[spmem:s2] =	stream.indirect.scatter.add.bf16 [tilespmem:s19], [sflag:$0xA], $0x40, s3, s17, $0xb8;
	[tilespmem:$0x1E640] =	vst v63  }
0x7a: {  	_ =	swait.ge [sflag:s18], $0x1F40  }
0x7b: {  	[sflag:s18] =	ssyncset.done $0x0  }
0x7c: {  	s3 =	sadd.s32 $0x2900, s5;
	[sflag:s18] =	ssyncadd.s32 $0xFFFFE0C0  }
0x7d: {  	[spmem:s2] =	stream.indirect.scatter.add.bf16 [tilespmem:s21], [sflag:$0xB], $0x40, s3, s17, $0xb8;
	[tilespmem:$0x1E640] =	vst v63  }
0x7e: {  	_ =	swait.ge [sflag:s20], $0x1F40  }
0x7f: {  	[sflag:s20] =	ssyncset.done $0x0  }
0x80: {  	s3 =	sadd.s32 $0x2980, s5;
	[sflag:s20] =	ssyncadd.s32 $0xFFFFE0C0  }
0x81: {  	[spmem:s2] =	stream.indirect.scatter.add.bf16 [tilespmem:s23], [sflag:$0xC], $0x40, s3, s17, $0xb8;
	[tilespmem:$0x1E640] =	vst v63  }
0x82: {  	_ =	swait.ge [sflag:s22], $0x1F40  }
0x83: {  	[sflag:s22] =	ssyncset.done $0x0  }
0x84: {  	s3 =	sadd.s32 $0x2A00, s5;
	[sflag:s22] =	ssyncadd.s32 $0xFFFFE0C0  }
0x85: {  	[spmem:s2] =	stream.indirect.scatter.add.bf16 [tilespmem:s25], [sflag:$0xD], $0x40, s3, s17, $0xb8;
	[tilespmem:$0x1E640] =	vst v63  }
0x86: {  	_ =	swait.ge [sflag:s24], $0x1F40  }
0x87: {  	[sflag:s24] =	ssyncset.done $0x0  }
0x88: {  	s3 =	sadd.s32 $0x2A80, s5;
	[sflag:s24] =	ssyncadd.s32 $0xFFFFE0C0  }
0x89: {  	[spmem:s2] =	stream.indirect.scatter.add.bf16 [tilespmem:s28], [sflag:$0xE], $0x40, s3, s17, $0xb8;
	[tilespmem:$0x1E640] =	vst v63  }
0x8a: {  	_ =	swait.ge [sflag:s26], $0x1F40  }
0x8b: {  	[sflag:s26] =	ssyncset.done $0x0  }
0x8c: {  	s3 =	sadd.s32 $0x2B00, s5;
	[sflag:s26] =	ssyncadd.s32 $0xFFFFE0C0  }
0x8d: {  	[spmem:s2] =	stream.indirect.scatter.add.bf16 [tilespmem:s30], [sflag:$0xF], $0x40, s3, s17, $0xb8;
	[tilespmem:$0x1E640] =	vst v63  }
0x8e: {  	_ =	swait.ge [sflag:s29], $0x1F40  }
0x8f: {  	p0 =	seq.s32 s13, $0x9000;
	[sflag:s29] =	ssyncset.done $0x0  }
.Ltmp3:
0x90: {  	s3 =	sadd.s32 $0x2B80, s5;
	[sflag:s29] =	ssyncadd.s32 $0xFFFFE0C0;
	(pc) =	sbr.rel @p0 .LBB2_6-.Ltmp3, $4  }
0x91: {  	[spmem:s2] =	stream.indirect.scatter.add.bf16 [tilespmem:s0], [sflag:$0x10], $0x40, s3, s17, $0xb8;
	[tilespmem:$0x1E640] =	vst v63  }
0x92: {  	_ =	swait.ge [sflag:s31], $0x1F40  }
0x93: {  	[sflag:s31] =	ssyncset.done $0x0  }
0x94: {  	[sflag:s31] =	ssyncadd.s32 $0xFFFFE0C0  }
0x95: {  	s3 =	sadd.s32 $0x400, s5  }
0x96: {  	[tilespmem:s14], [sflag:$0x1] =	stream.indirect.gather [hbm4b:s4+s17], $0x40, s3, s17, $0xb8;
	[tilespmem:$0x1E640] =	vst v63  }
0x97: {  	_ =	swait.ge [sflag:s6], $0x1F40  }
0x98: {  	[sflag:s6] =	ssyncset.done $0x0  }
0x99: {  	s3 =	sadd.s32 $0x480, s5;
	[sflag:s6] =	ssyncadd.s32 $0xFFFFE0C0  }
0x9a: {  	[tilespmem:s19], [sflag:$0x2] =	stream.indirect.gather [hbm4b:s4+s17], $0x40, s3, s17, $0xb8;
	[tilespmem:$0x1E640] =	vst v63  }
0x9b: {  	_ =	swait.ge [sflag:s7], $0x1F40  }
0x9c: {  	[sflag:s7] =	ssyncset.done $0x0  }
0x9d: {  	s3 =	sadd.s32 $0x500, s5;
	[sflag:s7] =	ssyncadd.s32 $0xFFFFE0C0  }
0x9e: {  	[tilespmem:s21], [sflag:$0x3] =	stream.indirect.gather [hbm4b:s4+s17], $0x40, s3, s17, $0xb8;
	[tilespmem:$0x1E640] =	vst v63  }
0x9f: {  	_ =	swait.ge [sflag:s8], $0x1F40  }
0xa0: {  	[sflag:s8] =	ssyncset.done $0x0  }
0xa1: {  	s3 =	sadd.s32 $0x580, s5;
	[sflag:s8] =	ssyncadd.s32 $0xFFFFE0C0  }
0xa2: {  	[tilespmem:s23], [sflag:$0x4] =	stream.indirect.gather [hbm4b:s4+s17], $0x40, s3, s17, $0xb8;
	[tilespmem:$0x1E640] =	vst v63  }
0xa3: {  	_ =	swait.ge [sflag:s9], $0x1F40  }
0xa4: {  	[sflag:s9] =	ssyncset.done $0x0  }
0xa5: {  	s3 =	sadd.s32 $0x600, s5;
	[sflag:s9] =	ssyncadd.s32 $0xFFFFE0C0  }
0xa6: {  	[tilespmem:s25], [sflag:$0x5] =	stream.indirect.gather [hbm4b:s4+s17], $0x40, s3, s17, $0xb8;
	[tilespmem:$0x1E640] =	vst v63  }
0xa7: {  	_ =	swait.ge [sflag:s10], $0x1F40  }
0xa8: {  	[sflag:s10] =	ssyncset.done $0x0  }
0xa9: {  	s3 =	sadd.s32 $0x680, s5;
	[sflag:s10] =	ssyncadd.s32 $0xFFFFE0C0  }
0xaa: {  	[tilespmem:s28], [sflag:$0x6] =	stream.indirect.gather [hbm4b:s4+s17], $0x40, s3, s17, $0xb8;
	[tilespmem:$0x1E640] =	vst v63  }
0xab: {  	_ =	swait.ge [sflag:s11], $0x1F40  }
0xac: {  	[sflag:s11] =	ssyncset.done $0x0  }
0xad: {  	s3 =	sadd.s32 $0x700, s5;
	[sflag:s11] =	ssyncadd.s32 $0xFFFFE0C0  }
0xae: {  	[tilespmem:s30], [sflag:$0x7] =	stream.indirect.gather [hbm4b:s4+s17], $0x40, s3, s17, $0xb8;
	[tilespmem:$0x1E640] =	vst v63  }
.Ltmp4:
0xaf: {  	_ = 	snop;
	(pc) =	sbr.rel .LBB2_4-.Ltmp4, $4  }
0xb0: {  	_ =	swait.ge [sflag:s12], $0x1F40  }
0xb1: {  	[sflag:s12] =	ssyncset.done $0x0  }
0xb2: {  	s13 =	sadd.s32 $0x1000, s13;
	s5 =	sadd.s32 $0x780, s5;
	[sflag:s12] =	ssyncadd.s32 $0xFFFFE0C0  }
0xb3: {  	[tilespmem:s0], [sflag:$0x8] =	stream.indirect.gather [hbm4b:s4+s17], $0x40, s5, s17, $0xb8;
	[tilespmem:$0x1E640] =	vst v63  }
.LBB2_7:
0xb4: {  	_ =	sfence.sel $0x180000  }
0xb5: {  	[bflag:$0x0] =	sbarrier.arrive $0xFFFF  }
0xb6: {  	_ =	strace $0x9000004A  }
0xb7: {  	s0 =	stileid.u32;
	[bflag:$0x2] =	sbarrier.arrive $0xFFFF  }
0xb8: {  	p0 =	sne.s32 s0, $0x0;
	s0 =	rddreg [dreg:$0x2]  }
0xb9: {  	s0 =	sadd.s32 @!p0 $0x100000, s0  }
0xba: {  	[sflag:s0] =	ssyncadd.tile.s32 @!p0 $0x1;
	_ =	shalt  }
.Lfunc_end2:
_tile_overlayer_lowered:
.L_overlay_start_2:
0xbb: {  	(tag) =	ssettag $0x2  }
0xbc: {  	s0 =	rddreg [dreg:$0x0];
	s2 =	stileid.u32  }
0xbd: {  	s1 =	rddreg [dreg:$0x1];
	p0 =	sne.s32 s2, $0x0  }
0xbe: {  	s3 =	rddreg [dreg:$0x2];
	[bflag:$0x3] =	sbarrier.arrive $0xFFFF;
	s2 =	simm.s32 @!p0 $0x1C11  }
0xbf: {  	[timem:s3], [sflag:s2] =	dma.local @!p0 [hbm:s0], s1  }
0xc0: {  	s0 =	simm.s32 @!p0 $0x11  }
0xc1: {  	_ =	swait.ge @!p0 [sflag:s0], s1  }
0xc2: {  	s1 =	ssub.s32 @!p0 $0x0, s1;
	[sflag:s0] =	ssyncset.done @!p0 $0x0  }
0xc3: {  	[sflag:s0] =	ssyncadd.s32 @!p0 s1  }
0xc4: {  	[bflag:$0x3] =	sbarrier.arrive $0xFFFF  }
0xc5: {  	_ =	shalt  }

// kernel: kernel.15.cloned.1.call-start
scs
__scs_entry_jumppad:
0x0: {  	(pc) =	sbr.rel $0x88, $3  }
0x1: {  	(tag) =	ssettag $0x0;
	lr =	simm.s32 $0x1  }
0x2: {  	[smem:$0x3F91] =	sst lr;
	_ =	strace $0xD0000000  }
0x3: {  	_ = 	snop  }
0x4: {  	_ = 	snop  }
0x5: {  	_ = 	snop  }
0x6: {  	_ = 	snop  }
0x7: {  	_ = 	snop  }
__scs_overlays_trampoline_lowered:
0x8: {  	[smem:$0x3FA0] =	sst s0  }
0x9: {  	[smem:$0x3FA1] =	sst s1  }
0xa: {  	[smem:$0x3FA2] =	sst s2  }
0xb: {  	[smem:$0x3FA3] =	sst s3  }
0xc: {  	[smem:$0x3FA4] =	sst s4  }
0xd: {  	[smem:$0x3FA5] =	sst s5  }
0xe: {  	[smem:$0x3FA6] =	sst s6  }
0xf: {  	[smem:$0x3FA7] =	sst s7  }
0x10: {  	[smem:$0x3FA8] =	sst s8  }
0x11: {  	[smem:$0x3FA9] =	sst s9;
	s0 =	simm.s32 @!p0 $0x0  }
0x12: {  	s1 =	sld [smem:$0x3F8F];
	s0 =	simm.s32 @p0 $0x1  }
0x13: {  	[smem:$0x3FAA] =	sst s0;
	s0 =	simm.s32 @!p1 $0x0  }
0x14: {  	s2 =	sld [smem:$0x3F8E];
	s0 =	simm.s32 @p1 $0x1  }
0x15: {  	[smem:$0x3FAB] =	sst s0;
	s0 =	simm.s32 @!p2 $0x0  }
0x16: {  	s3 =	sld [smem:$0x3FDB];
	s0 =	simm.s32 @p2 $0x1  }
0x17: {  	s4 =	simm.s32 $0x1BF5;
	[smem:$0x3FAD] =	sst s0  }
0x18: {  	s0 =	sld [smem:$0x3F90];
	_ =	swait.ge [sflag:s4], $0x0  }
0x19: {  	s7 =	sld [smem:$0x3F91]  }
0x1a: {  	s8 =	sadd.s32 $0xFFFFE003, lr  }
0x1b: {  	s9 =	sadd.s32 $0xFFFFFEF7, lr;
	s5 =	simm.s32 $0xFFFFFFFF;
	p2 =	slt.u32 s8, $0xFFFFF086  }
0x1c: {  	p1 =	slt.u32 s9, $0xF7A;
	s5 =	simm.s32 @!p2 $0x0  }
0x1d: {  	s5 =	simm.s32 @p1 $0x1;
	p0 =	seq.s32 s7, s2  }
0x1e: {  	s7 =	smul.u32 @!p0 $0xF7A, s2;
	p2 =	seq.s32 @!p0 s5, $0x0  }
0x1f: {  	s9 =	smul.u32 $0xF7A, s1;
	s8 =	simm.s32 @!p0 $0x1BF5;
	p2 =	por !p2, p0  }
0x20: {  	[sflag:s8] =	ssyncset.s32 @!p0 $0xFFFFF086;
	s6 =	sadd.s32 @!p0 s3, s7;
	s7 =	simm.s32 @!p0 $0x108  }
0x21: {  	s3 =	sadd.s32 s3, s9;
	s6 =	sadd.s32 @!p0 $0x88, s6;
	s7 =	simm.s32 @p2 $0x1082  }
0x22: {  	[simem:s7], [sflag:s8] =	dma.local @!p0 [hbm:s6], $0xF7A  }
0x23: {  	s9 =	sor.u32 $0xD0000000, s2;
	s6 =	simm.s32 $0x108;
	_ =	swait.ge @!p0 [sflag:s8], $0x0  }
0x24: {  	s3 =	sadd.s32 $0x88, s3;
	s6 =	simm.s32 @!p1 $0x1082;
	[sflag:s4] =	ssyncset.s32 $0xFFFFF086  }
0x25: {  	[simem:s6], [sflag:s4] =	dma.local [hbm:s3], $0xF7A  }
0x26: {  	[smem:$0x3F91] =	sst s1;
	(tag) =	ssettag s2;
	_ =	strace s9  }
0x27: {  	s1 =	sld [smem:$0x3FA1]  }
0x28: {  	s2 =	sld [smem:$0x3FA2]  }
0x29: {  	s4 =	sld [smem:$0x3FA4]  }
0x2a: {  	p0 =	seq.s32 s5, $0x0;
	s5 =	sld [smem:$0x3FA5]  }
0x2b: {  	s6 =	sld [smem:$0x3FA6]  }
0x2c: {  	s7 =	sld [smem:$0x3FA7]  }
0x2d: {  	s3 =	simm.s32 $0x108;
	s8 =	sld [smem:$0x3FA8]  }
0x2e: {  	s3 =	simm.s32 @!p0 $0x1082;
	s9 =	sld [smem:$0x3FA9]  }
0x2f: {  	lr =	sadd.s32 s0, s3;
	s0 =	sld [smem:$0x3FA0]  }
0x30: {  	s3 =	sld [smem:$0x3FA3]  }
0x31: {  	[smem:$0x3FAC] =	sst s10  }
0x32: {  	s10 =	sld [smem:$0x3FAA];
	_ =	sdelay $0x3  }
0x33: {  	p0 =	seq.s32 s10, $0x1;
	s10 =	sld [smem:$0x3FAC];
	_ =	sdelay $0x3  }
0x34: {  	[smem:$0x3FAC] =	sst s10  }
0x35: {  	s10 =	sld [smem:$0x3FAB];
	_ =	sdelay $0x3  }
0x36: {  	p1 =	seq.s32 s10, $0x1;
	s10 =	sld [smem:$0x3FAC];
	_ =	sdelay $0x3  }
0x37: {  	[smem:$0x3FAC] =	sst s10  }
0x38: {  	s10 =	sld [smem:$0x3FAD]  }
0x39: {  	_ = 	snop;
	(pc) =	sbr.ind lr, $3  }
0x3a: {  	_ = 	snop  }
0x3b: {  	_ = 	snop  }
0x3c: {  	p2 =	seq.s32 s10, $0x1;
	s10 =	sld [smem:$0x3FAC]  }
0x3d: {  	_ =	shalt  }
0x3e: {  	_ =	shalt  }
0x3f: {  	_ =	shalt  }
0x40: {  	_ =	shalt  }
0x41: {  	_ =	shalt  }
0x42: {  	_ =	shalt  }
0x43: {  	_ =	shalt  }
0x44: {  	_ =	shalt  }
0x45: {  	_ =	shalt  }
0x46: {  	_ =	shalt  }
0x47: {  	_ =	shalt  }
0x48: {  	_ =	shalt  }
0x49: {  	_ =	shalt  }
0x4a: {  	_ =	shalt  }
0x4b: {  	_ =	shalt  }
0x4c: {  	_ =	shalt  }
0x4d: {  	_ =	shalt  }
0x4e: {  	_ =	shalt  }
0x4f: {  	_ =	shalt  }
0x50: {  	_ =	shalt  }
0x51: {  	_ =	shalt  }
0x52: {  	_ =	shalt  }
0x53: {  	_ =	shalt  }
0x54: {  	_ =	shalt  }
0x55: {  	_ =	shalt  }
0x56: {  	_ =	shalt  }
0x57: {  	_ =	shalt  }
0x58: {  	_ =	shalt  }
0x59: {  	_ =	shalt  }
0x5a: {  	_ =	shalt  }
0x5b: {  	_ =	shalt  }
0x5c: {  	_ =	shalt  }
0x5d: {  	_ =	shalt  }
0x5e: {  	_ =	shalt  }
0x5f: {  	_ =	shalt  }
0x60: {  	_ =	shalt  }
0x61: {  	_ =	shalt  }
0x62: {  	_ =	shalt  }
0x63: {  	_ =	shalt  }
0x64: {  	_ =	shalt  }
0x65: {  	_ =	shalt  }
0x66: {  	_ =	shalt  }
0x67: {  	_ =	shalt  }
0x68: {  	_ =	shalt  }
0x69: {  	_ =	shalt  }
0x6a: {  	_ =	shalt  }
0x6b: {  	_ =	shalt  }
0x6c: {  	_ =	shalt  }
0x6d: {  	_ =	shalt  }
0x6e: {  	_ =	shalt  }
0x6f: {  	_ =	shalt  }
0x70: {  	_ =	shalt  }
0x71: {  	_ =	shalt  }
0x72: {  	_ =	shalt  }
0x73: {  	_ =	shalt  }
0x74: {  	_ =	shalt  }
0x75: {  	_ =	shalt  }
0x76: {  	_ =	shalt  }
0x77: {  	_ =	shalt  }
0x78: {  	_ =	shalt  }
0x79: {  	_ =	shalt  }
0x7a: {  	_ =	shalt  }
0x7b: {  	_ =	shalt  }
0x7c: {  	_ =	shalt  }
0x7d: {  	_ =	shalt  }
0x7e: {  	_ =	shalt  }
0x7f: {  	_ =	shalt  }
0x80: {  	_ =	shalt  }
0x81: {  	_ =	shalt  }
0x82: {  	_ =	shalt  }
0x83: {  	_ =	shalt  }
0x84: {  	_ =	shalt  }
0x85: {  	_ =	shalt  }
0x86: {  	_ =	shalt  }
0x87: {  	_ =	shalt  }
.Lfunc_end0:
.L_simem_size_0:
called_computation.2_lowered:
.L_overlay_start_0:
0x88: {  	s2 =	sld [smem:$0x3FD9]  }
0x89: {  	s3 =	sld [smem:$0x3FFE];
	_ =	sdelay $0x1  }
0x8a: {  	s1 =	srdreg.scid  }
0x8b: {  	s0 =	sand.u32 $0x1, s1  }
0x8c: {  	s14 =	sshll.u32 s0, $0xA;
	s2 =	sadd.s32 s3, s2  }
0x8d: {  	s2 =	sadd.s32 s2, s14  }
0x8e: {  	[smem:$0x3FB8] =	sst s2  }
0x8f: {  	_ = 	snop  }
0x90: {  	s2 =	sld [smem:$0x3FD0];
	_ =	sdelay $0x2  }
0x91: {  	s15 =	simm.s32 $0xA;
	s4 =	simm.s32 $0x10  }
0x92: {  	[smem:s4], [sflag:s15] =	dma.local [hbm:s2], $0x1  }
0x93: {  	_ =	swait.eq [sflag:s15], $0x1  }
0x94: {  	[sflag:s15] =	ssyncset.done $0x0  }
0x95: {  	[sflag:s15] =	ssyncadd.s32 $0xFFFFFFFF  }
0x96: {  	s16 =	sld [smem:$0x11];
	(tm) =	ssettm $0x1  }
0x97: {  	s17 =	sld [smem:$0x3FFB];
	_ =	sdelay $0x3  }
0x98: {  	_ =	strace s17  }
0x99: {  	s3 =	sld [smem:$0x3FFC];
	_ =	sdelay $0x3  }
0x9a: {  	_ =	strace s3  }
0x9b: {  	s3 =	sld [smem:$0x3FFD];
	_ =	sdelay $0x3  }
0x9c: {  	_ =	strace s3  }
0x9d: {  	_ =	strace $0x8FFFFFFF  }
0x9e: {  	s18 =	sld [smem:$0x3FDB];
	_ =	sdelay $0x1  }
0x9f: {  	s19 =	simm.s32 $_scs_section_size  }
0xa0: {  	s5 =	simm.s32 $_size__tile_overlayer_lowered;
	s6 =	simm.s32 $_tile_overlayer_lowered  }
0xa1: {  	s22 =	simm.s32 $0x1BFF;
	s21 =	sshll.u32 s6, $0x1;
	s3 =	sadd.s32 s19, s18  }
0xa2: {  	s7 =	simm.s32 $0x0;
	s20 =	sshll.u32 s5, $0x1;
	s5 =	sadd.s32 s21, s3  }
0xa3: {  	[timem:s7], [sflag:s22] =	dma.local [hbm:s5], s20  }
0xa4: {  	_ =	swait.ge [sflag:s22], s20  }
0xa5: {  	s4 =	ssub.s32 $0x0, s20;
	[sflag:s22] =	ssyncset.done $0x0  }
0xa6: {  	[sflag:s22] =	ssyncadd.s32 s4;
	_ =	sdelay $0x1  }
0xa7: {  	s23 =	simm.s32 $0x1B8B  }
0xa8: {  	_ =	swait.ge [sflag:s23], $0x1  }
0xa9: {  	[sflag:s23] =	ssyncset.done $0x0  }
0xaa: {  	s25 =	simm.s32 $0x1B8E;
	s24 =	sld [smem:$0x3FFE];
	[sflag:s23] =	ssyncadd.s32 $0xFFFFFFFF  }
0xab: {  	s26 =	simm.s32 $execute0_lowered;
	[smem:$0x3FD2] =	sst s25  }
0xac: {  	s5 =	sshll.u32 s26, $0x1;
	_ =	strace $0x8000004C;
	[dreg:$0x1] =	wrdreg $0xFFFFFFFF  }
0xad: {  	s28 =	simm.s32 $_size_execute0_lowered;
	s3 =	sadd.s32 s3, s5;
	[dreg:$0x0] =	wrdreg $0x0  }
0xae: {  	s5 =	sshll.u32 s28, $0x1;
	[dreg:$0x2] =	wrdreg s3  }
0xaf: {  	[dreg:$0x3] =	wrdreg s5  }
0xb0: {  	[dreg:$0x4] =	wrdreg $0xC0  }
0xb1: {  	_ =	task [dreg:s7], $0x5FFFF  }
0xb2: {  	[dreg:$0x1] =	wrdreg $0xFFFFFFFF  }
0xb3: {  	[dreg:$0x0] =	wrdreg $0x60  }
0xb4: {  	[dreg:$0x2] =	wrdreg s16  }
0xb5: {  	[dreg:$0x3] =	wrdreg s24  }
0xb6: {  	[dreg:$0x4] =	wrdreg $0x8E800  }
0xb7: {  	[dreg:$0x5] =	wrdreg $0x9  }
0xb8: {  	_ =	task.clear_ibuf [dreg:s7], $0x6FFFF;
	_ =	strace $0x9000004C  }
0xb9: {  	s29 =	simm.s32 $0x9;
	_ =	strace $0x8000004E  }
0xba: {  	_ =	swait.ge [sflag:s29], $0x1  }
0xbb: {  	[sflag:s29] =	ssyncadd.s32 $0xFFFFFFFF  }
0xbc: {  	_ =	strace $0x9000004E  }
0xbd: {  	_ =	sfence  }
0xbe: {  	s30 =	sld [smem:$0x0];
	_ =	sdelay $0x2  }
0xbf: {  	s31 =	sshll.u32 s1, $0xD;
	s1 =	sshrl.u32 s1, $0x2  }
0xc0: {  	s3 =	sand.u32 $0x4000, s31;
	s1 =	sadd.s32 s1, s30  }
0xc1: {  	s0 =	sor.u32 s3, s0;
	s1 =	sshll.u32 s1, $0x11  }
0xc2: {  	s0 =	sor.u32 s1, s0  }
0xc3: {  	s0 =	sadd.s32 $0x8F2B, s0  }
0xc4: {  	[sflag:s0] =	ssyncadd.remote.s32 $0x1  }
0xc5: {  	_ =	sfence.sel $0xFFFF  }
0xc6: {  	[dreg:$0x0] =	wrdreg $0xFFFFFFFF;
	(pc) =	sbr.abs _section_cstart, $3  }
0xc7: {  	[dreg:$0x1] =	wrdreg $0xFFFFFFFF  }
0xc8: {  	_ =	task.clear_ibuf [dreg:s7], $0x2FFFF;
	_ =	strace $0x9FFFFFFF  }
0xc9: {  	(tm) =	ssettm $0x7FFFFFFF  }
tec
execute0_lowered:
.L_overlay_start_1:
0x0: {  	(tag) =	ssettag $0x1  }
0x1: {  	s1 =	rddreg [dreg:$0x0];
	s0 =	srdreg.scid  }
0x2: {  	s4 =	stileid.u32;
	s2 =	rddreg [dreg:$0x1]  }
0x3: {  	s3 =	rddreg [dreg:$0x2];
	s13 =	simm.s32 $0x0;
	s14 =	simm.s32 $0x5000  }
0x4: {  	s15 =	simm.s32 $0x11;
	s17 =	simm.s32 $0x7D;
	s28 =	simm.s32 $0x7710  }
0x5: {  	s30 =	simm.s32 $0x7EE0;
	s16 =	simm.s32 $0x2;
	s29 =	simm.s32 $0x8  }
0x6: {  	s31 =	simm.s32 $0x9;
	s9 =	simm.s32 $0xD;
	s10 =	simm.s32 $0xE  }
0x7: {  	s11 =	simm.s32 $0xF;
	s12 =	simm.s32 $0x10;
	s5 =	smul.u32 $0x4E20, s4  }
0x8: {  	s0 =	sand.u32 $0x1, s0;
	s6 =	sshll.u32 s4, $0x1;
	s8 =	smul.u32 $0x9C40, s4  }
0x9: {  	[smem:$0x7FF] =	sst s13;
	s7 =	smul.u32 $0x4E200, s0;
	s6 =	sor.u32 s0, s6  }
0xa: {  	_ =	strace $0x8000004D;
	s0 =	ssub.s32 $0x2, s0;
	s6 =	smul.u32 $0x500, s6  }
0xb: {  	s18 =	sshrl.u32 s0, $0x1;
	s8 =	sshrl.u32 s8, $0x2;
	s7 =	sadd.s32 s5, s7  }
0xc: {  	s5 =	sshrl.u32 s5, $0x1;
	s0 =	ssub.s32 s0, s18;
	s20 =	sadd.s32 s8, s3  }
0xd: {  	s18 =	simm.s32 $0x3;
	s8 =	simm.s32 $0xC;
	s19 =	sadd.s32 s5, s3  }
0xe: {  	s7 =	sshrl.u32 s7, $0x4;
	s21 =	sadd.s32 $0x7D0, s20;
	[dreg:$0x5] =	wrdreg s19  }
0xf: {  	s6 =	sadd.s32 s6, s2;
	s22 =	sadd.s32 $0xFA0, s20;
	[dreg:$0x6] =	wrdreg s21  }
0x10: {  	s23 =	sadd.s32 $0x1770, s20;
	s24 =	sadd.s32 $0x1F40, s20;
	[dreg:$0x7] =	wrdreg s22  }
0x11: {  	s0 =	smax.u32 s0, $0x1;
	s20 =	simm.s32 $0x4;
	[dreg:$0x8] =	wrdreg s23  }
0x12: {  	s2 =	sadd.s32 s7, s2;
	[dreg:$0x9] =	wrdreg s24;
	s25 =	sadd.s32 $0x3600, s6  }
0x13: {  	s26 =	sadd.s32 $0xD600, s6;
	[dreg:$0xd] =	wrdreg s0;
	s19 =	simm.s32 $0x57D0  }
.Ltmp0:
0x14: {  	s21 =	simm.s32 $0x5FA0;
	s23 =	simm.s32 $0x6770;
	(pc) =	sbr.rel .LBB2_1-.Ltmp0, $4  }
0x15: {  	s0 =	simm.s32 $0x1;
	s22 =	simm.s32 $0x5;
	s24 =	simm.s32 $0x6  }
0x16: {  	s6 =	simm.s32 $0xA;
	s7 =	simm.s32 $0xB;
	[dreg:$0xa] =	wrdreg s25  }
0x17: {  	[dreg:$0xb] =	wrdreg s26;
	s2 =	sadd.s32 $0x65A00, s2;
	s25 =	simm.s32 $0x6F40  }
0x18: {  	v0 =	vimm.bf16 $0.0e+00;
	s26 =	simm.s32 $0x7;
	[dreg:$0xc] =	wrdreg s2;
	s2 =	simm.s32 $0x86B0  }
.LBB2_6:
0x19: {  	_ =	swait.ge [sflag:s6], $0x7D0  }
0x1a: {  	[sflag:s6] =	ssyncset.done $0x0  }
0x1b: {  	[sflag:s6] =	ssyncadd.s32 $0xFFFFF830  }
0x1c: {  	_ =	swait.ge [sflag:s7], $0x7D0  }
0x1d: {  	[sflag:s7] =	ssyncset.done $0x0  }
0x1e: {  	[sflag:s7] =	ssyncadd.s32 $0xFFFFF830  }
0x1f: {  	_ =	swait.ge [sflag:s8], $0x7D0  }
0x20: {  	[sflag:s8] =	ssyncset.done $0x0  }
0x21: {  	[sflag:s8] =	ssyncadd.s32 $0xFFFFF830  }
0x22: {  	_ =	swait.ge [sflag:s9], $0x7D0  }
0x23: {  	[sflag:s9] =	ssyncset.done $0x0  }
0x24: {  	[sflag:s9] =	ssyncadd.s32 $0xFFFFF830  }
0x25: {  	_ =	swait.ge [sflag:s10], $0x7D0  }
0x26: {  	[sflag:s10] =	ssyncset.done $0x0  }
0x27: {  	[sflag:s10] =	ssyncadd.s32 $0xFFFFF830  }
0x28: {  	_ =	swait.ge [sflag:s11], $0x7D0  }
0x29: {  	[sflag:s11] =	ssyncset.done $0x0  }
0x2a: {  	[sflag:s11] =	ssyncadd.s32 $0xFFFFF830  }
0x2b: {  	_ =	swait.ge [sflag:s12], $0x7D0  }
0x2c: {  	[sflag:s12] =	ssyncset.done $0x0  }
0x2d: {  	[sflag:s12] =	ssyncadd.s32 $0xFFFFF830  }
0x2e: {  	s4 =	stileid.u32;
	[bflag:$0x0] =	sbarrier.arrive $0xFFFF  }
0x2f: {  	s4 =	sshll.u32 s4, $0x6;
	s5 =	rddreg [dreg:$0x5]  }
0x30: {  	s4 =	sor.u32 $0x1C11, s4;
	s13 =	rddreg [dreg:$0xc];
	s5 =	sshrl.u32 s5, $0x3  }
0x31: {  	[hbm:s13], [sflag:s4] =	dma.local [spmem:s5], $0x4E2  }
0x32: {  	_ =	swait.ge [sflag:s15], $0x4E2  }
0x33: {  	s4 =	rddreg [dreg:$0x4]  }
0x34: {  	s5 =	rddreg [dreg:$0xd];
	s13 =	sadd.s32 $0x1, s4  }
0x35: {  	p0 =	sne.s32 s13, s5  }
.Ltmp1:
0x36: {  	_ = 	snop;
	(pc) =	sbr.rel @!p0 .LBB2_7-.Ltmp1, $3  }
0x37: {  	_ =	sdelay $0x1  }
0x38: {  	[sflag:s15] =	ssyncset.done $0x0  }
0x39: {  	[sflag:s15] =	ssyncadd.s32 $0xFFFFFB1E  }
.LBB2_1:
0x3a: {  	[dreg:$0x4] =	wrdreg s13;
	s5 =	simm.s32 $0x40;
	s13 =	simm.s32 $0x0  }
.LBB2_2:
0x3b: {  	p0 =	sne.s32 s5, $0x1F00;
	[tilespmem:s13+$0x5000] =	vst v0;
	s13 =	smov.u32 s5;
	s5 =	sadd.s32 $0x40, s5  }
.Ltmp2:
0x3c: {  	(pc) =	sbr.rel @p0 .LBB2_2-.Ltmp2, $2  }
0x3d: {  	_ =	sdelay $0x2  }
0x3e: {  	s13 =	sshra.s32 s13, $0x2  }
0x3f: {  	[tilespmem:s13+$0x5000] =	vst v0;
	s4 =	rddreg [dreg:$0x5]  }
0x40: {  	[spmem:s4] =	stream.linear.scatter [tilespmem:s14], [sflag:$0x11], $0x7D0, $0x38;
	[tilespmem:$0xB590] =	vst v63  }
0x41: {  	_ =	swait.ge [sflag:s15], $0x7D0  }
0x42: {  	[sflag:s15] =	ssyncset.done $0x0  }
0x43: {  	s5 =	rddreg [dreg:$0x6];
	[sflag:s15] =	ssyncadd.s32 $0xFFFFF830  }
0x44: {  	[spmem:s5] =	stream.linear.scatter [tilespmem:s14], [sflag:$0x11], $0x7D0, $0x38;
	[tilespmem:$0xB590] =	vst v63  }
0x45: {  	_ =	swait.ge [sflag:s15], $0x7D0  }
0x46: {  	[sflag:s15] =	ssyncset.done $0x0  }
0x47: {  	s13 =	rddreg [dreg:$0x7];
	[sflag:s15] =	ssyncadd.s32 $0xFFFFF830  }
0x48: {  	[spmem:s13] =	stream.linear.scatter [tilespmem:s14], [sflag:$0x11], $0x7D0, $0x38;
	[tilespmem:$0xB590] =	vst v63  }
0x49: {  	_ =	swait.ge [sflag:s15], $0x7D0  }
0x4a: {  	[sflag:s15] =	ssyncset.done $0x0  }
0x4b: {  	s5 =	rddreg [dreg:$0x8];
	[sflag:s15] =	ssyncadd.s32 $0xFFFFF830  }
0x4c: {  	[spmem:s5] =	stream.linear.scatter [tilespmem:s14], [sflag:$0x11], $0x7D0, $0x38;
	[tilespmem:$0xB590] =	vst v63  }
0x4d: {  	_ =	swait.ge [sflag:s15], $0x7D0  }
0x4e: {  	[sflag:s15] =	ssyncset.done $0x0  }
0x4f: {  	s13 =	rddreg [dreg:$0x9];
	[sflag:s15] =	ssyncadd.s32 $0xFFFFF830  }
0x50: {  	[spmem:s13] =	stream.linear.scatter [tilespmem:s14], [sflag:$0x11], $0x7D0, $0x38;
	[tilespmem:$0xB590] =	vst v63  }
0x51: {  	_ =	swait.ge [sflag:s15], $0x7D0  }
0x52: {  	[sflag:s15] =	ssyncset.done $0x0  }
0x53: {  	[sflag:s15] =	ssyncadd.s32 $0xFFFFF830  }
0x54: {  	[bflag:$0x0] =	sbarrier.arrive $0xFFFF  }
0x55: {  	s5 =	simm.s32 $0x2800;
	s13 =	simm.s32 $0x0;
	s4 =	rddreg [dreg:$0xa]  }
0x56: {  	[tilespmem:s5], [sflag:$0x11] =	stream.linear.gather [hbm4b:s4+s13], $0x2800, $0x38;
	[tilespmem:$0xB590] =	vst v63  }
0x57: {  	_ =	swait.ge [sflag:s15], $0x2800  }
0x58: {  	[sflag:s15] =	ssyncset.done $0x0  }
0x59: {  	s5 =	rddreg [dreg:$0xb];
	[sflag:s15] =	ssyncadd.s32 $0xFFFFD800  }
0x5a: {  	[tilespmem:s13], [sflag:$0x11] =	stream.linear.gather [hbm4b:s5+s13], $0x2800, $0x38;
	[tilespmem:$0xB590] =	vst v63  }
0x5b: {  	_ =	swait.ge [sflag:s15], $0x2800  }
0x5c: {  	[sflag:s15] =	ssyncset.done $0x0  }
0x5d: {  	[sflag:s15] =	ssyncadd.s32 $0xFFFFD800  }
0x5e: {  	[tilespmem:s14], [sflag:$0x1] =	stream.indirect.gather [hbm4b:s1+s17], $0x10, s13, s17, $0xb8;
	[tilespmem:$0xB590] =	vst v63  }
0x5f: {  	s5 =	simm.s32 $0x80  }
0x60: {  	[tilespmem:s19], [sflag:$0x2] =	stream.indirect.gather [hbm4b:s1+s17], $0x10, s5, s17, $0xb8;
	[tilespmem:$0xB590] =	vst v63  }
0x61: {  	s5 =	simm.s32 $0x100  }
0x62: {  	[tilespmem:s21], [sflag:$0x3] =	stream.indirect.gather [hbm4b:s1+s17], $0x10, s5, s17, $0xb8;
	[tilespmem:$0xB590] =	vst v63  }
0x63: {  	s5 =	simm.s32 $0x180  }
0x64: {  	[tilespmem:s23], [sflag:$0x4] =	stream.indirect.gather [hbm4b:s1+s17], $0x10, s5, s17, $0xb8;
	[tilespmem:$0xB590] =	vst v63  }
0x65: {  	s5 =	simm.s32 $0x200  }
0x66: {  	[tilespmem:s25], [sflag:$0x5] =	stream.indirect.gather [hbm4b:s1+s17], $0x10, s5, s17, $0xb8;
	[tilespmem:$0xB590] =	vst v63  }
0x67: {  	s5 =	simm.s32 $0x280  }
0x68: {  	[tilespmem:s28], [sflag:$0x6] =	stream.indirect.gather [hbm4b:s1+s17], $0x10, s5, s17, $0xb8;
	[tilespmem:$0xB590] =	vst v63  }
0x69: {  	s5 =	simm.s32 $0x300  }
0x6a: {  	[tilespmem:s30], [sflag:$0x7] =	stream.indirect.gather [hbm4b:s1+s17], $0x10, s5, s17, $0xb8;
	[tilespmem:$0xB590] =	vst v63  }
0x6b: {  	s5 =	simm.s32 $0x380  }
0x6c: {  	[tilespmem:s2], [sflag:$0x8] =	stream.indirect.gather [hbm4b:s1+s17], $0x10, s5, s17, $0xb8;
	[tilespmem:$0xB590] =	vst v63  }
.LBB2_4:
0x6d: {  	_ =	swait.ge [sflag:s0], $0x7D0  }
0x6e: {  	s5 =	sshra.s32 s13, $0x2;
	[sflag:s0] =	ssyncset.done $0x0  }
0x6f: {  	s4 =	sadd.s32 $0x2800, s5;
	[sflag:s0] =	ssyncadd.s32 $0xFFFFF830  }
0x70: {  	[spmem:s3] =	stream.indirect.scatter.add.bf16 [tilespmem:s14], [sflag:$0x9], $0x10, s4, s17, $0xb8;
	[tilespmem:$0xB590] =	vst v63  }
0x71: {  	_ =	swait.ge [sflag:s16], $0x7D0  }
0x72: {  	[sflag:s16] =	ssyncset.done $0x0  }
0x73: {  	s4 =	sadd.s32 $0x2880, s5;
	[sflag:s16] =	ssyncadd.s32 $0xFFFFF830  }
0x74: {  	[spmem:s3] =	stream.indirect.scatter.add.bf16 [tilespmem:s19], [sflag:$0xA], $0x10, s4, s17, $0xb8;
	[tilespmem:$0xB590] =	vst v63  }
0x75: {  	_ =	swait.ge [sflag:s18], $0x7D0  }
0x76: {  	[sflag:s18] =	ssyncset.done $0x0  }
0x77: {  	s4 =	sadd.s32 $0x2900, s5;
	[sflag:s18] =	ssyncadd.s32 $0xFFFFF830  }
0x78: {  	[spmem:s3] =	stream.indirect.scatter.add.bf16 [tilespmem:s21], [sflag:$0xB], $0x10, s4, s17, $0xb8;
	[tilespmem:$0xB590] =	vst v63  }
0x79: {  	_ =	swait.ge [sflag:s20], $0x7D0  }
0x7a: {  	[sflag:s20] =	ssyncset.done $0x0  }
0x7b: {  	s4 =	sadd.s32 $0x2980, s5;
	[sflag:s20] =	ssyncadd.s32 $0xFFFFF830  }
0x7c: {  	[spmem:s3] =	stream.indirect.scatter.add.bf16 [tilespmem:s23], [sflag:$0xC], $0x10, s4, s17, $0xb8;
	[tilespmem:$0xB590] =	vst v63  }
0x7d: {  	_ =	swait.ge [sflag:s22], $0x7D0  }
0x7e: {  	[sflag:s22] =	ssyncset.done $0x0  }
0x7f: {  	s4 =	sadd.s32 $0x2A00, s5;
	[sflag:s22] =	ssyncadd.s32 $0xFFFFF830  }
0x80: {  	[spmem:s3] =	stream.indirect.scatter.add.bf16 [tilespmem:s25], [sflag:$0xD], $0x10, s4, s17, $0xb8;
	[tilespmem:$0xB590] =	vst v63  }
0x81: {  	_ =	swait.ge [sflag:s24], $0x7D0  }
0x82: {  	[sflag:s24] =	ssyncset.done $0x0  }
0x83: {  	s4 =	sadd.s32 $0x2A80, s5;
	[sflag:s24] =	ssyncadd.s32 $0xFFFFF830  }
0x84: {  	[spmem:s3] =	stream.indirect.scatter.add.bf16 [tilespmem:s28], [sflag:$0xE], $0x10, s4, s17, $0xb8;
	[tilespmem:$0xB590] =	vst v63  }
0x85: {  	_ =	swait.ge [sflag:s26], $0x7D0  }
0x86: {  	[sflag:s26] =	ssyncset.done $0x0  }
0x87: {  	s4 =	sadd.s32 $0x2B00, s5;
	[sflag:s26] =	ssyncadd.s32 $0xFFFFF830  }
0x88: {  	[spmem:s3] =	stream.indirect.scatter.add.bf16 [tilespmem:s30], [sflag:$0xF], $0x10, s4, s17, $0xb8;
	[tilespmem:$0xB590] =	vst v63  }
0x89: {  	_ =	swait.ge [sflag:s29], $0x7D0  }
0x8a: {  	p0 =	seq.s32 s13, $0x9000;
	[sflag:s29] =	ssyncset.done $0x0  }
.Ltmp3:
0x8b: {  	s4 =	sadd.s32 $0x2B80, s5;
	[sflag:s29] =	ssyncadd.s32 $0xFFFFF830;
	(pc) =	sbr.rel @p0 .LBB2_6-.Ltmp3, $4  }
0x8c: {  	[spmem:s3] =	stream.indirect.scatter.add.bf16 [tilespmem:s2], [sflag:$0x10], $0x10, s4, s17, $0xb8;
	[tilespmem:$0xB590] =	vst v63  }
0x8d: {  	_ =	swait.ge [sflag:s31], $0x7D0  }
0x8e: {  	[sflag:s31] =	ssyncset.done $0x0  }
0x8f: {  	[sflag:s31] =	ssyncadd.s32 $0xFFFFF830  }
0x90: {  	s4 =	sadd.s32 $0x400, s5  }
0x91: {  	[tilespmem:s14], [sflag:$0x1] =	stream.indirect.gather [hbm4b:s1+s17], $0x10, s4, s17, $0xb8;
	[tilespmem:$0xB590] =	vst v63  }
0x92: {  	_ =	swait.ge [sflag:s6], $0x7D0  }
0x93: {  	[sflag:s6] =	ssyncset.done $0x0  }
0x94: {  	s4 =	sadd.s32 $0x480, s5;
	[sflag:s6] =	ssyncadd.s32 $0xFFFFF830  }
0x95: {  	[tilespmem:s19], [sflag:$0x2] =	stream.indirect.gather [hbm4b:s1+s17], $0x10, s4, s17, $0xb8;
	[tilespmem:$0xB590] =	vst v63  }
0x96: {  	_ =	swait.ge [sflag:s7], $0x7D0  }
0x97: {  	[sflag:s7] =	ssyncset.done $0x0  }
0x98: {  	s4 =	sadd.s32 $0x500, s5;
	[sflag:s7] =	ssyncadd.s32 $0xFFFFF830  }
0x99: {  	[tilespmem:s21], [sflag:$0x3] =	stream.indirect.gather [hbm4b:s1+s17], $0x10, s4, s17, $0xb8;
	[tilespmem:$0xB590] =	vst v63  }
0x9a: {  	_ =	swait.ge [sflag:s8], $0x7D0  }
0x9b: {  	[sflag:s8] =	ssyncset.done $0x0  }
0x9c: {  	s4 =	sadd.s32 $0x580, s5;
	[sflag:s8] =	ssyncadd.s32 $0xFFFFF830  }
0x9d: {  	[tilespmem:s23], [sflag:$0x4] =	stream.indirect.gather [hbm4b:s1+s17], $0x10, s4, s17, $0xb8;
	[tilespmem:$0xB590] =	vst v63  }
0x9e: {  	_ =	swait.ge [sflag:s9], $0x7D0  }
0x9f: {  	[sflag:s9] =	ssyncset.done $0x0  }
0xa0: {  	s4 =	sadd.s32 $0x600, s5;
	[sflag:s9] =	ssyncadd.s32 $0xFFFFF830  }
0xa1: {  	[tilespmem:s25], [sflag:$0x5] =	stream.indirect.gather [hbm4b:s1+s17], $0x10, s4, s17, $0xb8;
	[tilespmem:$0xB590] =	vst v63  }
0xa2: {  	_ =	swait.ge [sflag:s10], $0x7D0  }
0xa3: {  	[sflag:s10] =	ssyncset.done $0x0  }
0xa4: {  	s4 =	sadd.s32 $0x680, s5;
	[sflag:s10] =	ssyncadd.s32 $0xFFFFF830  }
0xa5: {  	[tilespmem:s28], [sflag:$0x6] =	stream.indirect.gather [hbm4b:s1+s17], $0x10, s4, s17, $0xb8;
	[tilespmem:$0xB590] =	vst v63  }
0xa6: {  	_ =	swait.ge [sflag:s11], $0x7D0  }
0xa7: {  	[sflag:s11] =	ssyncset.done $0x0  }
0xa8: {  	s4 =	sadd.s32 $0x700, s5;
	[sflag:s11] =	ssyncadd.s32 $0xFFFFF830  }
0xa9: {  	[tilespmem:s30], [sflag:$0x7] =	stream.indirect.gather [hbm4b:s1+s17], $0x10, s4, s17, $0xb8;
	[tilespmem:$0xB590] =	vst v63  }
.Ltmp4:
0xaa: {  	_ = 	snop;
	(pc) =	sbr.rel .LBB2_4-.Ltmp4, $4  }
0xab: {  	_ =	swait.ge [sflag:s12], $0x7D0  }
0xac: {  	[sflag:s12] =	ssyncset.done $0x0  }
0xad: {  	s13 =	sadd.s32 $0x1000, s13;
	s5 =	sadd.s32 $0x780, s5;
	[sflag:s12] =	ssyncadd.s32 $0xFFFFF830  }
0xae: {  	[tilespmem:s2], [sflag:$0x8] =	stream.indirect.gather [hbm4b:s1+s17], $0x10, s5, s17, $0xb8;
	[tilespmem:$0xB590] =	vst v63  }
.LBB2_7:
0xaf: {  	_ =	sfence.sel $0x180000  }
0xb0: {  	[bflag:$0x0] =	sbarrier.arrive $0xFFFF  }
0xb1: {  	_ =	strace $0x9000004D  }
0xb2: {  	s0 =	stileid.u32;
	[bflag:$0x2] =	sbarrier.arrive $0xFFFF  }
0xb3: {  	p0 =	sne.s32 s0, $0x0;
	s0 =	rddreg [dreg:$0x3]  }
0xb4: {  	s0 =	sadd.s32 @!p0 $0x100000, s0  }
0xb5: {  	[sflag:s0] =	ssyncadd.tile.s32 @!p0 $0x1;
	_ =	shalt  }
.Lfunc_end2:
_tile_overlayer_lowered:
.L_overlay_start_2:
0xb6: {  	(tag) =	ssettag $0x2  }
0xb7: {  	s0 =	rddreg [dreg:$0x0];
	s2 =	stileid.u32  }
0xb8: {  	s1 =	rddreg [dreg:$0x1];
	p0 =	sne.s32 s2, $0x0  }
0xb9: {  	s3 =	rddreg [dreg:$0x2];
	[bflag:$0x3] =	sbarrier.arrive $0xFFFF;
	s2 =	simm.s32 @!p0 $0x1C11  }
0xba: {  	[timem:s3], [sflag:s2] =	dma.local @!p0 [hbm:s0], s1  }
0xbb: {  	s0 =	simm.s32 @!p0 $0x11  }
0xbc: {  	_ =	swait.ge @!p0 [sflag:s0], s1  }
0xbd: {  	s1 =	ssub.s32 @!p0 $0x0, s1;
	[sflag:s0] =	ssyncset.done @!p0 $0x0  }
0xbe: {  	[sflag:s0] =	ssyncadd.s32 @!p0 s1  }
0xbf: {  	[bflag:$0x3] =	sbarrier.arrive $0xFFFF  }
0xc0: {  	_ =	shalt  }

// kernel: kernel.9.cloned.1.call-start
scs
__scs_entry_jumppad:
0x0: {  	(pc) =	sbr.rel $0x88, $3  }
0x1: {  	(tag) =	ssettag $0x0;
	lr =	simm.s32 $0x1  }
0x2: {  	[smem:$0x3F91] =	sst lr;
	_ =	strace $0xD0000000  }
0x3: {  	_ = 	snop  }
0x4: {  	_ = 	snop  }
0x5: {  	_ = 	snop  }
0x6: {  	_ = 	snop  }
0x7: {  	_ = 	snop  }
__scs_overlays_trampoline_lowered:
0x8: {  	[smem:$0x3FA0] =	sst s0  }
0x9: {  	[smem:$0x3FA1] =	sst s1  }
0xa: {  	[smem:$0x3FA2] =	sst s2  }
0xb: {  	[smem:$0x3FA3] =	sst s3  }
0xc: {  	[smem:$0x3FA4] =	sst s4  }
0xd: {  	[smem:$0x3FA5] =	sst s5  }
0xe: {  	[smem:$0x3FA6] =	sst s6  }
0xf: {  	[smem:$0x3FA7] =	sst s7  }
0x10: {  	[smem:$0x3FA8] =	sst s8  }
0x11: {  	[smem:$0x3FA9] =	sst s9;
	s0 =	simm.s32 @!p0 $0x0  }
0x12: {  	s1 =	sld [smem:$0x3F8F];
	s0 =	simm.s32 @p0 $0x1  }
0x13: {  	[smem:$0x3FAA] =	sst s0;
	s0 =	simm.s32 @!p1 $0x0  }
0x14: {  	s2 =	sld [smem:$0x3F8E];
	s0 =	simm.s32 @p1 $0x1  }
0x15: {  	[smem:$0x3FAB] =	sst s0;
	s0 =	simm.s32 @!p2 $0x0  }
0x16: {  	s3 =	sld [smem:$0x3FDB];
	s0 =	simm.s32 @p2 $0x1  }
0x17: {  	s4 =	simm.s32 $0x1BF5;
	[smem:$0x3FAD] =	sst s0  }
0x18: {  	s0 =	sld [smem:$0x3F90];
	_ =	swait.ge [sflag:s4], $0x0  }
0x19: {  	s7 =	sld [smem:$0x3F91]  }
0x1a: {  	s8 =	sadd.s32 $0xFFFFE003, lr  }
0x1b: {  	s9 =	sadd.s32 $0xFFFFFEF7, lr;
	s5 =	simm.s32 $0xFFFFFFFF;
	p2 =	slt.u32 s8, $0xFFFFF086  }
0x1c: {  	p1 =	slt.u32 s9, $0xF7A;
	s5 =	simm.s32 @!p2 $0x0  }
0x1d: {  	s5 =	simm.s32 @p1 $0x1;
	p0 =	seq.s32 s7, s2  }
0x1e: {  	s7 =	smul.u32 @!p0 $0xF7A, s2;
	p2 =	seq.s32 @!p0 s5, $0x0  }
0x1f: {  	s9 =	smul.u32 $0xF7A, s1;
	s8 =	simm.s32 @!p0 $0x1BF5;
	p2 =	por !p2, p0  }
0x20: {  	[sflag:s8] =	ssyncset.s32 @!p0 $0xFFFFF086;
	s6 =	sadd.s32 @!p0 s3, s7;
	s7 =	simm.s32 @!p0 $0x108  }
0x21: {  	s3 =	sadd.s32 s3, s9;
	s6 =	sadd.s32 @!p0 $0x88, s6;
	s7 =	simm.s32 @p2 $0x1082  }
0x22: {  	[simem:s7], [sflag:s8] =	dma.local @!p0 [hbm:s6], $0xF7A  }
0x23: {  	s9 =	sor.u32 $0xD0000000, s2;
	s6 =	simm.s32 $0x108;
	_ =	swait.ge @!p0 [sflag:s8], $0x0  }
0x24: {  	s3 =	sadd.s32 $0x88, s3;
	s6 =	simm.s32 @!p1 $0x1082;
	[sflag:s4] =	ssyncset.s32 $0xFFFFF086  }
0x25: {  	[simem:s6], [sflag:s4] =	dma.local [hbm:s3], $0xF7A  }
0x26: {  	[smem:$0x3F91] =	sst s1;
	(tag) =	ssettag s2;
	_ =	strace s9  }
0x27: {  	s1 =	sld [smem:$0x3FA1]  }
0x28: {  	s2 =	sld [smem:$0x3FA2]  }
0x29: {  	s4 =	sld [smem:$0x3FA4]  }
0x2a: {  	p0 =	seq.s32 s5, $0x0;
	s5 =	sld [smem:$0x3FA5]  }
0x2b: {  	s6 =	sld [smem:$0x3FA6]  }
0x2c: {  	s7 =	sld [smem:$0x3FA7]  }
0x2d: {  	s3 =	simm.s32 $0x108;
	s8 =	sld [smem:$0x3FA8]  }
0x2e: {  	s3 =	simm.s32 @!p0 $0x1082;
	s9 =	sld [smem:$0x3FA9]  }
0x2f: {  	lr =	sadd.s32 s0, s3;
	s0 =	sld [smem:$0x3FA0]  }
0x30: {  	s3 =	sld [smem:$0x3FA3]  }
0x31: {  	[smem:$0x3FAC] =	sst s10  }
0x32: {  	s10 =	sld [smem:$0x3FAA];
	_ =	sdelay $0x3  }
0x33: {  	p0 =	seq.s32 s10, $0x1;
	s10 =	sld [smem:$0x3FAC];
	_ =	sdelay $0x3  }
0x34: {  	[smem:$0x3FAC] =	sst s10  }
0x35: {  	s10 =	sld [smem:$0x3FAB];
	_ =	sdelay $0x3  }
0x36: {  	p1 =	seq.s32 s10, $0x1;
	s10 =	sld [smem:$0x3FAC];
	_ =	sdelay $0x3  }
0x37: {  	[smem:$0x3FAC] =	sst s10  }
0x38: {  	s10 =	sld [smem:$0x3FAD]  }
0x39: {  	_ = 	snop;
	(pc) =	sbr.ind lr, $3  }
0x3a: {  	_ = 	snop  }
0x3b: {  	_ = 	snop  }
0x3c: {  	p2 =	seq.s32 s10, $0x1;
	s10 =	sld [smem:$0x3FAC]  }
0x3d: {  	_ =	shalt  }
0x3e: {  	_ =	shalt  }
0x3f: {  	_ =	shalt  }
0x40: {  	_ =	shalt  }
0x41: {  	_ =	shalt  }
0x42: {  	_ =	shalt  }
0x43: {  	_ =	shalt  }
0x44: {  	_ =	shalt  }
0x45: {  	_ =	shalt  }
0x46: {  	_ =	shalt  }
0x47: {  	_ =	shalt  }
0x48: {  	_ =	shalt  }
0x49: {  	_ =	shalt  }
0x4a: {  	_ =	shalt  }
0x4b: {  	_ =	shalt  }
0x4c: {  	_ =	shalt  }
0x4d: {  	_ =	shalt  }
0x4e: {  	_ =	shalt  }
0x4f: {  	_ =	shalt  }
0x50: {  	_ =	shalt  }
0x51: {  	_ =	shalt  }
0x52: {  	_ =	shalt  }
0x53: {  	_ =	shalt  }
0x54: {  	_ =	shalt  }
0x55: {  	_ =	shalt  }
0x56: {  	_ =	shalt  }
0x57: {  	_ =	shalt  }
0x58: {  	_ =	shalt  }
0x59: {  	_ =	shalt  }
0x5a: {  	_ =	shalt  }
0x5b: {  	_ =	shalt  }
0x5c: {  	_ =	shalt  }
0x5d: {  	_ =	shalt  }
0x5e: {  	_ =	shalt  }
0x5f: {  	_ =	shalt  }
0x60: {  	_ =	shalt  }
0x61: {  	_ =	shalt  }
0x62: {  	_ =	shalt  }
0x63: {  	_ =	shalt  }
0x64: {  	_ =	shalt  }
0x65: {  	_ =	shalt  }
0x66: {  	_ =	shalt  }
0x67: {  	_ =	shalt  }
0x68: {  	_ =	shalt  }
0x69: {  	_ =	shalt  }
0x6a: {  	_ =	shalt  }
0x6b: {  	_ =	shalt  }
0x6c: {  	_ =	shalt  }
0x6d: {  	_ =	shalt  }
0x6e: {  	_ =	shalt  }
0x6f: {  	_ =	shalt  }
0x70: {  	_ =	shalt  }
0x71: {  	_ =	shalt  }
0x72: {  	_ =	shalt  }
0x73: {  	_ =	shalt  }
0x74: {  	_ =	shalt  }
0x75: {  	_ =	shalt  }
0x76: {  	_ =	shalt  }
0x77: {  	_ =	shalt  }
0x78: {  	_ =	shalt  }
0x79: {  	_ =	shalt  }
0x7a: {  	_ =	shalt  }
0x7b: {  	_ =	shalt  }
0x7c: {  	_ =	shalt  }
0x7d: {  	_ =	shalt  }
0x7e: {  	_ =	shalt  }
0x7f: {  	_ =	shalt  }
0x80: {  	_ =	shalt  }
0x81: {  	_ =	shalt  }
0x82: {  	_ =	shalt  }
0x83: {  	_ =	shalt  }
0x84: {  	_ =	shalt  }
0x85: {  	_ =	shalt  }
0x86: {  	_ =	shalt  }
0x87: {  	_ =	shalt  }
.Lfunc_end0:
.L_simem_size_0:
called_computation_lowered:
.L_overlay_start_0:
0x88: {  	s2 =	sld [smem:$0x3FD9]  }
0x89: {  	s3 =	sld [smem:$0x3FFE];
	_ =	sdelay $0x1  }
0x8a: {  	s1 =	srdreg.scid  }
0x8b: {  	s0 =	sand.u32 $0x1, s1  }
0x8c: {  	s14 =	sshll.u32 s0, $0xA;
	s2 =	sadd.s32 s3, s2  }
0x8d: {  	s2 =	sadd.s32 s2, s14  }
0x8e: {  	[smem:$0x3FB8] =	sst s2  }
0x8f: {  	_ = 	snop  }
0x90: {  	s2 =	sld [smem:$0x3FD0];
	_ =	sdelay $0x2  }
0x91: {  	s15 =	simm.s32 $0xA;
	s4 =	simm.s32 $0x10  }
0x92: {  	[smem:s4], [sflag:s15] =	dma.local [hbm:s2], $0x1  }
0x93: {  	_ =	swait.eq [sflag:s15], $0x1  }
0x94: {  	[sflag:s15] =	ssyncset.done $0x0  }
0x95: {  	[sflag:s15] =	ssyncadd.s32 $0xFFFFFFFF  }
0x96: {  	s16 =	sld [smem:$0x10];
	(tm) =	ssettm $0x1  }
0x97: {  	s17 =	sld [smem:$0x3FFB];
	_ =	sdelay $0x3  }
0x98: {  	_ =	strace s17  }
0x99: {  	s3 =	sld [smem:$0x3FFC];
	_ =	sdelay $0x3  }
0x9a: {  	_ =	strace s3  }
0x9b: {  	s3 =	sld [smem:$0x3FFD];
	_ =	sdelay $0x3  }
0x9c: {  	_ =	strace s3  }
0x9d: {  	_ =	strace $0x8FFFFFFF  }
0x9e: {  	s18 =	sld [smem:$0x3FDB];
	_ =	sdelay $0x1  }
0x9f: {  	s19 =	simm.s32 $_scs_section_size  }
0xa0: {  	s5 =	simm.s32 $_size__tile_overlayer_lowered;
	s6 =	simm.s32 $_tile_overlayer_lowered  }
0xa1: {  	s22 =	simm.s32 $0x1BFF;
	s21 =	sshll.u32 s6, $0x1;
	s3 =	sadd.s32 s19, s18  }
0xa2: {  	s7 =	simm.s32 $0x0;
	s20 =	sshll.u32 s5, $0x1;
	s5 =	sadd.s32 s21, s3  }
0xa3: {  	[timem:s7], [sflag:s22] =	dma.local [hbm:s5], s20  }
0xa4: {  	_ =	swait.ge [sflag:s22], s20  }
0xa5: {  	s4 =	ssub.s32 $0x0, s20;
	[sflag:s22] =	ssyncset.done $0x0  }
0xa6: {  	[sflag:s22] =	ssyncadd.s32 s4;
	_ =	sdelay $0x1  }
0xa7: {  	s23 =	simm.s32 $0x1B8B  }
0xa8: {  	_ =	swait.ge [sflag:s23], $0x1  }
0xa9: {  	[sflag:s23] =	ssyncset.done $0x0  }
0xaa: {  	s25 =	simm.s32 $0x1B8E;
	s24 =	sld [smem:$0x3FFE];
	[sflag:s23] =	ssyncadd.s32 $0xFFFFFFFF  }
0xab: {  	s26 =	simm.s32 $execute0_lowered;
	[smem:$0x3FD2] =	sst s25  }
0xac: {  	s5 =	sshll.u32 s26, $0x1;
	_ =	strace $0x80000046;
	[dreg:$0x1] =	wrdreg $0xFFFFFFFF  }
0xad: {  	s28 =	simm.s32 $_size_execute0_lowered;
	s3 =	sadd.s32 s3, s5;
	[dreg:$0x0] =	wrdreg $0x0  }
0xae: {  	s5 =	sshll.u32 s28, $0x1;
	[dreg:$0x2] =	wrdreg s3  }
0xaf: {  	[dreg:$0x3] =	wrdreg s5  }
0xb0: {  	[dreg:$0x4] =	wrdreg $0xC0  }
0xb1: {  	_ =	task [dreg:s7], $0x5FFFF  }
0xb2: {  	[dreg:$0x1] =	wrdreg $0xFFFFFFFF  }
0xb3: {  	[dreg:$0x0] =	wrdreg $0x60  }
0xb4: {  	[dreg:$0x2] =	wrdreg s24  }
0xb5: {  	[dreg:$0x3] =	wrdreg s16  }
0xb6: {  	[dreg:$0x4] =	wrdreg $0x2FD00  }
0xb7: {  	[dreg:$0x5] =	wrdreg $0x9  }
0xb8: {  	_ =	task.clear_ibuf [dreg:s7], $0x6FFFF;
	_ =	strace $0x90000046  }
0xb9: {  	s29 =	simm.s32 $0x9;
	_ =	strace $0x80000048  }
0xba: {  	_ =	swait.ge [sflag:s29], $0x1  }
0xbb: {  	[sflag:s29] =	ssyncadd.s32 $0xFFFFFFFF  }
0xbc: {  	_ =	strace $0x90000048  }
0xbd: {  	_ =	sfence  }
0xbe: {  	s30 =	sld [smem:$0x0];
	_ =	sdelay $0x2  }
0xbf: {  	s31 =	sshll.u32 s1, $0xD;
	s1 =	sshrl.u32 s1, $0x2  }
0xc0: {  	s3 =	sand.u32 $0x4000, s31;
	s1 =	sadd.s32 s1, s30  }
0xc1: {  	s0 =	sor.u32 s3, s0;
	s1 =	sshll.u32 s1, $0x11  }
0xc2: {  	s0 =	sor.u32 s1, s0  }
0xc3: {  	s0 =	sadd.s32 $0x8F2B, s0  }
0xc4: {  	[sflag:s0] =	ssyncadd.remote.s32 $0x1  }
0xc5: {  	_ =	sfence.sel $0xFFFF  }
0xc6: {  	[dreg:$0x0] =	wrdreg $0xFFFFFFFF;
	(pc) =	sbr.abs _section_cstart, $3  }
0xc7: {  	[dreg:$0x1] =	wrdreg $0xFFFFFFFF  }
0xc8: {  	_ =	task.clear_ibuf [dreg:s7], $0x2FFFF;
	_ =	strace $0x9FFFFFFF  }
0xc9: {  	(tm) =	ssettm $0x7FFFFFFF  }
tec
execute0_lowered:
.L_overlay_start_1:
0x0: {  	(tag) =	ssettag $0x1  }
0x1: {  	s4 =	rddreg [dreg:$0x0]  }
0x2: {  	s1 =	srdreg.scid;
	s10 =	rddreg [dreg:$0x1]  }
0x3: {  	s0 =	stileid.u32;
	s2 =	rddreg [dreg:$0x2];
	s3 =	simm.s32 $0x0  }
0x4: {  	s14 =	simm.s32 $0x7D;
	s15 =	simm.s32 $0x1;
	s5 =	sand.u32 $0x1, s1  }
0x5: {  	s26 =	sshll.u32 s0, $0x1;
	s1 =	rddreg [dreg:$0x3];
	s7 =	smul.u32 $0x9C40, s0  }
0x6: {  	[smem:$0x7FF] =	sst s3;
	s8 =	smul.u32 $0x2710, s0;
	s16 =	sshll.u32 s0, $0x6  }
0x7: {  	s6 =	sor.u32 s5, s26;
	_ =	strace $0x80000047;
	s12 =	smul.u32 $0x27100, s5  }
0x8: {  	s28 =	ssub.s32 $0x2, s5;
	s6 =	smul.u32 $0x500, s6;
	s29 =	sshrl.u32 s7, $0x2  }
0x9: {  	s16 =	sor.u32 $0x1C02, s16;
	s30 =	sshrl.u32 s28, $0x1;
	s11 =	sadd.s32 s29, s2  }
0xa: {  	s13 =	ssub.s32 s28, s30;
	s12 =	sadd.s32 s8, s12;
	s9 =	sadd.s32 s6, s4  }
0xb: {  	s4 =	sadd.s32 s8, s2;
	s5 =	sadd.s32 $0x7D0, s11;
	s6 =	sadd.s32 $0xFA0, s11  }
0xc: {  	s7 =	sadd.s32 $0x1770, s11;
	s8 =	sadd.s32 $0x1F40, s11;
	s31 =	sshrl.u32 s12, $0x3  }
0xd: {  	s11 =	smax.u32 s13, $0x1;
	s12 =	simm.s32 $0x2800;
	s13 =	simm.s32 $0x2  }
0xe: {  	v0 =	vimm.f32 $0.0e+00;
	v1 =	vimm.f32 $1.000000000e+00;
	s9 =	sadd.s32 $0x3600, s9;
	s10 =	sadd.s32 s10, s31;
	s17 =	sshrl.u32 s4, $0x3  }
.LBB2_1:
0xf: {  	s18 =	simm.s32 $0x40;
	s19 =	simm.s32 $0x0  }
.LBB2_2:
0x10: {  	p0 =	sne.s32 s18, $0x1F00;
	[tilespmem:s19+$0x2800] =	vst v0;
	s19 =	smov.u32 s18;
	s18 =	sadd.s32 $0x40, s18  }
.Ltmp0:
0x11: {  	(pc) =	sbr.rel @p0 .LBB2_2-.Ltmp0, $2  }
0x12: {  	_ =	sdelay $0x2  }
0x13: {  	s19 =	sshra.s32 s19, $0x2  }
0x14: {  	[tilespmem:s19+$0x2800] =	vst v0  }
0x15: {  	[spmem:s4] =	stream.linear.scatter [tilespmem:s12], [sflag:$0x2], $0x7D0, $0x38;
	[tilespmem:$0x56E0] =	vst v63  }
0x16: {  	_ =	swait.ge [sflag:s13], $0x7D0  }
0x17: {  	[sflag:s13] =	ssyncset.done $0x0  }
0x18: {  	[sflag:s13] =	ssyncadd.s32 $0xFFFFF830  }
0x19: {  	[spmem:s5] =	stream.linear.scatter [tilespmem:s12], [sflag:$0x2], $0x7D0, $0x38;
	[tilespmem:$0x56E0] =	vst v63  }
0x1a: {  	_ =	swait.ge [sflag:s13], $0x7D0  }
0x1b: {  	[sflag:s13] =	ssyncset.done $0x0  }
0x1c: {  	[sflag:s13] =	ssyncadd.s32 $0xFFFFF830  }
0x1d: {  	[spmem:s6] =	stream.linear.scatter [tilespmem:s12], [sflag:$0x2], $0x7D0, $0x38;
	[tilespmem:$0x56E0] =	vst v63  }
0x1e: {  	_ =	swait.ge [sflag:s13], $0x7D0  }
0x1f: {  	[sflag:s13] =	ssyncset.done $0x0  }
0x20: {  	[sflag:s13] =	ssyncadd.s32 $0xFFFFF830  }
0x21: {  	[spmem:s7] =	stream.linear.scatter [tilespmem:s12], [sflag:$0x2], $0x7D0, $0x38;
	[tilespmem:$0x56E0] =	vst v63  }
0x22: {  	_ =	swait.ge [sflag:s13], $0x7D0  }
0x23: {  	[sflag:s13] =	ssyncset.done $0x0  }
0x24: {  	[sflag:s13] =	ssyncadd.s32 $0xFFFFF830  }
0x25: {  	[spmem:s8] =	stream.linear.scatter [tilespmem:s12], [sflag:$0x2], $0x7D0, $0x38;
	[tilespmem:$0x56E0] =	vst v63  }
0x26: {  	_ =	swait.ge [sflag:s13], $0x7D0  }
0x27: {  	[sflag:s13] =	ssyncset.done $0x0  }
0x28: {  	[sflag:s13] =	ssyncadd.s32 $0xFFFFF830  }
0x29: {  	s18 =	simm.s32 $0x0;
	[bflag:$0x0] =	sbarrier.arrive $0xFFFF  }
0x2a: {  	[tilespmem:s18], [sflag:$0x2] =	stream.linear.gather [hbm4b:s9+s18], $0x2800, $0x38;
	[tilespmem:$0x56E0] =	vst v63  }
0x2b: {  	_ =	swait.ge [sflag:s13], $0x2800  }
0x2c: {  	[sflag:s13] =	ssyncset.done $0x0  }
0x2d: {  	s19 =	simm.s32 $0x0;
	s18 =	simm.s32 $0x40;
	[sflag:s13] =	ssyncadd.s32 $0xFFFFD800  }
.LBB2_4:
0x2e: {  	p0 =	sne.s32 s18, $0x1F00;
	[tilespmem:s19+$0x2800] =	vst v1;
	s19 =	smov.u32 s18;
	s18 =	sadd.s32 $0x40, s18  }
.Ltmp1:
0x2f: {  	(pc) =	sbr.rel @p0 .LBB2_4-.Ltmp1, $2  }
0x30: {  	_ =	sdelay $0x2  }
0x31: {  	s19 =	sshra.s32 s19, $0x2  }
0x32: {  	[tilespmem:s19+$0x2800] =	vst v1;
	s18 =	simm.s32 $0x0  }
0x33: {  	[spmem:s2] =	stream.indirect.scatter.add.f32 [tilespmem:s12], [sflag:$0x1], $0x10, s18, s14, $0xb8;
	[tilespmem:$0x56E0] =	vst v63  }
0x34: {  	s24 =	simm.s32 $0x80  }
0x35: {  	[spmem:s2] =	stream.indirect.scatter.add.f32 [tilespmem:s12], [sflag:$0x1], $0x10, s24, s14, $0xb8;
	[tilespmem:$0x56E0] =	vst v63  }
0x36: {  	s25 =	simm.s32 $0x100  }
0x37: {  	[spmem:s2] =	stream.indirect.scatter.add.f32 [tilespmem:s12], [sflag:$0x1], $0x10, s25, s14, $0xb8;
	[tilespmem:$0x56E0] =	vst v63  }
0x38: {  	s26 =	simm.s32 $0x180  }
0x39: {  	[spmem:s2] =	stream.indirect.scatter.add.f32 [tilespmem:s12], [sflag:$0x1], $0x10, s26, s14, $0xb8;
	[tilespmem:$0x56E0] =	vst v63  }
0x3a: {  	s28 =	simm.s32 $0x200  }
0x3b: {  	[spmem:s2] =	stream.indirect.scatter.add.f32 [tilespmem:s12], [sflag:$0x1], $0x10, s28, s14, $0xb8;
	[tilespmem:$0x56E0] =	vst v63  }
0x3c: {  	s29 =	simm.s32 $0x280  }
0x3d: {  	[spmem:s2] =	stream.indirect.scatter.add.f32 [tilespmem:s12], [sflag:$0x1], $0x10, s29, s14, $0xb8;
	[tilespmem:$0x56E0] =	vst v63  }
0x3e: {  	s30 =	simm.s32 $0x300  }
0x3f: {  	[spmem:s2] =	stream.indirect.scatter.add.f32 [tilespmem:s12], [sflag:$0x1], $0x10, s30, s14, $0xb8;
	[tilespmem:$0x56E0] =	vst v63  }
0x40: {  	s31 =	simm.s32 $0x380  }
0x41: {  	[spmem:s2] =	stream.indirect.scatter.add.f32 [tilespmem:s12], [sflag:$0x1], $0x10, s31, s14, $0xb8;
	[tilespmem:$0x56E0] =	vst v63  }
0x42: {  	_ =	swait.ge [sflag:s15], $0x7D0  }
0x43: {  	[sflag:s15] =	ssyncset.done $0x0  }
0x44: {  	[sflag:s15] =	ssyncadd.s32 $0xFFFFF830  }
0x45: {  	_ =	swait.ge [sflag:s15], $0x7D0  }
0x46: {  	[sflag:s15] =	ssyncset.done $0x0  }
0x47: {  	[sflag:s15] =	ssyncadd.s32 $0xFFFFF830  }
0x48: {  	_ =	swait.ge [sflag:s15], $0x7D0  }
0x49: {  	[sflag:s15] =	ssyncset.done $0x0  }
0x4a: {  	[sflag:s15] =	ssyncadd.s32 $0xFFFFF830  }
0x4b: {  	_ =	swait.ge [sflag:s15], $0x7D0  }
0x4c: {  	[sflag:s15] =	ssyncset.done $0x0  }
0x4d: {  	[sflag:s15] =	ssyncadd.s32 $0xFFFFF830  }
0x4e: {  	_ =	swait.ge [sflag:s15], $0x7D0  }
0x4f: {  	[sflag:s15] =	ssyncset.done $0x0  }
0x50: {  	[sflag:s15] =	ssyncadd.s32 $0xFFFFF830  }
0x51: {  	_ =	swait.ge [sflag:s15], $0x7D0  }
0x52: {  	[sflag:s15] =	ssyncset.done $0x0  }
0x53: {  	[sflag:s15] =	ssyncadd.s32 $0xFFFFF830  }
0x54: {  	_ =	swait.ge [sflag:s15], $0x7D0  }
0x55: {  	[sflag:s15] =	ssyncset.done $0x0  }
0x56: {  	[sflag:s15] =	ssyncadd.s32 $0xFFFFF830  }
0x57: {  	_ =	swait.ge [sflag:s15], $0x7D0  }
0x58: {  	s20 =	simm.s32 $0x2000;
	s18 =	simm.s32 $0x1000;
	[sflag:s15] =	ssyncset.done $0x0  }
.LBB2_6:
0x59: {  	s21 =	sshra.s32 s18, $0x2  }
0x5a: {  	[sflag:s15] =	ssyncadd.s32 $0xFFFFF830;
	s18 =	smov.u32 s20;
	s19 =	sadd.s32 $0x1000, s20  }
0x5b: {  	[spmem:s2] =	stream.indirect.scatter.add.f32 [tilespmem:s12], [sflag:$0x1], $0x10, s21, s14, $0xb8;
	[tilespmem:$0x56E0] =	vst v63  }
0x5c: {  	p0 =	sne.s32 s20, $0x9000;
	s20 =	sadd.s32 $0x80, s21  }
0x5d: {  	[spmem:s2] =	stream.indirect.scatter.add.f32 [tilespmem:s12], [sflag:$0x1], $0x10, s20, s14, $0xb8;
	[tilespmem:$0x56E0] =	vst v63  }
0x5e: {  	s20 =	sadd.s32 $0x100, s21  }
0x5f: {  	[spmem:s2] =	stream.indirect.scatter.add.f32 [tilespmem:s12], [sflag:$0x1], $0x10, s20, s14, $0xb8;
	[tilespmem:$0x56E0] =	vst v63  }
0x60: {  	s20 =	sadd.s32 $0x180, s21  }
0x61: {  	[spmem:s2] =	stream.indirect.scatter.add.f32 [tilespmem:s12], [sflag:$0x1], $0x10, s20, s14, $0xb8;
	[tilespmem:$0x56E0] =	vst v63  }
0x62: {  	s20 =	sadd.s32 $0x200, s21  }
0x63: {  	[spmem:s2] =	stream.indirect.scatter.add.f32 [tilespmem:s12], [sflag:$0x1], $0x10, s20, s14, $0xb8;
	[tilespmem:$0x56E0] =	vst v63  }
0x64: {  	s20 =	sadd.s32 $0x280, s21  }
0x65: {  	[spmem:s2] =	stream.indirect.scatter.add.f32 [tilespmem:s12], [sflag:$0x1], $0x10, s20, s14, $0xb8;
	[tilespmem:$0x56E0] =	vst v63  }
0x66: {  	s20 =	sadd.s32 $0x300, s21  }
0x67: {  	[spmem:s2] =	stream.indirect.scatter.add.f32 [tilespmem:s12], [sflag:$0x1], $0x10, s20, s14, $0xb8;
	[tilespmem:$0x56E0] =	vst v63  }
0x68: {  	s20 =	sadd.s32 $0x380, s21  }
0x69: {  	[spmem:s2] =	stream.indirect.scatter.add.f32 [tilespmem:s12], [sflag:$0x1], $0x10, s20, s14, $0xb8;
	[tilespmem:$0x56E0] =	vst v63  }
0x6a: {  	_ =	swait.ge [sflag:s15], $0x7D0  }
0x6b: {  	[sflag:s15] =	ssyncset.done $0x0  }
0x6c: {  	[sflag:s15] =	ssyncadd.s32 $0xFFFFF830  }
0x6d: {  	_ =	swait.ge [sflag:s15], $0x7D0  }
0x6e: {  	[sflag:s15] =	ssyncset.done $0x0  }
0x6f: {  	[sflag:s15] =	ssyncadd.s32 $0xFFFFF830  }
0x70: {  	_ =	swait.ge [sflag:s15], $0x7D0  }
0x71: {  	[sflag:s15] =	ssyncset.done $0x0  }
0x72: {  	[sflag:s15] =	ssyncadd.s32 $0xFFFFF830  }
0x73: {  	_ =	swait.ge [sflag:s15], $0x7D0  }
0x74: {  	[sflag:s15] =	ssyncset.done $0x0  }
0x75: {  	[sflag:s15] =	ssyncadd.s32 $0xFFFFF830  }
0x76: {  	_ =	swait.ge [sflag:s15], $0x7D0  }
0x77: {  	[sflag:s15] =	ssyncset.done $0x0  }
0x78: {  	[sflag:s15] =	ssyncadd.s32 $0xFFFFF830  }
0x79: {  	_ =	swait.ge [sflag:s15], $0x7D0  }
0x7a: {  	[sflag:s15] =	ssyncset.done $0x0  }
0x7b: {  	[sflag:s15] =	ssyncadd.s32 $0xFFFFF830  }
.Ltmp2:
0x7c: {  	_ =	swait.ge [sflag:s15], $0x7D0;
	(pc) =	sbr.rel @p0 .LBB2_6-.Ltmp2, $4  }
0x7d: {  	[sflag:s15] =	ssyncset.done $0x0  }
0x7e: {  	[sflag:s15] =	ssyncadd.s32 $0xFFFFF830  }
0x7f: {  	_ =	swait.ge [sflag:s15], $0x7D0  }
0x80: {  	s20 =	smov.u32 s19;
	[sflag:s15] =	ssyncset.done $0x0  }
0x81: {  	s18 =	sshra.s32 s18, $0x2;
	[sflag:s15] =	ssyncadd.s32 $0xFFFFF830  }
0x82: {  	[spmem:s2] =	stream.indirect.scatter.add.f32 [tilespmem:s12], [sflag:$0x1], $0x10, s18, s14, $0xb8;
	[tilespmem:$0x56E0] =	vst v63  }
0x83: {  	s19 =	sadd.s32 $0x80, s18  }
0x84: {  	[spmem:s2] =	stream.indirect.scatter.add.f32 [tilespmem:s12], [sflag:$0x1], $0x10, s19, s14, $0xb8;
	[tilespmem:$0x56E0] =	vst v63  }
0x85: {  	s26 =	sadd.s32 $0x100, s18  }
0x86: {  	[spmem:s2] =	stream.indirect.scatter.add.f32 [tilespmem:s12], [sflag:$0x1], $0x10, s26, s14, $0xb8;
	[tilespmem:$0x56E0] =	vst v63  }
0x87: {  	s28 =	sadd.s32 $0x180, s18  }
0x88: {  	[spmem:s2] =	stream.indirect.scatter.add.f32 [tilespmem:s12], [sflag:$0x1], $0x10, s28, s14, $0xb8;
	[tilespmem:$0x56E0] =	vst v63  }
0x89: {  	s29 =	sadd.s32 $0x200, s18  }
0x8a: {  	[spmem:s2] =	stream.indirect.scatter.add.f32 [tilespmem:s12], [sflag:$0x1], $0x10, s29, s14, $0xb8;
	[tilespmem:$0x56E0] =	vst v63  }
0x8b: {  	s30 =	sadd.s32 $0x280, s18  }
0x8c: {  	[spmem:s2] =	stream.indirect.scatter.add.f32 [tilespmem:s12], [sflag:$0x1], $0x10, s30, s14, $0xb8;
	[tilespmem:$0x56E0] =	vst v63  }
0x8d: {  	s31 =	sadd.s32 $0x300, s18  }
0x8e: {  	[spmem:s2] =	stream.indirect.scatter.add.f32 [tilespmem:s12], [sflag:$0x1], $0x10, s31, s14, $0xb8;
	[tilespmem:$0x56E0] =	vst v63  }
0x8f: {  	s18 =	sadd.s32 $0x380, s18  }
0x90: {  	[spmem:s2] =	stream.indirect.scatter.add.f32 [tilespmem:s12], [sflag:$0x1], $0x10, s18, s14, $0xb8;
	[tilespmem:$0x56E0] =	vst v63  }
0x91: {  	_ =	swait.ge [sflag:s15], $0x7D0  }
0x92: {  	[sflag:s15] =	ssyncset.done $0x0  }
0x93: {  	[sflag:s15] =	ssyncadd.s32 $0xFFFFF830  }
0x94: {  	_ =	swait.ge [sflag:s15], $0x7D0  }
0x95: {  	[sflag:s15] =	ssyncset.done $0x0  }
0x96: {  	[sflag:s15] =	ssyncadd.s32 $0xFFFFF830  }
0x97: {  	_ =	swait.ge [sflag:s15], $0x7D0  }
0x98: {  	[sflag:s15] =	ssyncset.done $0x0  }
0x99: {  	[sflag:s15] =	ssyncadd.s32 $0xFFFFF830  }
0x9a: {  	_ =	swait.ge [sflag:s15], $0x7D0  }
0x9b: {  	[sflag:s15] =	ssyncset.done $0x0  }
0x9c: {  	[sflag:s15] =	ssyncadd.s32 $0xFFFFF830  }
0x9d: {  	_ =	swait.ge [sflag:s15], $0x7D0  }
0x9e: {  	[sflag:s15] =	ssyncset.done $0x0  }
0x9f: {  	[sflag:s15] =	ssyncadd.s32 $0xFFFFF830  }
0xa0: {  	_ =	swait.ge [sflag:s15], $0x7D0  }
0xa1: {  	[sflag:s15] =	ssyncset.done $0x0  }
0xa2: {  	[sflag:s15] =	ssyncadd.s32 $0xFFFFF830  }
0xa3: {  	_ =	swait.ge [sflag:s15], $0x7D0  }
0xa4: {  	[sflag:s15] =	ssyncset.done $0x0  }
0xa5: {  	[sflag:s15] =	ssyncadd.s32 $0xFFFFF830  }
0xa6: {  	_ =	swait.ge [sflag:s15], $0x7D0  }
0xa7: {  	s3 =	sadd.s32 $0x1, s3;
	[sflag:s15] =	ssyncset.done $0x0  }
0xa8: {  	p0 =	sne.s32 s3, s11;
	[sflag:s15] =	ssyncadd.s32 $0xFFFFF830  }
.Ltmp3:
0xa9: {  	[bflag:$0x0] =	sbarrier.arrive $0xFFFF;
	(pc) =	sbr.rel @p0 .LBB2_1-.Ltmp3, $4  }
0xaa: {  	[hbm:s10], [sflag:s16] =	dma.local [spmem:s17], $0x4E2  }
0xab: {  	_ =	swait.ge [sflag:s13], $0x4E2  }
0xac: {  	[sflag:s13] =	ssyncset.done $0x0  }
0xad: {  	[sflag:s13] =	ssyncadd.s32 $0xFFFFFB1E  }
0xae: {  	_ =	sfence.sel $0x180000  }
0xaf: {  	[bflag:$0x0] =	sbarrier.arrive $0xFFFF  }
0xb0: {  	p0 =	sne.s32 s0, $0x0;
	_ =	strace $0x90000047  }
0xb1: {  	s0 =	sadd.s32 @!p0 $0x100000, s1;
	[bflag:$0x2] =	sbarrier.arrive $0xFFFF  }
0xb2: {  	[sflag:s0] =	ssyncadd.tile.s32 @!p0 $0x1;
	_ =	shalt  }
.Lfunc_end2:
_tile_overlayer_lowered:
.L_overlay_start_2:
0xb3: {  	(tag) =	ssettag $0x2  }
0xb4: {  	s0 =	rddreg [dreg:$0x0];
	s2 =	stileid.u32  }
0xb5: {  	s1 =	rddreg [dreg:$0x1];
	p0 =	sne.s32 s2, $0x0  }
0xb6: {  	s3 =	rddreg [dreg:$0x2];
	[bflag:$0x3] =	sbarrier.arrive $0xFFFF;
	s2 =	simm.s32 @!p0 $0x1C02  }
0xb7: {  	[timem:s3], [sflag:s2] =	dma.local @!p0 [hbm:s0], s1  }
0xb8: {  	s0 =	simm.s32 @!p0 $0x2  }
0xb9: {  	_ =	swait.ge @!p0 [sflag:s0], s1  }
0xba: {  	s1 =	ssub.s32 @!p0 $0x0, s1;
	[sflag:s0] =	ssyncset.done @!p0 $0x0  }
0xbb: {  	[sflag:s0] =	ssyncadd.s32 @!p0 s1  }
0xbc: {  	[bflag:$0x3] =	sbarrier.arrive $0xFFFF  }
0xbd: {  	_ =	shalt  }

</sc_bundles>
